<compile_context>
chip_gen: v7x
topology: tpu7x:2x2x1
jax: 0.10.2.dev20260603
libtpu: 0.0.44.dev20260713+nightly
codegen_flags: <defaults>
</compile_context>

<pallas_src>
import functools

import jax
import jax.numpy as jnp
from jax import lax
from jax.experimental import pallas as pl
from jax.experimental.pallas import tpu as pltpu
from jax.experimental.pallas import tpu_sc as plsc

VOCAB = 1000000
EMBED_DIM = 16
BATCH = 16384
HIST = 200

NC, NS, L = 2, 16, 16
NW = NC * NS
SPW = BATCH // NW
CHUNK = 16
NCHUNK = SPW // CHUNK
IDX_PER_CHUNK = CHUNK * HIST
DMA_IDX = 128
NDMA = IDX_PER_CHUNK // DMA_IDX

_ROUND_MAGIC = 12582912.0


def _body(table_hbm, xflat_hbm, w_hbm, b_hbm, out_hbm,
          idx_v, rows_v, w_v, b_v, pooled_t, out_v, sem_g, sem_i):
    wid = lax.axis_index("c") * NS + lax.axis_index("s")
    base_idx = wid * (SPW * HIST)

    pltpu.sync_copy(w_hbm, w_v)
    pltpu.sync_copy(b_hbm, b_v)
    wrows = [w_v[d, :] for d in range(EMBED_DIM)]
    bv = b_v[0, :]
    lanes = lax.iota(jnp.int32, L)
    zero = jnp.zeros((L,), jnp.float32)

    def chunk_body(g, carry):
        pltpu.async_copy(
            xflat_hbm.at[pl.ds(base_idx + g * IDX_PER_CHUNK, IDX_PER_CHUNK)],
            idx_v, sem_i).wait()
        cps = [
            pltpu.async_copy(
                table_hbm.at[idx_v.at[pl.ds(d * DMA_IDX, DMA_IDX)]],
                rows_v.at[pl.ds(d * DMA_IDX, DMA_IDX)],
                sem_g)
            for d in range(NDMA)
        ]
        for cp in cps:
            cp.wait()

        for s in range(CHUNK):
            row0 = s * HIST

            def red(k, accs):
                a0, a1, a2, a3 = accs
                i = row0 + k * 8
                a0 = a0 + rows_v[i, :] + rows_v[i + 4, :]
                a1 = a1 + rows_v[i + 1, :] + rows_v[i + 5, :]
                a2 = a2 + rows_v[i + 2, :] + rows_v[i + 6, :]
                a3 = a3 + rows_v[i + 3, :] + rows_v[i + 7, :]
                return (a0, a1, a2, a3)

            a0, a1, a2, a3 = lax.fori_loop(
                0, HIST // 8, red, (zero, zero, zero, zero))
            acc = (a0 + a1) + (a2 + a3)
            plsc.store_scatter(
                pooled_t, [lanes, jnp.full((L,), s, jnp.int32)], acc)

        z0, z1, z2, z3 = zero, zero, zero, zero
        for d in range(0, EMBED_DIM, 4):
            z0 = z0 + pooled_t[d, :] * wrows[d]
            z1 = z1 + pooled_t[d + 1, :] * wrows[d + 1]
            z2 = z2 + pooled_t[d + 2, :] * wrows[d + 2]
            z3 = z3 + pooled_t[d + 3, :] * wrows[d + 3]
        zv = (z0 + z1) + (z2 + z3)

        zv = zv * (1.0 / HIST) + bv
        y = 1.0 / (1.0 + jnp.exp(-zv))
        t = y * 1e4
        r = (t + _ROUND_MAGIC) - _ROUND_MAGIC
        out_v[g, :] = r * 1e-4
        return carry

    lax.fori_loop(0, NCHUNK, chunk_body, 0)
    pltpu.sync_copy(out_v, out_hbm.at[pl.ds(wid * NCHUNK, NCHUNK)])


@functools.partial(
    pl.kernel,
    out_type=jax.ShapeDtypeStruct((BATCH // L, L), jnp.float32),
    mesh=plsc.VectorSubcoreMesh(core_axis_name="c", subcore_axis_name="s"),
    scratch_types=[
        pltpu.VMEM((IDX_PER_CHUNK,), jnp.int32),
        pltpu.VMEM((IDX_PER_CHUNK, EMBED_DIM), jnp.float32),
        pltpu.VMEM((EMBED_DIM, L), jnp.float32),
        pltpu.VMEM((1, L), jnp.float32),
        pltpu.VMEM((EMBED_DIM, CHUNK), jnp.float32),
        pltpu.VMEM((NCHUNK, L), jnp.float32),
        pltpu.SemaphoreType.DMA,
        pltpu.SemaphoreType.DMA,
    ],
    compiler_params=pltpu.CompilerParams(
        needs_layout_passes=False, use_tc_tiling_on_sc=False),
)
def _embedding_bag_sc(table_hbm, xflat_hbm, w_hbm, b_hbm, out_hbm,
                      idx_v, rows_v, w_v, b_v, pooled_t, out_v, sem_g, sem_i):
    _body(table_hbm, xflat_hbm, w_hbm, b_hbm, out_hbm,
          idx_v, rows_v, w_v, b_v, pooled_t, out_v, sem_g, sem_i)


@jax.jit
def kernel(x, table, W, b):
    xflat = x.reshape(-1).astype(jnp.int32)
    wb = jnp.broadcast_to(W.reshape(EMBED_DIM, 1), (EMBED_DIM, L))
    out = _embedding_bag_sc(table, xflat, wb,
                            jnp.broadcast_to(b.reshape(1, 1), (1, L)))
    return out.reshape(BATCH, 1)

# --- scband reference (transcript-rebuilt; emitter-appended) ---
"""Pipeline reference for scband-solution-61478161875401 (READ-ONLY COPY).

The authoritative reference and input builder live on the scoring server;
editing this copy changes nothing except your own understanding.
"""

import jax, jax.numpy as jnp
import numpy as np

VOCAB = 1000000
EMBED_DIM = 16
BATCH = 16384
HIST = 200

def setup_inputs(seed: int = 0) -> dict:
    key = jax.random.key(seed)
    k1, k2, k3, k4 = jax.random.split(key, 4)
    x = jax.random.randint(k1, (BATCH, HIST), 0, VOCAB)
    table = jax.random.normal(k2, (VOCAB, EMBED_DIM), dtype=jnp.float32)
    W = jax.random.normal(k3, (1, EMBED_DIM), dtype=jnp.float32) * 0.25
    b = jax.random.normal(k4, (1,), dtype=jnp.float32) * 0.1
    return {"x": x, "table": table, "W": W, "b": b}

def reference(x, table, W, b):
    # nn.EmbeddingBag default mode='mean': gather then mean over bag dim
    emb = jnp.take(table, x, axis=0)          # [B, L, D]
    pooled = jnp.mean(emb, axis=1)            # [B, D]
    out = pooled @ W.T + b                    # Linear(16, 1) -> [B, 1]
    out = jax.nn.sigmoid(out)
    return jnp.round(out, decimals=4)

if __name__ == "__main__":
    import jax
    _d = setup_inputs()
    print(jax.jit(kernel)(*tuple(_d.values())))

</pallas_src>

<mosaic_0001>
#map = affine_map<(d0, d1) -> (0, 0)>
#map1 = affine_map<(d0, d1) -> (0)>
module attributes {stable_mosaic.version = 14 : i64} {
  func.func @_embedding_bag_sc(%arg0: i32, %arg1: i32, %arg2: memref<1000000x16xf32, #tpu.memory_space<hbm>>, %arg3: memref<3276800xi32, #tpu.memory_space<hbm>>, %arg4: memref<16x16xf32, #tpu.memory_space<hbm>>, %arg5: memref<1x16xf32, #tpu.memory_space<hbm>>, %arg6: memref<1024x16xf32, #tpu.memory_space<hbm>>, %arg7: memref<3200xi32, #tpu.memory_space<vmem>>, %arg8: memref<3200x16xf32, #tpu.memory_space<vmem>>, %arg9: memref<16x16xf32, #tpu.memory_space<vmem>>, %arg10: memref<1x16xf32, #tpu.memory_space<vmem>>, %arg11: memref<16x16xf32, #tpu.memory_space<vmem>>, %arg12: memref<32x16xf32, #tpu.memory_space<vmem>>, %arg13: memref<!tpu.dma_semaphore, #tpu.memory_space<semaphore_mem>>, %arg14: memref<!tpu.dma_semaphore, #tpu.memory_space<semaphore_mem>>) attributes {dimension_semantics = [#tpu.dimension_semantics<core_parallel>, #tpu.dimension_semantics<subcore_parallel>], iteration_bounds = array<i64: 2, 16>, scalar_prefetch = 0 : i64, scratch_operands = 8 : i64, tpu.core_type = #tpu.core_type<sc_vector_subcore>, window_params = [{transform_indices = #map}, {transform_indices = #map1}, {transform_indices = #map}, {transform_indices = #map}, {transform_indices = #map}]} {
    %mul3A = arith.constant 16 : i32
    %mul3A_0 = arith.muli %arg0, %mul3A : i32
    %add3A = arith.addi %mul3A_0, %arg1 : i32
    %mul3A_1 = arith.constant 102400 : i32
    %mul3A_2 = arith.muli %add3A, %mul3A_1 : i32
    "tpu.region"() ({
      %run_scoped3A = tpu.sem_alloc : memref<!tpu.dma_semaphore, #tpu.memory_space<semaphore_mem>>
      tpu.enqueue_dma source(%arg4 : memref<16x16xf32, #tpu.memory_space<hbm>>) target(%arg9 : memref<16x16xf32, #tpu.memory_space<vmem>>) target_semaphore(%run_scoped3A : memref<!tpu.dma_semaphore, #tpu.memory_space<semaphore_mem>>)
      tpu.wait_dma2 semaphore(%run_scoped3A : memref<!tpu.dma_semaphore, #tpu.memory_space<semaphore_mem>>) src(%arg4 : memref<16x16xf32, #tpu.memory_space<hbm>>) dst(%arg9 : memref<16x16xf32, #tpu.memory_space<vmem>>)
      tpu.yield
    }) : () -> ()
    "tpu.region"() ({
      %run_scoped3A = tpu.sem_alloc : memref<!tpu.dma_semaphore, #tpu.memory_space<semaphore_mem>>
      tpu.enqueue_dma source(%arg5 : memref<1x16xf32, #tpu.memory_space<hbm>>) target(%arg10 : memref<1x16xf32, #tpu.memory_space<vmem>>) target_semaphore(%run_scoped3A : memref<!tpu.dma_semaphore, #tpu.memory_space<semaphore_mem>>)
      tpu.wait_dma2 semaphore(%run_scoped3A : memref<!tpu.dma_semaphore, #tpu.memory_space<semaphore_mem>>) src(%arg5 : memref<1x16xf32, #tpu.memory_space<hbm>>) dst(%arg10 : memref<1x16xf32, #tpu.memory_space<vmem>>)
      tpu.yield
    }) : () -> ()
    %get3A = arith.constant 0 : i32
    %get3A_3 = arith.index_cast %get3A : i32 to index
    %get3A_4 = arith.constant 0 : index
    %get3A_5 = tpu.vector_load %arg9[%get3A_3, %get3A_4] {strides = array<i32>} : memref<16x16xf32, #tpu.memory_space<vmem>>, vector<16xf32>,
    %get3A_6 = arith.constant 1 : i32
    %get3A_7 = arith.index_cast %get3A_6 : i32 to index
    %get3A_8 = arith.constant 0 : index
    %get3A_9 = tpu.vector_load %arg9[%get3A_7, %get3A_8] {strides = array<i32>} : memref<16x16xf32, #tpu.memory_space<vmem>>, vector<16xf32>,
    %get3A_10 = arith.constant 2 : i32
    %get3A_11 = arith.index_cast %get3A_10 : i32 to index
    %get3A_12 = arith.constant 0 : index
    %get3A_13 = tpu.vector_load %arg9[%get3A_11, %get3A_12] {strides = array<i32>} : memref<16x16xf32, #tpu.memory_space<vmem>>, vector<16xf32>,
    %get3A_14 = arith.constant 3 : i32
    %get3A_15 = arith.index_cast %get3A_14 : i32 to index
    %get3A_16 = arith.constant 0 : index
    %get3A_17 = tpu.vector_load %arg9[%get3A_15, %get3A_16] {strides = array<i32>} : memref<16x16xf32, #tpu.memory_space<vmem>>, vector<16xf32>,
    %get3A_18 = arith.constant 4 : i32
    %get3A_19 = arith.index_cast %get3A_18 : i32 to index
    %get3A_20 = arith.constant 0 : index
    %get3A_21 = tpu.vector_load %arg9[%get3A_19, %get3A_20] {strides = array<i32>} : memref<16x16xf32, #tpu.memory_space<vmem>>, vector<16xf32>,
    %get3A_22 = arith.constant 5 : i32
    %get3A_23 = arith.index_cast %get3A_22 : i32 to index
    %get3A_24 = arith.constant 0 : index
    %get3A_25 = tpu.vector_load %arg9[%get3A_23, %get3A_24] {strides = array<i32>} : memref<16x16xf32, #tpu.memory_space<vmem>>, vector<16xf32>,
    %get3A_26 = arith.constant 6 : i32
    %get3A_27 = arith.index_cast %get3A_26 : i32 to index
    %get3A_28 = arith.constant 0 : index
    %get3A_29 = tpu.vector_load %arg9[%get3A_27, %get3A_28] {strides = array<i32>} : memref<16x16xf32, #tpu.memory_space<vmem>>, vector<16xf32>,
    %get3A_30 = arith.constant 7 : i32
    %get3A_31 = arith.index_cast %get3A_30 : i32 to index
    %get3A_32 = arith.constant 0 : index
    %get3A_33 = tpu.vector_load %arg9[%get3A_31, %get3A_32] {strides = array<i32>} : memref<16x16xf32, #tpu.memory_space<vmem>>, vector<16xf32>,
    %get3A_34 = arith.constant 8 : i32
    %get3A_35 = arith.index_cast %get3A_34 : i32 to index
    %get3A_36 = arith.constant 0 : index
    %get3A_37 = tpu.vector_load %arg9[%get3A_35, %get3A_36] {strides = array<i32>} : memref<16x16xf32, #tpu.memory_space<vmem>>, vector<16xf32>,
    %get3A_38 = arith.constant 9 : i32
    %get3A_39 = arith.index_cast %get3A_38 : i32 to index
    %get3A_40 = arith.constant 0 : index
    %get3A_41 = tpu.vector_load %arg9[%get3A_39, %get3A_40] {strides = array<i32>} : memref<16x16xf32, #tpu.memory_space<vmem>>, vector<16xf32>,
    %get3A_42 = arith.constant 10 : i32
    %get3A_43 = arith.index_cast %get3A_42 : i32 to index
    %get3A_44 = arith.constant 0 : index
    %get3A_45 = tpu.vector_load %arg9[%get3A_43, %get3A_44] {strides = array<i32>} : memref<16x16xf32, #tpu.memory_space<vmem>>, vector<16xf32>,
    %get3A_46 = arith.constant 11 : i32
    %get3A_47 = arith.index_cast %get3A_46 : i32 to index
    %get3A_48 = arith.constant 0 : index
    %get3A_49 = tpu.vector_load %arg9[%get3A_47, %get3A_48] {strides = array<i32>} : memref<16x16xf32, #tpu.memory_space<vmem>>, vector<16xf32>,
    %get3A_50 = arith.constant 12 : i32
    %get3A_51 = arith.index_cast %get3A_50 : i32 to index
    %get3A_52 = arith.constant 0 : index
    %get3A_53 = tpu.vector_load %arg9[%get3A_51, %get3A_52] {strides = array<i32>} : memref<16x16xf32, #tpu.memory_space<vmem>>, vector<16xf32>,
    %get3A_54 = arith.constant 13 : i32
    %get3A_55 = arith.index_cast %get3A_54 : i32 to index
    %get3A_56 = arith.constant 0 : index
    %get3A_57 = tpu.vector_load %arg9[%get3A_55, %get3A_56] {strides = array<i32>} : memref<16x16xf32, #tpu.memory_space<vmem>>, vector<16xf32>,
    %get3A_58 = arith.constant 14 : i32
    %get3A_59 = arith.index_cast %get3A_58 : i32 to index
    %get3A_60 = arith.constant 0 : index
    %get3A_61 = tpu.vector_load %arg9[%get3A_59, %get3A_60] {strides = array<i32>} : memref<16x16xf32, #tpu.memory_space<vmem>>, vector<16xf32>,
    %get3A_62 = arith.constant 15 : i32
    %get3A_63 = arith.index_cast %get3A_62 : i32 to index
    %get3A_64 = arith.constant 0 : index
    %get3A_65 = tpu.vector_load %arg9[%get3A_63, %get3A_64] {strides = array<i32>} : memref<16x16xf32, #tpu.memory_space<vmem>>, vector<16xf32>,
    %get3A_66 = arith.constant 0 : i32
    %get3A_67 = arith.index_cast %get3A_66 : i32 to index
    %get3A_68 = arith.constant 0 : index
    %get3A_69 = tpu.vector_load %arg10[%get3A_67, %get3A_68] {strides = array<i32>} : memref<1x16xf32, #tpu.memory_space<vmem>>, vector<16xf32>,
    %iota3A = tpu.iota {dimensions = array<i32: 0>} : vector<16xi32>
    %broadcast_in_dim3A = arith.constant 0.000000e+00 : f32
    %broadcast_in_dim3A_70 = vector.broadcast %broadcast_in_dim3A : f32 to vector<16xf32>
    %scan3A = arith.constant 0 : i32
    %scan3A_71 = arith.constant 0 : i32
    %scan3A_72 = arith.constant 32 : i32
    %scan3A_73 = arith.addi %scan3A_71, %scan3A_72 : i32
    %scan3A_74 = arith.constant 1 : i32
    scf.for %scan3A_78 = %scan3A_71 to %scan3A_73 step %scan3A_74  : i32 {
      %mul3A_79 = arith.constant 3200 : i32
      %mul3A_80 = arith.muli %scan3A_78, %mul3A_79 : i32
      %add3A_81 = arith.addi %mul3A_2, %mul3A_80 : i32
      %dma_start3A = tpu.memref_slice %arg3[%add3A_81] : memref<3276800xi32, #tpu.memory_space<hbm>> -> memref<3200xi32, #tpu.memory_space<hbm>>
      %dma_start3A_82 = tpu.memref_slice %arg3[%add3A_81] : memref<3276800xi32, #tpu.memory_space<hbm>> -> memref<3200xi32, #tpu.memory_space<hbm>>
      tpu.enqueue_dma source(%dma_start3A_82 : memref<3200xi32, #tpu.memory_space<hbm>>) target(%arg7 : memref<3200xi32, #tpu.memory_space<vmem>>) target_semaphore(%arg14 : memref<!tpu.dma_semaphore, #tpu.memory_space<semaphore_mem>>)
      %dma_wait3A = tpu.memref_slice %arg3[%add3A_81] : memref<3276800xi32, #tpu.memory_space<hbm>> -> memref<3200xi32, #tpu.memory_space<hbm>>
      %dma_wait3A_83 = tpu.memref_slice %arg3[%add3A_81] : memref<3276800xi32, #tpu.memory_space<hbm>> -> memref<3200xi32, #tpu.memory_space<hbm>>
      tpu.wait_dma2 semaphore(%arg14 : memref<!tpu.dma_semaphore, #tpu.memory_space<semaphore_mem>>) src(%dma_wait3A_83 : memref<3200xi32, #tpu.memory_space<hbm>>) dst(%arg7 : memref<3200xi32, #tpu.memory_space<vmem>>)
      %dma_start3A_84 = arith.constant 0 : i32
      %dma_start3A_85 = arith.constant 0 : i32
      %dma_start3A_86 = tpu.memref_slice %arg8[%dma_start3A_84, %dma_start3A_85] : memref<3200x16xf32, #tpu.memory_space<vmem>> -> memref<128x16xf32, #tpu.memory_space<vmem>>
      %dma_start3A_87 = arith.constant 0 : i32
      %dma_start3A_88 = tpu.memref_slice %arg7[%dma_start3A_87] : memref<3200xi32, #tpu.memory_space<vmem>> -> memref<128xi32, #tpu.memory_space<vmem>>
      %dma_start3A_89 = arith.constant 0 : i32
      %dma_start3A_90 = arith.constant 0 : i32
      %dma_start3A_91 = tpu.memref_slice %arg2[%dma_start3A_89, %dma_start3A_90] : memref<1000000x16xf32, #tpu.memory_space<hbm>> -> memref<1000000x16xf32, #tpu.memory_space<hbm>>
      tpu.enqueue_indirect_dma source(%dma_start3A_91 : memref<1000000x16xf32, #tpu.memory_space<hbm>>) target(%dma_start3A_86 : memref<128x16xf32, #tpu.memory_space<vmem>>) offsets(%dma_start3A_88 : memref<128xi32, #tpu.memory_space<vmem>>) semaphore(%arg13 : memref<!tpu.dma_semaphore, #tpu.memory_space<semaphore_mem>>)
      %dma_start3A_92 = arith.constant 128 : i32
      %dma_start3A_93 = arith.constant 0 : i32
      %dma_start3A_94 = tpu.memref_slice %arg8[%dma_start3A_92, %dma_start3A_93] : memref<3200x16xf32, #tpu.memory_space<vmem>> -> memref<128x16xf32, #tpu.memory_space<vmem>>
      %dma_start3A_95 = arith.constant 128 : i32
      %dma_start3A_96 = tpu.memref_slice %arg7[%dma_start3A_95] : memref<3200xi32, #tpu.memory_space<vmem>> -> memref<128xi32, #tpu.memory_space<vmem>>
      %dma_start3A_97 = arith.constant 0 : i32
      %dma_start3A_98 = arith.constant 0 : i32
      %dma_start3A_99 = tpu.memref_slice %arg2[%dma_start3A_97, %dma_start3A_98] : memref<1000000x16xf32, #tpu.memory_space<hbm>> -> memref<1000000x16xf32, #tpu.memory_space<hbm>>
      tpu.enqueue_indirect_dma source(%dma_start3A_99 : memref<1000000x16xf32, #tpu.memory_space<hbm>>) target(%dma_start3A_94 : memref<128x16xf32, #tpu.memory_space<vmem>>) offsets(%dma_start3A_96 : memref<128xi32, #tpu.memory_space<vmem>>) semaphore(%arg13 : memref<!tpu.dma_semaphore, #tpu.memory_space<semaphore_mem>>)
      %dma_start3A_100 = arith.constant 256 : i32
      %dma_start3A_101 = arith.constant 0 : i32
      %dma_start3A_102 = tpu.memref_slice %arg8[%dma_start3A_100, %dma_start3A_101] : memref<3200x16xf32, #tpu.memory_space<vmem>> -> memref<128x16xf32, #tpu.memory_space<vmem>>
      %dma_start3A_103 = arith.constant 256 : i32
      %dma_start3A_104 = tpu.memref_slice %arg7[%dma_start3A_103] : memref<3200xi32, #tpu.memory_space<vmem>> -> memref<128xi32, #tpu.memory_space<vmem>>
      %dma_start3A_105 = arith.constant 0 : i32
      %dma_start3A_106 = arith.constant 0 : i32
      %dma_start3A_107 = tpu.memref_slice %arg2[%dma_start3A_105, %dma_start3A_106] : memref<1000000x16xf32, #tpu.memory_space<hbm>> -> memref<1000000x16xf32, #tpu.memory_space<hbm>>
      tpu.enqueue_indirect_dma source(%dma_start3A_107 : memref<1000000x16xf32, #tpu.memory_space<hbm>>) target(%dma_start3A_102 : memref<128x16xf32, #tpu.memory_space<vmem>>) offsets(%dma_start3A_104 : memref<128xi32, #tpu.memory_space<vmem>>) semaphore(%arg13 : memref<!tpu.dma_semaphore, #tpu.memory_space<semaphore_mem>>)
      %dma_start3A_108 = arith.constant 384 : i32
      %dma_start3A_109 = arith.constant 0 : i32
      %dma_start3A_110 = tpu.memref_slice %arg8[%dma_start3A_108, %dma_start3A_109] : memref<3200x16xf32, #tpu.memory_space<vmem>> -> memref<128x16xf32, #tpu.memory_space<vmem>>
      %dma_start3A_111 = arith.constant 384 : i32
      %dma_start3A_112 = tpu.memref_slice %arg7[%dma_start3A_111] : memref<3200xi32, #tpu.memory_space<vmem>> -> memref<128xi32, #tpu.memory_space<vmem>>
      %dma_start3A_113 = arith.constant 0 : i32
      %dma_start3A_114 = arith.constant 0 : i32
      %dma_start3A_115 = tpu.memref_slice %arg2[%dma_start3A_113, %dma_start3A_114] : memref<1000000x16xf32, #tpu.memory_space<hbm>> -> memref<1000000x16xf32, #tpu.memory_space<hbm>>
      tpu.enqueue_indirect_dma source(%dma_start3A_115 : memref<1000000x16xf32, #tpu.memory_space<hbm>>) target(%dma_start3A_110 : memref<128x16xf32, #tpu.memory_space<vmem>>) offsets(%dma_start3A_112 : memref<128xi32, #tpu.memory_space<vmem>>) semaphore(%arg13 : memref<!tpu.dma_semaphore, #tpu.memory_space<semaphore_mem>>)
      %dma_start3A_116 = arith.constant 512 : i32
      %dma_start3A_117 = arith.constant 0 : i32
      %dma_start3A_118 = tpu.memref_slice %arg8[%dma_start3A_116, %dma_start3A_117] : memref<3200x16xf32, #tpu.memory_space<vmem>> -> memref<128x16xf32, #tpu.memory_space<vmem>>
      %dma_start3A_119 = arith.constant 512 : i32
      %dma_start3A_120 = tpu.memref_slice %arg7[%dma_start3A_119] : memref<3200xi32, #tpu.memory_space<vmem>> -> memref<128xi32, #tpu.memory_space<vmem>>
      %dma_start3A_121 = arith.constant 0 : i32
      %dma_start3A_122 = arith.constant 0 : i32
      %dma_start3A_123 = tpu.memref_slice %arg2[%dma_start3A_121, %dma_start3A_122] : memref<1000000x16xf32, #tpu.memory_space<hbm>> -> memref<1000000x16xf32, #tpu.memory_space<hbm>>
      tpu.enqueue_indirect_dma source(%dma_start3A_123 : memref<1000000x16xf32, #tpu.memory_space<hbm>>) target(%dma_start3A_118 : memref<128x16xf32, #tpu.memory_space<vmem>>) offsets(%dma_start3A_120 : memref<128xi32, #tpu.memory_space<vmem>>) semaphore(%arg13 : memref<!tpu.dma_semaphore, #tpu.memory_space<semaphore_mem>>)
      %dma_start3A_124 = arith.constant 640 : i32
      %dma_start3A_125 = arith.constant 0 : i32
      %dma_start3A_126 = tpu.memref_slice %arg8[%dma_start3A_124, %dma_start3A_125] : memref<3200x16xf32, #tpu.memory_space<vmem>> -> memref<128x16xf32, #tpu.memory_space<vmem>>
      %dma_start3A_127 = arith.constant 640 : i32
      %dma_start3A_128 = tpu.memref_slice %arg7[%dma_start3A_127] : memref<3200xi32, #tpu.memory_space<vmem>> -> memref<128xi32, #tpu.memory_space<vmem>>
      %dma_start3A_129 = arith.constant 0 : i32
      %dma_start3A_130 = arith.constant 0 : i32
      %dma_start3A_131 = tpu.memref_slice %arg2[%dma_start3A_129, %dma_start3A_130] : memref<1000000x16xf32, #tpu.memory_space<hbm>> -> memref<1000000x16xf32, #tpu.memory_space<hbm>>
      tpu.enqueue_indirect_dma source(%dma_start3A_131 : memref<1000000x16xf32, #tpu.memory_space<hbm>>) target(%dma_start3A_126 : memref<128x16xf32, #tpu.memory_space<vmem>>) offsets(%dma_start3A_128 : memref<128xi32, #tpu.memory_space<vmem>>) semaphore(%arg13 : memref<!tpu.dma_semaphore, #tpu.memory_space<semaphore_mem>>)
      %dma_start3A_132 = arith.constant 768 : i32
      %dma_start3A_133 = arith.constant 0 : i32
      %dma_start3A_134 = tpu.memref_slice %arg8[%dma_start3A_132, %dma_start3A_133] : memref<3200x16xf32, #tpu.memory_space<vmem>> -> memref<128x16xf32, #tpu.memory_space<vmem>>
      %dma_start3A_135 = arith.constant 768 : i32
      %dma_start3A_136 = tpu.memref_slice %arg7[%dma_start3A_135] : memref<3200xi32, #tpu.memory_space<vmem>> -> memref<128xi32, #tpu.memory_space<vmem>>
      %dma_start3A_137 = arith.constant 0 : i32
      %dma_start3A_138 = arith.constant 0 : i32
      %dma_start3A_139 = tpu.memref_slice %arg2[%dma_start3A_137, %dma_start3A_138] : memref<1000000x16xf32, #tpu.memory_space<hbm>> -> memref<1000000x16xf32, #tpu.memory_space<hbm>>
      tpu.enqueue_indirect_dma source(%dma_start3A_139 : memref<1000000x16xf32, #tpu.memory_space<hbm>>) target(%dma_start3A_134 : memref<128x16xf32, #tpu.memory_space<vmem>>) offsets(%dma_start3A_136 : memref<128xi32, #tpu.memory_space<vmem>>) semaphore(%arg13 : memref<!tpu.dma_semaphore, #tpu.memory_space<semaphore_mem>>)
      %dma_start3A_140 = arith.constant 896 : i32
      %dma_start3A_141 = arith.constant 0 : i32
      %dma_start3A_142 = tpu.memref_slice %arg8[%dma_start3A_140, %dma_start3A_141] : memref<3200x16xf32, #tpu.memory_space<vmem>> -> memref<128x16xf32, #tpu.memory_space<vmem>>
      %dma_start3A_143 = arith.constant 896 : i32
      %dma_start3A_144 = tpu.memref_slice %arg7[%dma_start3A_143] : memref<3200xi32, #tpu.memory_space<vmem>> -> memref<128xi32, #tpu.memory_space<vmem>>
      %dma_start3A_145 = arith.constant 0 : i32
      %dma_start3A_146 = arith.constant 0 : i32
      %dma_start3A_147 = tpu.memref_slice %arg2[%dma_start3A_145, %dma_start3A_146] : memref<1000000x16xf32, #tpu.memory_space<hbm>> -> memref<1000000x16xf32, #tpu.memory_space<hbm>>
      tpu.enqueue_indirect_dma source(%dma_start3A_147 : memref<1000000x16xf32, #tpu.memory_space<hbm>>) target(%dma_start3A_142 : memref<128x16xf32, #tpu.memory_space<vmem>>) offsets(%dma_start3A_144 : memref<128xi32, #tpu.memory_space<vmem>>) semaphore(%arg13 : memref<!tpu.dma_semaphore, #tpu.memory_space<semaphore_mem>>)
      %dma_start3A_148 = arith.constant 1024 : i32
      %dma_start3A_149 = arith.constant 0 : i32
      %dma_start3A_150 = tpu.memref_slice %arg8[%dma_start3A_148, %dma_start3A_149] : memref<3200x16xf32, #tpu.memory_space<vmem>> -> memref<128x16xf32, #tpu.memory_space<vmem>>
      %dma_start3A_151 = arith.constant 1024 : i32
      %dma_start3A_152 = tpu.memref_slice %arg7[%dma_start3A_151] : memref<3200xi32, #tpu.memory_space<vmem>> -> memref<128xi32, #tpu.memory_space<vmem>>
      %dma_start3A_153 = arith.constant 0 : i32
      %dma_start3A_154 = arith.constant 0 : i32
      %dma_start3A_155 = tpu.memref_slice %arg2[%dma_start3A_153, %dma_start3A_154] : memref<1000000x16xf32, #tpu.memory_space<hbm>> -> memref<1000000x16xf32, #tpu.memory_space<hbm>>
      tpu.enqueue_indirect_dma source(%dma_start3A_155 : memref<1000000x16xf32, #tpu.memory_space<hbm>>) target(%dma_start3A_150 : memref<128x16xf32, #tpu.memory_space<vmem>>) offsets(%dma_start3A_152 : memref<128xi32, #tpu.memory_space<vmem>>) semaphore(%arg13 : memref<!tpu.dma_semaphore, #tpu.memory_space<semaphore_mem>>)
      %dma_start3A_156 = arith.constant 1152 : i32
      %dma_start3A_157 = arith.constant 0 : i32
      %dma_start3A_158 = tpu.memref_slice %arg8[%dma_start3A_156, %dma_start3A_157] : memref<3200x16xf32, #tpu.memory_space<vmem>> -> memref<128x16xf32, #tpu.memory_space<vmem>>
      %dma_start3A_159 = arith.constant 1152 : i32
      %dma_start3A_160 = tpu.memref_slice %arg7[%dma_start3A_159] : memref<3200xi32, #tpu.memory_space<vmem>> -> memref<128xi32, #tpu.memory_space<vmem>>
      %dma_start3A_161 = arith.constant 0 : i32
      %dma_start3A_162 = arith.constant 0 : i32
      %dma_start3A_163 = tpu.memref_slice %arg2[%dma_start3A_161, %dma_start3A_162] : memref<1000000x16xf32, #tpu.memory_space<hbm>> -> memref<1000000x16xf32, #tpu.memory_space<hbm>>
      tpu.enqueue_indirect_dma source(%dma_start3A_163 : memref<1000000x16xf32, #tpu.memory_space<hbm>>) target(%dma_start3A_158 : memref<128x16xf32, #tpu.memory_space<vmem>>) offsets(%dma_start3A_160 : memref<128xi32, #tpu.memory_space<vmem>>) semaphore(%arg13 : memref<!tpu.dma_semaphore, #tpu.memory_space<semaphore_mem>>)
      %dma_start3A_164 = arith.constant 1280 : i32
      %dma_start3A_165 = arith.constant 0 : i32
      %dma_start3A_166 = tpu.memref_slice %arg8[%dma_start3A_164, %dma_start3A_165] : memref<3200x16xf32, #tpu.memory_space<vmem>> -> memref<128x16xf32, #tpu.memory_space<vmem>>
      %dma_start3A_167 = arith.constant 1280 : i32
      %dma_start3A_168 = tpu.memref_slice %arg7[%dma_start3A_167] : memref<3200xi32, #tpu.memory_space<vmem>> -> memref<128xi32, #tpu.memory_space<vmem>>
      %dma_start3A_169 = arith.constant 0 : i32
      %dma_start3A_170 = arith.constant 0 : i32
      %dma_start3A_171 = tpu.memref_slice %arg2[%dma_start3A_169, %dma_start3A_170] : memref<1000000x16xf32, #tpu.memory_space<hbm>> -> memref<1000000x16xf32, #tpu.memory_space<hbm>>
      tpu.enqueue_indirect_dma source(%dma_start3A_171 : memref<1000000x16xf32, #tpu.memory_space<hbm>>) target(%dma_start3A_166 : memref<128x16xf32, #tpu.memory_space<vmem>>) offsets(%dma_start3A_168 : memref<128xi32, #tpu.memory_space<vmem>>) semaphore(%arg13 : memref<!tpu.dma_semaphore, #tpu.memory_space<semaphore_mem>>)
      %dma_start3A_172 = arith.constant 1408 : i32
      %dma_start3A_173 = arith.constant 0 : i32
      %dma_start3A_174 = tpu.memref_slice %arg8[%dma_start3A_172, %dma_start3A_173] : memref<3200x16xf32, #tpu.memory_space<vmem>> -> memref<128x16xf32, #tpu.memory_space<vmem>>
      %dma_start3A_175 = arith.constant 1408 : i32
      %dma_start3A_176 = tpu.memref_slice %arg7[%dma_start3A_175] : memref<3200xi32, #tpu.memory_space<vmem>> -> memref<128xi32, #tpu.memory_space<vmem>>
      %dma_start3A_177 = arith.constant 0 : i32
      %dma_start3A_178 = arith.constant 0 : i32
      %dma_start3A_179 = tpu.memref_slice %arg2[%dma_start3A_177, %dma_start3A_178] : memref<1000000x16xf32, #tpu.memory_space<hbm>> -> memref<1000000x16xf32, #tpu.memory_space<hbm>>
      tpu.enqueue_indirect_dma source(%dma_start3A_179 : memref<1000000x16xf32, #tpu.memory_space<hbm>>) target(%dma_start3A_174 : memref<128x16xf32, #tpu.memory_space<vmem>>) offsets(%dma_start3A_176 : memref<128xi32, #tpu.memory_space<vmem>>) semaphore(%arg13 : memref<!tpu.dma_semaphore, #tpu.memory_space<semaphore_mem>>)
      %dma_start3A_180 = arith.constant 1536 : i32
      %dma_start3A_181 = arith.constant 0 : i32
      %dma_start3A_182 = tpu.memref_slice %arg8[%dma_start3A_180, %dma_start3A_181] : memref<3200x16xf32, #tpu.memory_space<vmem>> -> memref<128x16xf32, #tpu.memory_space<vmem>>
      %dma_start3A_183 = arith.constant 1536 : i32
      %dma_start3A_184 = tpu.memref_slice %arg7[%dma_start3A_183] : memref<3200xi32, #tpu.memory_space<vmem>> -> memref<128xi32, #tpu.memory_space<vmem>>
      %dma_start3A_185 = arith.constant 0 : i32
      %dma_start3A_186 = arith.constant 0 : i32
      %dma_start3A_187 = tpu.memref_slice %arg2[%dma_start3A_185, %dma_start3A_186] : memref<1000000x16xf32, #tpu.memory_space<hbm>> -> memref<1000000x16xf32, #tpu.memory_space<hbm>>
      tpu.enqueue_indirect_dma source(%dma_start3A_187 : memref<1000000x16xf32, #tpu.memory_space<hbm>>) target(%dma_start3A_182 : memref<128x16xf32, #tpu.memory_space<vmem>>) offsets(%dma_start3A_184 : memref<128xi32, #tpu.memory_space<vmem>>) semaphore(%arg13 : memref<!tpu.dma_semaphore, #tpu.memory_space<semaphore_mem>>)
      %dma_start3A_188 = arith.constant 1664 : i32
      %dma_start3A_189 = arith.constant 0 : i32
      %dma_start3A_190 = tpu.memref_slice %arg8[%dma_start3A_188, %dma_start3A_189] : memref<3200x16xf32, #tpu.memory_space<vmem>> -> memref<128x16xf32, #tpu.memory_space<vmem>>
      %dma_start3A_191 = arith.constant 1664 : i32
      %dma_start3A_192 = tpu.memref_slice %arg7[%dma_start3A_191] : memref<3200xi32, #tpu.memory_space<vmem>> -> memref<128xi32, #tpu.memory_space<vmem>>
      %dma_start3A_193 = arith.constant 0 : i32
      %dma_start3A_194 = arith.constant 0 : i32
      %dma_start3A_195 = tpu.memref_slice %arg2[%dma_start3A_193, %dma_start3A_194] : memref<1000000x16xf32, #tpu.memory_space<hbm>> -> memref<1000000x16xf32, #tpu.memory_space<hbm>>
      tpu.enqueue_indirect_dma source(%dma_start3A_195 : memref<1000000x16xf32, #tpu.memory_space<hbm>>) target(%dma_start3A_190 : memref<128x16xf32, #tpu.memory_space<vmem>>) offsets(%dma_start3A_192 : memref<128xi32, #tpu.memory_space<vmem>>) semaphore(%arg13 : memref<!tpu.dma_semaphore, #tpu.memory_space<semaphore_mem>>)
      %dma_start3A_196 = arith.constant 1792 : i32
      %dma_start3A_197 = arith.constant 0 : i32
      %dma_start3A_198 = tpu.memref_slice %arg8[%dma_start3A_196, %dma_start3A_197] : memref<3200x16xf32, #tpu.memory_space<vmem>> -> memref<128x16xf32, #tpu.memory_space<vmem>>
      %dma_start3A_199 = arith.constant 1792 : i32
      %dma_start3A_200 = tpu.memref_slice %arg7[%dma_start3A_199] : memref<3200xi32, #tpu.memory_space<vmem>> -> memref<128xi32, #tpu.memory_space<vmem>>
      %dma_start3A_201 = arith.constant 0 : i32
      %dma_start3A_202 = arith.constant 0 : i32
      %dma_start3A_203 = tpu.memref_slice %arg2[%dma_start3A_201, %dma_start3A_202] : memref<1000000x16xf32, #tpu.memory_space<hbm>> -> memref<1000000x16xf32, #tpu.memory_space<hbm>>
      tpu.enqueue_indirect_dma source(%dma_start3A_203 : memref<1000000x16xf32, #tpu.memory_space<hbm>>) target(%dma_start3A_198 : memref<128x16xf32, #tpu.memory_space<vmem>>) offsets(%dma_start3A_200 : memref<128xi32, #tpu.memory_space<vmem>>) semaphore(%arg13 : memref<!tpu.dma_semaphore, #tpu.memory_space<semaphore_mem>>)
      %dma_start3A_204 = arith.constant 1920 : i32
      %dma_start3A_205 = arith.constant 0 : i32
      %dma_start3A_206 = tpu.memref_slice %arg8[%dma_start3A_204, %dma_start3A_205] : memref<3200x16xf32, #tpu.memory_space<vmem>> -> memref<128x16xf32, #tpu.memory_space<vmem>>
      %dma_start3A_207 = arith.constant 1920 : i32
      %dma_start3A_208 = tpu.memref_slice %arg7[%dma_start3A_207] : memref<3200xi32, #tpu.memory_space<vmem>> -> memref<128xi32, #tpu.memory_space<vmem>>
      %dma_start3A_209 = arith.constant 0 : i32
      %dma_start3A_210 = arith.constant 0 : i32
      %dma_start3A_211 = tpu.memref_slice %arg2[%dma_start3A_209, %dma_start3A_210] : memref<1000000x16xf32, #tpu.memory_space<hbm>> -> memref<1000000x16xf32, #tpu.memory_space<hbm>>
      tpu.enqueue_indirect_dma source(%dma_start3A_211 : memref<1000000x16xf32, #tpu.memory_space<hbm>>) target(%dma_start3A_206 : memref<128x16xf32, #tpu.memory_space<vmem>>) offsets(%dma_start3A_208 : memref<128xi32, #tpu.memory_space<vmem>>) semaphore(%arg13 : memref<!tpu.dma_semaphore, #tpu.memory_space<semaphore_mem>>)
      %dma_start3A_212 = arith.constant 2048 : i32
      %dma_start3A_213 = arith.constant 0 : i32
      %dma_start3A_214 = tpu.memref_slice %arg8[%dma_start3A_212, %dma_start3A_213] : memref<3200x16xf32, #tpu.memory_space<vmem>> -> memref<128x16xf32, #tpu.memory_space<vmem>>
      %dma_start3A_215 = arith.constant 2048 : i32
      %dma_start3A_216 = tpu.memref_slice %arg7[%dma_start3A_215] : memref<3200xi32, #tpu.memory_space<vmem>> -> memref<128xi32, #tpu.memory_space<vmem>>
      %dma_start3A_217 = arith.constant 0 : i32
      %dma_start3A_218 = arith.constant 0 : i32
      %dma_start3A_219 = tpu.memref_slice %arg2[%dma_start3A_217, %dma_start3A_218] : memref<1000000x16xf32, #tpu.memory_space<hbm>> -> memref<1000000x16xf32, #tpu.memory_space<hbm>>
      tpu.enqueue_indirect_dma source(%dma_start3A_219 : memref<1000000x16xf32, #tpu.memory_space<hbm>>) target(%dma_start3A_214 : memref<128x16xf32, #tpu.memory_space<vmem>>) offsets(%dma_start3A_216 : memref<128xi32, #tpu.memory_space<vmem>>) semaphore(%arg13 : memref<!tpu.dma_semaphore, #tpu.memory_space<semaphore_mem>>)
      %dma_start3A_220 = arith.constant 2176 : i32
      %dma_start3A_221 = arith.constant 0 : i32
      %dma_start3A_222 = tpu.memref_slice %arg8[%dma_start3A_220, %dma_start3A_221] : memref<3200x16xf32, #tpu.memory_space<vmem>> -> memref<128x16xf32, #tpu.memory_space<vmem>>
      %dma_start3A_223 = arith.constant 2176 : i32
      %dma_start3A_224 = tpu.memref_slice %arg7[%dma_start3A_223] : memref<3200xi32, #tpu.memory_space<vmem>> -> memref<128xi32, #tpu.memory_space<vmem>>
      %dma_start3A_225 = arith.constant 0 : i32
      %dma_start3A_226 = arith.constant 0 : i32
      %dma_start3A_227 = tpu.memref_slice %arg2[%dma_start3A_225, %dma_start3A_226] : memref<1000000x16xf32, #tpu.memory_space<hbm>> -> memref<1000000x16xf32, #tpu.memory_space<hbm>>
      tpu.enqueue_indirect_dma source(%dma_start3A_227 : memref<1000000x16xf32, #tpu.memory_space<hbm>>) target(%dma_start3A_222 : memref<128x16xf32, #tpu.memory_space<vmem>>) offsets(%dma_start3A_224 : memref<128xi32, #tpu.memory_space<vmem>>) semaphore(%arg13 : memref<!tpu.dma_semaphore, #tpu.memory_space<semaphore_mem>>)
      %dma_start3A_228 = arith.constant 2304 : i32
      %dma_start3A_229 = arith.constant 0 : i32
      %dma_start3A_230 = tpu.memref_slice %arg8[%dma_start3A_228, %dma_start3A_229] : memref<3200x16xf32, #tpu.memory_space<vmem>> -> memref<128x16xf32, #tpu.memory_space<vmem>>
      %dma_start3A_231 = arith.constant 2304 : i32
      %dma_start3A_232 = tpu.memref_slice %arg7[%dma_start3A_231] : memref<3200xi32, #tpu.memory_space<vmem>> -> memref<128xi32, #tpu.memory_space<vmem>>
      %dma_start3A_233 = arith.constant 0 : i32
      %dma_start3A_234 = arith.constant 0 : i32
      %dma_start3A_235 = tpu.memref_slice %arg2[%dma_start3A_233, %dma_start3A_234] : memref<1000000x16xf32, #tpu.memory_space<hbm>> -> memref<1000000x16xf32, #tpu.memory_space<hbm>>
      tpu.enqueue_indirect_dma source(%dma_start3A_235 : memref<1000000x16xf32, #tpu.memory_space<hbm>>) target(%dma_start3A_230 : memref<128x16xf32, #tpu.memory_space<vmem>>) offsets(%dma_start3A_232 : memref<128xi32, #tpu.memory_space<vmem>>) semaphore(%arg13 : memref<!tpu.dma_semaphore, #tpu.memory_space<semaphore_mem>>)
      %dma_start3A_236 = arith.constant 2432 : i32
      %dma_start3A_237 = arith.constant 0 : i32
      %dma_start3A_238 = tpu.memref_slice %arg8[%dma_start3A_236, %dma_start3A_237] : memref<3200x16xf32, #tpu.memory_space<vmem>> -> memref<128x16xf32, #tpu.memory_space<vmem>>
      %dma_start3A_239 = arith.constant 2432 : i32
      %dma_start3A_240 = tpu.memref_slice %arg7[%dma_start3A_239] : memref<3200xi32, #tpu.memory_space<vmem>> -> memref<128xi32, #tpu.memory_space<vmem>>
      %dma_start3A_241 = arith.constant 0 : i32
      %dma_start3A_242 = arith.constant 0 : i32
      %dma_start3A_243 = tpu.memref_slice %arg2[%dma_start3A_241, %dma_start3A_242] : memref<1000000x16xf32, #tpu.memory_space<hbm>> -> memref<1000000x16xf32, #tpu.memory_space<hbm>>
      tpu.enqueue_indirect_dma source(%dma_start3A_243 : memref<1000000x16xf32, #tpu.memory_space<hbm>>) target(%dma_start3A_238 : memref<128x16xf32, #tpu.memory_space<vmem>>) offsets(%dma_start3A_240 : memref<128xi32, #tpu.memory_space<vmem>>) semaphore(%arg13 : memref<!tpu.dma_semaphore, #tpu.memory_space<semaphore_mem>>)
      %dma_start3A_244 = arith.constant 2560 : i32
      %dma_start3A_245 = arith.constant 0 : i32
      %dma_start3A_246 = tpu.memref_slice %arg8[%dma_start3A_244, %dma_start3A_245] : memref<3200x16xf32, #tpu.memory_space<vmem>> -> memref<128x16xf32, #tpu.memory_space<vmem>>
      %dma_start3A_247 = arith.constant 2560 : i32
      %dma_start3A_248 = tpu.memref_slice %arg7[%dma_start3A_247] : memref<3200xi32, #tpu.memory_space<vmem>> -> memref<128xi32, #tpu.memory_space<vmem>>
      %dma_start3A_249 = arith.constant 0 : i32
      %dma_start3A_250 = arith.constant 0 : i32
      %dma_start3A_251 = tpu.memref_slice %arg2[%dma_start3A_249, %dma_start3A_250] : memref<1000000x16xf32, #tpu.memory_space<hbm>> -> memref<1000000x16xf32, #tpu.memory_space<hbm>>
      tpu.enqueue_indirect_dma source(%dma_start3A_251 : memref<1000000x16xf32, #tpu.memory_space<hbm>>) target(%dma_start3A_246 : memref<128x16xf32, #tpu.memory_space<vmem>>) offsets(%dma_start3A_248 : memref<128xi32, #tpu.memory_space<vmem>>) semaphore(%arg13 : memref<!tpu.dma_semaphore, #tpu.memory_space<semaphore_mem>>)
      %dma_start3A_252 = arith.constant 2688 : i32
      %dma_start3A_253 = arith.constant 0 : i32
      %dma_start3A_254 = tpu.memref_slice %arg8[%dma_start3A_252, %dma_start3A_253] : memref<3200x16xf32, #tpu.memory_space<vmem>> -> memref<128x16xf32, #tpu.memory_space<vmem>>
      %dma_start3A_255 = arith.constant 2688 : i32
      %dma_start3A_256 = tpu.memref_slice %arg7[%dma_start3A_255] : memref<3200xi32, #tpu.memory_space<vmem>> -> memref<128xi32, #tpu.memory_space<vmem>>
      %dma_start3A_257 = arith.constant 0 : i32
      %dma_start3A_258 = arith.constant 0 : i32
      %dma_start3A_259 = tpu.memref_slice %arg2[%dma_start3A_257, %dma_start3A_258] : memref<1000000x16xf32, #tpu.memory_space<hbm>> -> memref<1000000x16xf32, #tpu.memory_space<hbm>>
      tpu.enqueue_indirect_dma source(%dma_start3A_259 : memref<1000000x16xf32, #tpu.memory_space<hbm>>) target(%dma_start3A_254 : memref<128x16xf32, #tpu.memory_space<vmem>>) offsets(%dma_start3A_256 : memref<128xi32, #tpu.memory_space<vmem>>) semaphore(%arg13 : memref<!tpu.dma_semaphore, #tpu.memory_space<semaphore_mem>>)
      %dma_start3A_260 = arith.constant 2816 : i32
      %dma_start3A_261 = arith.constant 0 : i32
      %dma_start3A_262 = tpu.memref_slice %arg8[%dma_start3A_260, %dma_start3A_261] : memref<3200x16xf32, #tpu.memory_space<vmem>> -> memref<128x16xf32, #tpu.memory_space<vmem>>
      %dma_start3A_263 = arith.constant 2816 : i32
      %dma_start3A_264 = tpu.memref_slice %arg7[%dma_start3A_263] : memref<3200xi32, #tpu.memory_space<vmem>> -> memref<128xi32, #tpu.memory_space<vmem>>
      %dma_start3A_265 = arith.constant 0 : i32
      %dma_start3A_266 = arith.constant 0 : i32
      %dma_start3A_267 = tpu.memref_slice %arg2[%dma_start3A_265, %dma_start3A_266] : memref<1000000x16xf32, #tpu.memory_space<hbm>> -> memref<1000000x16xf32, #tpu.memory_space<hbm>>
      tpu.enqueue_indirect_dma source(%dma_start3A_267 : memref<1000000x16xf32, #tpu.memory_space<hbm>>) target(%dma_start3A_262 : memref<128x16xf32, #tpu.memory_space<vmem>>) offsets(%dma_start3A_264 : memref<128xi32, #tpu.memory_space<vmem>>) semaphore(%arg13 : memref<!tpu.dma_semaphore, #tpu.memory_space<semaphore_mem>>)
      %dma_start3A_268 = arith.constant 2944 : i32
      %dma_start3A_269 = arith.constant 0 : i32
      %dma_start3A_270 = tpu.memref_slice %arg8[%dma_start3A_268, %dma_start3A_269] : memref<3200x16xf32, #tpu.memory_space<vmem>> -> memref<128x16xf32, #tpu.memory_space<vmem>>
      %dma_start3A_271 = arith.constant 2944 : i32
      %dma_start3A_272 = tpu.memref_slice %arg7[%dma_start3A_271] : memref<3200xi32, #tpu.memory_space<vmem>> -> memref<128xi32, #tpu.memory_space<vmem>>
      %dma_start3A_273 = arith.constant 0 : i32
      %dma_start3A_274 = arith.constant 0 : i32
      %dma_start3A_275 = tpu.memref_slice %arg2[%dma_start3A_273, %dma_start3A_274] : memref<1000000x16xf32, #tpu.memory_space<hbm>> -> memref<1000000x16xf32, #tpu.memory_space<hbm>>
      tpu.enqueue_indirect_dma source(%dma_start3A_275 : memref<1000000x16xf32, #tpu.memory_space<hbm>>) target(%dma_start3A_270 : memref<128x16xf32, #tpu.memory_space<vmem>>) offsets(%dma_start3A_272 : memref<128xi32, #tpu.memory_space<vmem>>) semaphore(%arg13 : memref<!tpu.dma_semaphore, #tpu.memory_space<semaphore_mem>>)
      %dma_start3A_276 = arith.constant 3072 : i32
      %dma_start3A_277 = arith.constant 0 : i32
      %dma_start3A_278 = tpu.memref_slice %arg8[%dma_start3A_276, %dma_start3A_277] : memref<3200x16xf32, #tpu.memory_space<vmem>> -> memref<128x16xf32, #tpu.memory_space<vmem>>
      %dma_start3A_279 = arith.constant 3072 : i32
      %dma_start3A_280 = tpu.memref_slice %arg7[%dma_start3A_279] : memref<3200xi32, #tpu.memory_space<vmem>> -> memref<128xi32, #tpu.memory_space<vmem>>
      %dma_start3A_281 = arith.constant 0 : i32
      %dma_start3A_282 = arith.constant 0 : i32
      %dma_start3A_283 = tpu.memref_slice %arg2[%dma_start3A_281, %dma_start3A_282] : memref<1000000x16xf32, #tpu.memory_space<hbm>> -> memref<1000000x16xf32, #tpu.memory_space<hbm>>
      tpu.enqueue_indirect_dma source(%dma_start3A_283 : memref<1000000x16xf32, #tpu.memory_space<hbm>>) target(%dma_start3A_278 : memref<128x16xf32, #tpu.memory_space<vmem>>) offsets(%dma_start3A_280 : memref<128xi32, #tpu.memory_space<vmem>>) semaphore(%arg13 : memref<!tpu.dma_semaphore, #tpu.memory_space<semaphore_mem>>)
      %dma_wait3A_284 = arith.constant 0 : i32
      %dma_wait3A_285 = arith.constant 0 : i32
      %dma_wait3A_286 = tpu.memref_slice %arg8[%dma_wait3A_284, %dma_wait3A_285] : memref<3200x16xf32, #tpu.memory_space<vmem>> -> memref<128x16xf32, #tpu.memory_space<vmem>>
      %dma_wait3A_287 = arith.constant 0 : i32
      %dma_wait3A_288 = tpu.memref_slice %arg7[%dma_wait3A_287] : memref<3200xi32, #tpu.memory_space<vmem>> -> memref<128xi32, #tpu.memory_space<vmem>>
      %dma_wait3A_289 = arith.constant 0 : i32
      %dma_wait3A_290 = arith.constant 0 : i32
      %dma_wait3A_291 = tpu.memref_slice %arg2[%dma_wait3A_289, %dma_wait3A_290] : memref<1000000x16xf32, #tpu.memory_space<hbm>> -> memref<1000000x16xf32, #tpu.memory_space<hbm>>
      tpu.wait_indirect_dma semaphore(%arg13 : memref<!tpu.dma_semaphore, #tpu.memory_space<semaphore_mem>>) src(%dma_wait3A_291 : memref<1000000x16xf32, #tpu.memory_space<hbm>>) dst(%dma_wait3A_286 : memref<128x16xf32, #tpu.memory_space<vmem>>)
      %dma_wait3A_292 = arith.constant 128 : i32
      %dma_wait3A_293 = arith.constant 0 : i32
      %dma_wait3A_294 = tpu.memref_slice %arg8[%dma_wait3A_292, %dma_wait3A_293] : memref<3200x16xf32, #tpu.memory_space<vmem>> -> memref<128x16xf32, #tpu.memory_space<vmem>>
      %dma_wait3A_295 = arith.constant 128 : i32
      %dma_wait3A_296 = tpu.memref_slice %arg7[%dma_wait3A_295] : memref<3200xi32, #tpu.memory_space<vmem>> -> memref<128xi32, #tpu.memory_space<vmem>>
      %dma_wait3A_297 = arith.constant 0 : i32
      %dma_wait3A_298 = arith.constant 0 : i32
      %dma_wait3A_299 = tpu.memref_slice %arg2[%dma_wait3A_297, %dma_wait3A_298] : memref<1000000x16xf32, #tpu.memory_space<hbm>> -> memref<1000000x16xf32, #tpu.memory_space<hbm>>
      tpu.wait_indirect_dma semaphore(%arg13 : memref<!tpu.dma_semaphore, #tpu.memory_space<semaphore_mem>>) src(%dma_wait3A_299 : memref<1000000x16xf32, #tpu.memory_space<hbm>>) dst(%dma_wait3A_294 : memref<128x16xf32, #tpu.memory_space<vmem>>)
      %dma_wait3A_300 = arith.constant 256 : i32
      %dma_wait3A_301 = arith.constant 0 : i32
      %dma_wait3A_302 = tpu.memref_slice %arg8[%dma_wait3A_300, %dma_wait3A_301] : memref<3200x16xf32, #tpu.memory_space<vmem>> -> memref<128x16xf32, #tpu.memory_space<vmem>>
      %dma_wait3A_303 = arith.constant 256 : i32
      %dma_wait3A_304 = tpu.memref_slice %arg7[%dma_wait3A_303] : memref<3200xi32, #tpu.memory_space<vmem>> -> memref<128xi32, #tpu.memory_space<vmem>>
      %dma_wait3A_305 = arith.constant 0 : i32
      %dma_wait3A_306 = arith.constant 0 : i32
      %dma_wait3A_307 = tpu.memref_slice %arg2[%dma_wait3A_305, %dma_wait3A_306] : memref<1000000x16xf32, #tpu.memory_space<hbm>> -> memref<1000000x16xf32, #tpu.memory_space<hbm>>
      tpu.wait_indirect_dma semaphore(%arg13 : memref<!tpu.dma_semaphore, #tpu.memory_space<semaphore_mem>>) src(%dma_wait3A_307 : memref<1000000x16xf32, #tpu.memory_space<hbm>>) dst(%dma_wait3A_302 : memref<128x16xf32, #tpu.memory_space<vmem>>)
      %dma_wait3A_308 = arith.constant 384 : i32
      %dma_wait3A_309 = arith.constant 0 : i32
      %dma_wait3A_310 = tpu.memref_slice %arg8[%dma_wait3A_308, %dma_wait3A_309] : memref<3200x16xf32, #tpu.memory_space<vmem>> -> memref<128x16xf32, #tpu.memory_space<vmem>>
      %dma_wait3A_311 = arith.constant 384 : i32
      %dma_wait3A_312 = tpu.memref_slice %arg7[%dma_wait3A_311] : memref<3200xi32, #tpu.memory_space<vmem>> -> memref<128xi32, #tpu.memory_space<vmem>>
      %dma_wait3A_313 = arith.constant 0 : i32
      %dma_wait3A_314 = arith.constant 0 : i32
      %dma_wait3A_315 = tpu.memref_slice %arg2[%dma_wait3A_313, %dma_wait3A_314] : memref<1000000x16xf32, #tpu.memory_space<hbm>> -> memref<1000000x16xf32, #tpu.memory_space<hbm>>
      tpu.wait_indirect_dma semaphore(%arg13 : memref<!tpu.dma_semaphore, #tpu.memory_space<semaphore_mem>>) src(%dma_wait3A_315 : memref<1000000x16xf32, #tpu.memory_space<hbm>>) dst(%dma_wait3A_310 : memref<128x16xf32, #tpu.memory_space<vmem>>)
      %dma_wait3A_316 = arith.constant 512 : i32
      %dma_wait3A_317 = arith.constant 0 : i32
      %dma_wait3A_318 = tpu.memref_slice %arg8[%dma_wait3A_316, %dma_wait3A_317] : memref<3200x16xf32, #tpu.memory_space<vmem>> -> memref<128x16xf32, #tpu.memory_space<vmem>>
      %dma_wait3A_319 = arith.constant 512 : i32
      %dma_wait3A_320 = tpu.memref_slice %arg7[%dma_wait3A_319] : memref<3200xi32, #tpu.memory_space<vmem>> -> memref<128xi32, #tpu.memory_space<vmem>>
      %dma_wait3A_321 = arith.constant 0 : i32
      %dma_wait3A_322 = arith.constant 0 : i32
      %dma_wait3A_323 = tpu.memref_slice %arg2[%dma_wait3A_321, %dma_wait3A_322] : memref<1000000x16xf32, #tpu.memory_space<hbm>> -> memref<1000000x16xf32, #tpu.memory_space<hbm>>
      tpu.wait_indirect_dma semaphore(%arg13 : memref<!tpu.dma_semaphore, #tpu.memory_space<semaphore_mem>>) src(%dma_wait3A_323 : memref<1000000x16xf32, #tpu.memory_space<hbm>>) dst(%dma_wait3A_318 : memref<128x16xf32, #tpu.memory_space<vmem>>)
      %dma_wait3A_324 = arith.constant 640 : i32
      %dma_wait3A_325 = arith.constant 0 : i32
      %dma_wait3A_326 = tpu.memref_slice %arg8[%dma_wait3A_324, %dma_wait3A_325] : memref<3200x16xf32, #tpu.memory_space<vmem>> -> memref<128x16xf32, #tpu.memory_space<vmem>>
      %dma_wait3A_327 = arith.constant 640 : i32
      %dma_wait3A_328 = tpu.memref_slice %arg7[%dma_wait3A_327] : memref<3200xi32, #tpu.memory_space<vmem>> -> memref<128xi32, #tpu.memory_space<vmem>>
      %dma_wait3A_329 = arith.constant 0 : i32
      %dma_wait3A_330 = arith.constant 0 : i32
      %dma_wait3A_331 = tpu.memref_slice %arg2[%dma_wait3A_329, %dma_wait3A_330] : memref<1000000x16xf32, #tpu.memory_space<hbm>> -> memref<1000000x16xf32, #tpu.memory_space<hbm>>
      tpu.wait_indirect_dma semaphore(%arg13 : memref<!tpu.dma_semaphore, #tpu.memory_space<semaphore_mem>>) src(%dma_wait3A_331 : memref<1000000x16xf32, #tpu.memory_space<hbm>>) dst(%dma_wait3A_326 : memref<128x16xf32, #tpu.memory_space<vmem>>)
      %dma_wait3A_332 = arith.constant 768 : i32
      %dma_wait3A_333 = arith.constant 0 : i32
      %dma_wait3A_334 = tpu.memref_slice %arg8[%dma_wait3A_332, %dma_wait3A_333] : memref<3200x16xf32, #tpu.memory_space<vmem>> -> memref<128x16xf32, #tpu.memory_space<vmem>>
      %dma_wait3A_335 = arith.constant 768 : i32
      %dma_wait3A_336 = tpu.memref_slice %arg7[%dma_wait3A_335] : memref<3200xi32, #tpu.memory_space<vmem>> -> memref<128xi32, #tpu.memory_space<vmem>>
      %dma_wait3A_337 = arith.constant 0 : i32
      %dma_wait3A_338 = arith.constant 0 : i32
      %dma_wait3A_339 = tpu.memref_slice %arg2[%dma_wait3A_337, %dma_wait3A_338] : memref<1000000x16xf32, #tpu.memory_space<hbm>> -> memref<1000000x16xf32, #tpu.memory_space<hbm>>
      tpu.wait_indirect_dma semaphore(%arg13 : memref<!tpu.dma_semaphore, #tpu.memory_space<semaphore_mem>>) src(%dma_wait3A_339 : memref<1000000x16xf32, #tpu.memory_space<hbm>>) dst(%dma_wait3A_334 : memref<128x16xf32, #tpu.memory_space<vmem>>)
      %dma_wait3A_340 = arith.constant 896 : i32
      %dma_wait3A_341 = arith.constant 0 : i32
      %dma_wait3A_342 = tpu.memref_slice %arg8[%dma_wait3A_340, %dma_wait3A_341] : memref<3200x16xf32, #tpu.memory_space<vmem>> -> memref<128x16xf32, #tpu.memory_space<vmem>>
      %dma_wait3A_343 = arith.constant 896 : i32
      %dma_wait3A_344 = tpu.memref_slice %arg7[%dma_wait3A_343] : memref<3200xi32, #tpu.memory_space<vmem>> -> memref<128xi32, #tpu.memory_space<vmem>>
      %dma_wait3A_345 = arith.constant 0 : i32
      %dma_wait3A_346 = arith.constant 0 : i32
      %dma_wait3A_347 = tpu.memref_slice %arg2[%dma_wait3A_345, %dma_wait3A_346] : memref<1000000x16xf32, #tpu.memory_space<hbm>> -> memref<1000000x16xf32, #tpu.memory_space<hbm>>
      tpu.wait_indirect_dma semaphore(%arg13 : memref<!tpu.dma_semaphore, #tpu.memory_space<semaphore_mem>>) src(%dma_wait3A_347 : memref<1000000x16xf32, #tpu.memory_space<hbm>>) dst(%dma_wait3A_342 : memref<128x16xf32, #tpu.memory_space<vmem>>)
      %dma_wait3A_348 = arith.constant 1024 : i32
      %dma_wait3A_349 = arith.constant 0 : i32
      %dma_wait3A_350 = tpu.memref_slice %arg8[%dma_wait3A_348, %dma_wait3A_349] : memref<3200x16xf32, #tpu.memory_space<vmem>> -> memref<128x16xf32, #tpu.memory_space<vmem>>
      %dma_wait3A_351 = arith.constant 1024 : i32
      %dma_wait3A_352 = tpu.memref_slice %arg7[%dma_wait3A_351] : memref<3200xi32, #tpu.memory_space<vmem>> -> memref<128xi32, #tpu.memory_space<vmem>>
      %dma_wait3A_353 = arith.constant 0 : i32
      %dma_wait3A_354 = arith.constant 0 : i32
      %dma_wait3A_355 = tpu.memref_slice %arg2[%dma_wait3A_353, %dma_wait3A_354] : memref<1000000x16xf32, #tpu.memory_space<hbm>> -> memref<1000000x16xf32, #tpu.memory_space<hbm>>
      tpu.wait_indirect_dma semaphore(%arg13 : memref<!tpu.dma_semaphore, #tpu.memory_space<semaphore_mem>>) src(%dma_wait3A_355 : memref<1000000x16xf32, #tpu.memory_space<hbm>>) dst(%dma_wait3A_350 : memref<128x16xf32, #tpu.memory_space<vmem>>)
      %dma_wait3A_356 = arith.constant 1152 : i32
      %dma_wait3A_357 = arith.constant 0 : i32
      %dma_wait3A_358 = tpu.memref_slice %arg8[%dma_wait3A_356, %dma_wait3A_357] : memref<3200x16xf32, #tpu.memory_space<vmem>> -> memref<128x16xf32, #tpu.memory_space<vmem>>
      %dma_wait3A_359 = arith.constant 1152 : i32
      %dma_wait3A_360 = tpu.memref_slice %arg7[%dma_wait3A_359] : memref<3200xi32, #tpu.memory_space<vmem>> -> memref<128xi32, #tpu.memory_space<vmem>>
      %dma_wait3A_361 = arith.constant 0 : i32
      %dma_wait3A_362 = arith.constant 0 : i32
      %dma_wait3A_363 = tpu.memref_slice %arg2[%dma_wait3A_361, %dma_wait3A_362] : memref<1000000x16xf32, #tpu.memory_space<hbm>> -> memref<1000000x16xf32, #tpu.memory_space<hbm>>
      tpu.wait_indirect_dma semaphore(%arg13 : memref<!tpu.dma_semaphore, #tpu.memory_space<semaphore_mem>>) src(%dma_wait3A_363 : memref<1000000x16xf32, #tpu.memory_space<hbm>>) dst(%dma_wait3A_358 : memref<128x16xf32, #tpu.memory_space<vmem>>)
      %dma_wait3A_364 = arith.constant 1280 : i32
      %dma_wait3A_365 = arith.constant 0 : i32
      %dma_wait3A_366 = tpu.memref_slice %arg8[%dma_wait3A_364, %dma_wait3A_365] : memref<3200x16xf32, #tpu.memory_space<vmem>> -> memref<128x16xf32, #tpu.memory_space<vmem>>
      %dma_wait3A_367 = arith.constant 1280 : i32
      %dma_wait3A_368 = tpu.memref_slice %arg7[%dma_wait3A_367] : memref<3200xi32, #tpu.memory_space<vmem>> -> memref<128xi32, #tpu.memory_space<vmem>>
      %dma_wait3A_369 = arith.constant 0 : i32
      %dma_wait3A_370 = arith.constant 0 : i32
      %dma_wait3A_371 = tpu.memref_slice %arg2[%dma_wait3A_369, %dma_wait3A_370] : memref<1000000x16xf32, #tpu.memory_space<hbm>> -> memref<1000000x16xf32, #tpu.memory_space<hbm>>
      tpu.wait_indirect_dma semaphore(%arg13 : memref<!tpu.dma_semaphore, #tpu.memory_space<semaphore_mem>>) src(%dma_wait3A_371 : memref<1000000x16xf32, #tpu.memory_space<hbm>>) dst(%dma_wait3A_366 : memref<128x16xf32, #tpu.memory_space<vmem>>)
      %dma_wait3A_372 = arith.constant 1408 : i32
      %dma_wait3A_373 = arith.constant 0 : i32
      %dma_wait3A_374 = tpu.memref_slice %arg8[%dma_wait3A_372, %dma_wait3A_373] : memref<3200x16xf32, #tpu.memory_space<vmem>> -> memref<128x16xf32, #tpu.memory_space<vmem>>
      %dma_wait3A_375 = arith.constant 1408 : i32
      %dma_wait3A_376 = tpu.memref_slice %arg7[%dma_wait3A_375] : memref<3200xi32, #tpu.memory_space<vmem>> -> memref<128xi32, #tpu.memory_space<vmem>>
      %dma_wait3A_377 = arith.constant 0 : i32
      %dma_wait3A_378 = arith.constant 0 : i32
      %dma_wait3A_379 = tpu.memref_slice %arg2[%dma_wait3A_377, %dma_wait3A_378] : memref<1000000x16xf32, #tpu.memory_space<hbm>> -> memref<1000000x16xf32, #tpu.memory_space<hbm>>
      tpu.wait_indirect_dma semaphore(%arg13 : memref<!tpu.dma_semaphore, #tpu.memory_space<semaphore_mem>>) src(%dma_wait3A_379 : memref<1000000x16xf32, #tpu.memory_space<hbm>>) dst(%dma_wait3A_374 : memref<128x16xf32, #tpu.memory_space<vmem>>)
      %dma_wait3A_380 = arith.constant 1536 : i32
      %dma_wait3A_381 = arith.constant 0 : i32
      %dma_wait3A_382 = tpu.memref_slice %arg8[%dma_wait3A_380, %dma_wait3A_381] : memref<3200x16xf32, #tpu.memory_space<vmem>> -> memref<128x16xf32, #tpu.memory_space<vmem>>
      %dma_wait3A_383 = arith.constant 1536 : i32
      %dma_wait3A_384 = tpu.memref_slice %arg7[%dma_wait3A_383] : memref<3200xi32, #tpu.memory_space<vmem>> -> memref<128xi32, #tpu.memory_space<vmem>>
      %dma_wait3A_385 = arith.constant 0 : i32
      %dma_wait3A_386 = arith.constant 0 : i32
      %dma_wait3A_387 = tpu.memref_slice %arg2[%dma_wait3A_385, %dma_wait3A_386] : memref<1000000x16xf32, #tpu.memory_space<hbm>> -> memref<1000000x16xf32, #tpu.memory_space<hbm>>
      tpu.wait_indirect_dma semaphore(%arg13 : memref<!tpu.dma_semaphore, #tpu.memory_space<semaphore_mem>>) src(%dma_wait3A_387 : memref<1000000x16xf32, #tpu.memory_space<hbm>>) dst(%dma_wait3A_382 : memref<128x16xf32, #tpu.memory_space<vmem>>)
      %dma_wait3A_388 = arith.constant 1664 : i32
      %dma_wait3A_389 = arith.constant 0 : i32
      %dma_wait3A_390 = tpu.memref_slice %arg8[%dma_wait3A_388, %dma_wait3A_389] : memref<3200x16xf32, #tpu.memory_space<vmem>> -> memref<128x16xf32, #tpu.memory_space<vmem>>
      %dma_wait3A_391 = arith.constant 1664 : i32
      %dma_wait3A_392 = tpu.memref_slice %arg7[%dma_wait3A_391] : memref<3200xi32, #tpu.memory_space<vmem>> -> memref<128xi32, #tpu.memory_space<vmem>>
      %dma_wait3A_393 = arith.constant 0 : i32
      %dma_wait3A_394 = arith.constant 0 : i32
      %dma_wait3A_395 = tpu.memref_slice %arg2[%dma_wait3A_393, %dma_wait3A_394] : memref<1000000x16xf32, #tpu.memory_space<hbm>> -> memref<1000000x16xf32, #tpu.memory_space<hbm>>
      tpu.wait_indirect_dma semaphore(%arg13 : memref<!tpu.dma_semaphore, #tpu.memory_space<semaphore_mem>>) src(%dma_wait3A_395 : memref<1000000x16xf32, #tpu.memory_space<hbm>>) dst(%dma_wait3A_390 : memref<128x16xf32, #tpu.memory_space<vmem>>)
      %dma_wait3A_396 = arith.constant 1792 : i32
      %dma_wait3A_397 = arith.constant 0 : i32
      %dma_wait3A_398 = tpu.memref_slice %arg8[%dma_wait3A_396, %dma_wait3A_397] : memref<3200x16xf32, #tpu.memory_space<vmem>> -> memref<128x16xf32, #tpu.memory_space<vmem>>
      %dma_wait3A_399 = arith.constant 1792 : i32
      %dma_wait3A_400 = tpu.memref_slice %arg7[%dma_wait3A_399] : memref<3200xi32, #tpu.memory_space<vmem>> -> memref<128xi32, #tpu.memory_space<vmem>>
      %dma_wait3A_401 = arith.constant 0 : i32
      %dma_wait3A_402 = arith.constant 0 : i32
      %dma_wait3A_403 = tpu.memref_slice %arg2[%dma_wait3A_401, %dma_wait3A_402] : memref<1000000x16xf32, #tpu.memory_space<hbm>> -> memref<1000000x16xf32, #tpu.memory_space<hbm>>
      tpu.wait_indirect_dma semaphore(%arg13 : memref<!tpu.dma_semaphore, #tpu.memory_space<semaphore_mem>>) src(%dma_wait3A_403 : memref<1000000x16xf32, #tpu.memory_space<hbm>>) dst(%dma_wait3A_398 : memref<128x16xf32, #tpu.memory_space<vmem>>)
      %dma_wait3A_404 = arith.constant 1920 : i32
      %dma_wait3A_405 = arith.constant 0 : i32
      %dma_wait3A_406 = tpu.memref_slice %arg8[%dma_wait3A_404, %dma_wait3A_405] : memref<3200x16xf32, #tpu.memory_space<vmem>> -> memref<128x16xf32, #tpu.memory_space<vmem>>
      %dma_wait3A_407 = arith.constant 1920 : i32
      %dma_wait3A_408 = tpu.memref_slice %arg7[%dma_wait3A_407] : memref<3200xi32, #tpu.memory_space<vmem>> -> memref<128xi32, #tpu.memory_space<vmem>>
      %dma_wait3A_409 = arith.constant 0 : i32
      %dma_wait3A_410 = arith.constant 0 : i32
      %dma_wait3A_411 = tpu.memref_slice %arg2[%dma_wait3A_409, %dma_wait3A_410] : memref<1000000x16xf32, #tpu.memory_space<hbm>> -> memref<1000000x16xf32, #tpu.memory_space<hbm>>
      tpu.wait_indirect_dma semaphore(%arg13 : memref<!tpu.dma_semaphore, #tpu.memory_space<semaphore_mem>>) src(%dma_wait3A_411 : memref<1000000x16xf32, #tpu.memory_space<hbm>>) dst(%dma_wait3A_406 : memref<128x16xf32, #tpu.memory_space<vmem>>)
      %dma_wait3A_412 = arith.constant 2048 : i32
      %dma_wait3A_413 = arith.constant 0 : i32
      %dma_wait3A_414 = tpu.memref_slice %arg8[%dma_wait3A_412, %dma_wait3A_413] : memref<3200x16xf32, #tpu.memory_space<vmem>> -> memref<128x16xf32, #tpu.memory_space<vmem>>
      %dma_wait3A_415 = arith.constant 2048 : i32
      %dma_wait3A_416 = tpu.memref_slice %arg7[%dma_wait3A_415] : memref<3200xi32, #tpu.memory_space<vmem>> -> memref<128xi32, #tpu.memory_space<vmem>>
      %dma_wait3A_417 = arith.constant 0 : i32
      %dma_wait3A_418 = arith.constant 0 : i32
      %dma_wait3A_419 = tpu.memref_slice %arg2[%dma_wait3A_417, %dma_wait3A_418] : memref<1000000x16xf32, #tpu.memory_space<hbm>> -> memref<1000000x16xf32, #tpu.memory_space<hbm>>
      tpu.wait_indirect_dma semaphore(%arg13 : memref<!tpu.dma_semaphore, #tpu.memory_space<semaphore_mem>>) src(%dma_wait3A_419 : memref<1000000x16xf32, #tpu.memory_space<hbm>>) dst(%dma_wait3A_414 : memref<128x16xf32, #tpu.memory_space<vmem>>)
      %dma_wait3A_420 = arith.constant 2176 : i32
      %dma_wait3A_421 = arith.constant 0 : i32
      %dma_wait3A_422 = tpu.memref_slice %arg8[%dma_wait3A_420, %dma_wait3A_421] : memref<3200x16xf32, #tpu.memory_space<vmem>> -> memref<128x16xf32, #tpu.memory_space<vmem>>
      %dma_wait3A_423 = arith.constant 2176 : i32
      %dma_wait3A_424 = tpu.memref_slice %arg7[%dma_wait3A_423] : memref<3200xi32, #tpu.memory_space<vmem>> -> memref<128xi32, #tpu.memory_space<vmem>>
      %dma_wait3A_425 = arith.constant 0 : i32
      %dma_wait3A_426 = arith.constant 0 : i32
      %dma_wait3A_427 = tpu.memref_slice %arg2[%dma_wait3A_425, %dma_wait3A_426] : memref<1000000x16xf32, #tpu.memory_space<hbm>> -> memref<1000000x16xf32, #tpu.memory_space<hbm>>
      tpu.wait_indirect_dma semaphore(%arg13 : memref<!tpu.dma_semaphore, #tpu.memory_space<semaphore_mem>>) src(%dma_wait3A_427 : memref<1000000x16xf32, #tpu.memory_space<hbm>>) dst(%dma_wait3A_422 : memref<128x16xf32, #tpu.memory_space<vmem>>)
      %dma_wait3A_428 = arith.constant 2304 : i32
      %dma_wait3A_429 = arith.constant 0 : i32
      %dma_wait3A_430 = tpu.memref_slice %arg8[%dma_wait3A_428, %dma_wait3A_429] : memref<3200x16xf32, #tpu.memory_space<vmem>> -> memref<128x16xf32, #tpu.memory_space<vmem>>
      %dma_wait3A_431 = arith.constant 2304 : i32
      %dma_wait3A_432 = tpu.memref_slice %arg7[%dma_wait3A_431] : memref<3200xi32, #tpu.memory_space<vmem>> -> memref<128xi32, #tpu.memory_space<vmem>>
      %dma_wait3A_433 = arith.constant 0 : i32
      %dma_wait3A_434 = arith.constant 0 : i32
      %dma_wait3A_435 = tpu.memref_slice %arg2[%dma_wait3A_433, %dma_wait3A_434] : memref<1000000x16xf32, #tpu.memory_space<hbm>> -> memref<1000000x16xf32, #tpu.memory_space<hbm>>
      tpu.wait_indirect_dma semaphore(%arg13 : memref<!tpu.dma_semaphore, #tpu.memory_space<semaphore_mem>>) src(%dma_wait3A_435 : memref<1000000x16xf32, #tpu.memory_space<hbm>>) dst(%dma_wait3A_430 : memref<128x16xf32, #tpu.memory_space<vmem>>)
      %dma_wait3A_436 = arith.constant 2432 : i32
      %dma_wait3A_437 = arith.constant 0 : i32
      %dma_wait3A_438 = tpu.memref_slice %arg8[%dma_wait3A_436, %dma_wait3A_437] : memref<3200x16xf32, #tpu.memory_space<vmem>> -> memref<128x16xf32, #tpu.memory_space<vmem>>
      %dma_wait3A_439 = arith.constant 2432 : i32
      %dma_wait3A_440 = tpu.memref_slice %arg7[%dma_wait3A_439] : memref<3200xi32, #tpu.memory_space<vmem>> -> memref<128xi32, #tpu.memory_space<vmem>>
      %dma_wait3A_441 = arith.constant 0 : i32
      %dma_wait3A_442 = arith.constant 0 : i32
      %dma_wait3A_443 = tpu.memref_slice %arg2[%dma_wait3A_441, %dma_wait3A_442] : memref<1000000x16xf32, #tpu.memory_space<hbm>> -> memref<1000000x16xf32, #tpu.memory_space<hbm>>
      tpu.wait_indirect_dma semaphore(%arg13 : memref<!tpu.dma_semaphore, #tpu.memory_space<semaphore_mem>>) src(%dma_wait3A_443 : memref<1000000x16xf32, #tpu.memory_space<hbm>>) dst(%dma_wait3A_438 : memref<128x16xf32, #tpu.memory_space<vmem>>)
      %dma_wait3A_444 = arith.constant 2560 : i32
      %dma_wait3A_445 = arith.constant 0 : i32
      %dma_wait3A_446 = tpu.memref_slice %arg8[%dma_wait3A_444, %dma_wait3A_445] : memref<3200x16xf32, #tpu.memory_space<vmem>> -> memref<128x16xf32, #tpu.memory_space<vmem>>
      %dma_wait3A_447 = arith.constant 2560 : i32
      %dma_wait3A_448 = tpu.memref_slice %arg7[%dma_wait3A_447] : memref<3200xi32, #tpu.memory_space<vmem>> -> memref<128xi32, #tpu.memory_space<vmem>>
      %dma_wait3A_449 = arith.constant 0 : i32
      %dma_wait3A_450 = arith.constant 0 : i32
      %dma_wait3A_451 = tpu.memref_slice %arg2[%dma_wait3A_449, %dma_wait3A_450] : memref<1000000x16xf32, #tpu.memory_space<hbm>> -> memref<1000000x16xf32, #tpu.memory_space<hbm>>
      tpu.wait_indirect_dma semaphore(%arg13 : memref<!tpu.dma_semaphore, #tpu.memory_space<semaphore_mem>>) src(%dma_wait3A_451 : memref<1000000x16xf32, #tpu.memory_space<hbm>>) dst(%dma_wait3A_446 : memref<128x16xf32, #tpu.memory_space<vmem>>)
      %dma_wait3A_452 = arith.constant 2688 : i32
      %dma_wait3A_453 = arith.constant 0 : i32
      %dma_wait3A_454 = tpu.memref_slice %arg8[%dma_wait3A_452, %dma_wait3A_453] : memref<3200x16xf32, #tpu.memory_space<vmem>> -> memref<128x16xf32, #tpu.memory_space<vmem>>
      %dma_wait3A_455 = arith.constant 2688 : i32
      %dma_wait3A_456 = tpu.memref_slice %arg7[%dma_wait3A_455] : memref<3200xi32, #tpu.memory_space<vmem>> -> memref<128xi32, #tpu.memory_space<vmem>>
      %dma_wait3A_457 = arith.constant 0 : i32
      %dma_wait3A_458 = arith.constant 0 : i32
      %dma_wait3A_459 = tpu.memref_slice %arg2[%dma_wait3A_457, %dma_wait3A_458] : memref<1000000x16xf32, #tpu.memory_space<hbm>> -> memref<1000000x16xf32, #tpu.memory_space<hbm>>
      tpu.wait_indirect_dma semaphore(%arg13 : memref<!tpu.dma_semaphore, #tpu.memory_space<semaphore_mem>>) src(%dma_wait3A_459 : memref<1000000x16xf32, #tpu.memory_space<hbm>>) dst(%dma_wait3A_454 : memref<128x16xf32, #tpu.memory_space<vmem>>)
      %dma_wait3A_460 = arith.constant 2816 : i32
      %dma_wait3A_461 = arith.constant 0 : i32
      %dma_wait3A_462 = tpu.memref_slice %arg8[%dma_wait3A_460, %dma_wait3A_461] : memref<3200x16xf32, #tpu.memory_space<vmem>> -> memref<128x16xf32, #tpu.memory_space<vmem>>
      %dma_wait3A_463 = arith.constant 2816 : i32
      %dma_wait3A_464 = tpu.memref_slice %arg7[%dma_wait3A_463] : memref<3200xi32, #tpu.memory_space<vmem>> -> memref<128xi32, #tpu.memory_space<vmem>>
      %dma_wait3A_465 = arith.constant 0 : i32
      %dma_wait3A_466 = arith.constant 0 : i32
      %dma_wait3A_467 = tpu.memref_slice %arg2[%dma_wait3A_465, %dma_wait3A_466] : memref<1000000x16xf32, #tpu.memory_space<hbm>> -> memref<1000000x16xf32, #tpu.memory_space<hbm>>
      tpu.wait_indirect_dma semaphore(%arg13 : memref<!tpu.dma_semaphore, #tpu.memory_space<semaphore_mem>>) src(%dma_wait3A_467 : memref<1000000x16xf32, #tpu.memory_space<hbm>>) dst(%dma_wait3A_462 : memref<128x16xf32, #tpu.memory_space<vmem>>)
      %dma_wait3A_468 = arith.constant 2944 : i32
      %dma_wait3A_469 = arith.constant 0 : i32
      %dma_wait3A_470 = tpu.memref_slice %arg8[%dma_wait3A_468, %dma_wait3A_469] : memref<3200x16xf32, #tpu.memory_space<vmem>> -> memref<128x16xf32, #tpu.memory_space<vmem>>
      %dma_wait3A_471 = arith.constant 2944 : i32
      %dma_wait3A_472 = tpu.memref_slice %arg7[%dma_wait3A_471] : memref<3200xi32, #tpu.memory_space<vmem>> -> memref<128xi32, #tpu.memory_space<vmem>>
      %dma_wait3A_473 = arith.constant 0 : i32
      %dma_wait3A_474 = arith.constant 0 : i32
      %dma_wait3A_475 = tpu.memref_slice %arg2[%dma_wait3A_473, %dma_wait3A_474] : memref<1000000x16xf32, #tpu.memory_space<hbm>> -> memref<1000000x16xf32, #tpu.memory_space<hbm>>
      tpu.wait_indirect_dma semaphore(%arg13 : memref<!tpu.dma_semaphore, #tpu.memory_space<semaphore_mem>>) src(%dma_wait3A_475 : memref<1000000x16xf32, #tpu.memory_space<hbm>>) dst(%dma_wait3A_470 : memref<128x16xf32, #tpu.memory_space<vmem>>)
      %dma_wait3A_476 = arith.constant 3072 : i32
      %dma_wait3A_477 = arith.constant 0 : i32
      %dma_wait3A_478 = tpu.memref_slice %arg8[%dma_wait3A_476, %dma_wait3A_477] : memref<3200x16xf32, #tpu.memory_space<vmem>> -> memref<128x16xf32, #tpu.memory_space<vmem>>
      %dma_wait3A_479 = arith.constant 3072 : i32
      %dma_wait3A_480 = tpu.memref_slice %arg7[%dma_wait3A_479] : memref<3200xi32, #tpu.memory_space<vmem>> -> memref<128xi32, #tpu.memory_space<vmem>>
      %dma_wait3A_481 = arith.constant 0 : i32
      %dma_wait3A_482 = arith.constant 0 : i32
      %dma_wait3A_483 = tpu.memref_slice %arg2[%dma_wait3A_481, %dma_wait3A_482] : memref<1000000x16xf32, #tpu.memory_space<hbm>> -> memref<1000000x16xf32, #tpu.memory_space<hbm>>
      tpu.wait_indirect_dma semaphore(%arg13 : memref<!tpu.dma_semaphore, #tpu.memory_space<semaphore_mem>>) src(%dma_wait3A_483 : memref<1000000x16xf32, #tpu.memory_space<hbm>>) dst(%dma_wait3A_478 : memref<128x16xf32, #tpu.memory_space<vmem>>)
      %scan3A_484 = arith.constant 0 : i32
      %scan3A_485 = arith.constant 25 : i32
      %scan3A_486 = arith.addi %scan3A_484, %scan3A_485 : i32
      %scan3A_487 = arith.constant 1 : i32
      %scan3A_488:4 = scf.for %scan3A_783 = %scan3A_484 to %scan3A_486 step %scan3A_487 iter_args(%scan3A_784 = %broadcast_in_dim3A_70, %scan3A_785 = %broadcast_in_dim3A_70, %scan3A_786 = %broadcast_in_dim3A_70, %scan3A_787 = %broadcast_in_dim3A_70) -> (vector<16xf32>, vector<16xf32>, vector<16xf32>, vector<16xf32>)  : i32 {
        %mul3A_788 = arith.constant 8 : i32
        %mul3A_789 = arith.muli %scan3A_783, %mul3A_788 : i32
        %add3A_790 = arith.constant 0 : i32
        %add3A_791 = arith.addi %add3A_790, %mul3A_789 : i32
        %get3A_792 = arith.index_cast %add3A_791 : i32 to index
        %get3A_793 = arith.constant 0 : index
        %get3A_794 = tpu.vector_load %arg8[%get3A_792, %get3A_793] {strides = array<i32>} : memref<3200x16xf32, #tpu.memory_space<vmem>>, vector<16xf32>,
        %add3A_795 = arith.addf %scan3A_784, %get3A_794 : vector<16xf32>
        %add3A_796 = arith.constant 4 : i32
        %add3A_797 = arith.addi %add3A_791, %add3A_796 : i32
        %get3A_798 = arith.index_cast %add3A_797 : i32 to index
        %get3A_799 = arith.constant 0 : index
        %get3A_800 = tpu.vector_load %arg8[%get3A_798, %get3A_799] {strides = array<i32>} : memref<3200x16xf32, #tpu.memory_space<vmem>>, vector<16xf32>,
        %add3A_801 = arith.addf %add3A_795, %get3A_800 : vector<16xf32>
        %add3A_802 = arith.constant 1 : i32
        %add3A_803 = arith.addi %add3A_791, %add3A_802 : i32
        %get3A_804 = arith.index_cast %add3A_803 : i32 to index
        %get3A_805 = arith.constant 0 : index
        %get3A_806 = tpu.vector_load %arg8[%get3A_804, %get3A_805] {strides = array<i32>} : memref<3200x16xf32, #tpu.memory_space<vmem>>, vector<16xf32>,
        %add3A_807 = arith.addf %scan3A_785, %get3A_806 : vector<16xf32>
        %add3A_808 = arith.constant 5 : i32
        %add3A_809 = arith.addi %add3A_791, %add3A_808 : i32
        %get3A_810 = arith.index_cast %add3A_809 : i32 to index
        %get3A_811 = arith.constant 0 : index
        %get3A_812 = tpu.vector_load %arg8[%get3A_810, %get3A_811] {strides = array<i32>} : memref<3200x16xf32, #tpu.memory_space<vmem>>, vector<16xf32>,
        %add3A_813 = arith.addf %add3A_807, %get3A_812 : vector<16xf32>
        %add3A_814 = arith.constant 2 : i32
        %add3A_815 = arith.addi %add3A_791, %add3A_814 : i32
        %get3A_816 = arith.index_cast %add3A_815 : i32 to index
        %get3A_817 = arith.constant 0 : index
        %get3A_818 = tpu.vector_load %arg8[%get3A_816, %get3A_817] {strides = array<i32>} : memref<3200x16xf32, #tpu.memory_space<vmem>>, vector<16xf32>,
        %add3A_819 = arith.addf %scan3A_786, %get3A_818 : vector<16xf32>
        %add3A_820 = arith.constant 6 : i32
        %add3A_821 = arith.addi %add3A_791, %add3A_820 : i32
        %get3A_822 = arith.index_cast %add3A_821 : i32 to index
        %get3A_823 = arith.constant 0 : index
        %get3A_824 = tpu.vector_load %arg8[%get3A_822, %get3A_823] {strides = array<i32>} : memref<3200x16xf32, #tpu.memory_space<vmem>>, vector<16xf32>,
        %add3A_825 = arith.addf %add3A_819, %get3A_824 : vector<16xf32>
        %add3A_826 = arith.constant 3 : i32
        %add3A_827 = arith.addi %add3A_791, %add3A_826 : i32
        %get3A_828 = arith.index_cast %add3A_827 : i32 to index
        %get3A_829 = arith.constant 0 : index
        %get3A_830 = tpu.vector_load %arg8[%get3A_828, %get3A_829] {strides = array<i32>} : memref<3200x16xf32, #tpu.memory_space<vmem>>, vector<16xf32>,
        %add3A_831 = arith.addf %scan3A_787, %get3A_830 : vector<16xf32>
        %add3A_832 = arith.constant 7 : i32
        %add3A_833 = arith.addi %add3A_791, %add3A_832 : i32
        %get3A_834 = arith.index_cast %add3A_833 : i32 to index
        %get3A_835 = arith.constant 0 : index
        %get3A_836 = tpu.vector_load %arg8[%get3A_834, %get3A_835] {strides = array<i32>} : memref<3200x16xf32, #tpu.memory_space<vmem>>, vector<16xf32>,
        %add3A_837 = arith.addf %add3A_831, %get3A_836 : vector<16xf32>
        scf.yield %add3A_801, %add3A_813, %add3A_825, %add3A_837 : vector<16xf32>, vector<16xf32>, vector<16xf32>, vector<16xf32>
      }
      %scan3A_489 = arith.constant 25 : i32
      %add3A_490 = arith.addf %scan3A_488#0, %scan3A_488#1 : vector<16xf32>
      %add3A_491 = arith.addf %scan3A_488#2, %scan3A_488#3 : vector<16xf32>
      %add3A_492 = arith.addf %add3A_490, %add3A_491 : vector<16xf32>
      %broadcast_in_dim3A_493 = arith.constant 0 : i32
      %broadcast_in_dim3A_494 = vector.broadcast %broadcast_in_dim3A_493 : i32 to vector<16xi32>
      tpu.vector_store_idx %arg11[%iota3A, %broadcast_in_dim3A_494], %add3A_492 : memref<16x16xf32, #tpu.memory_space<vmem>>[vector<16xi32>, vector<16xi32>], vector<16xf32>,
      %scan3A_495 = arith.constant 0 : i32
      %scan3A_496 = arith.constant 25 : i32
      %scan3A_497 = arith.addi %scan3A_495, %scan3A_496 : i32
      %scan3A_498 = arith.constant 1 : i32
      %scan3A_499:4 = scf.for %scan3A_783 = %scan3A_495 to %scan3A_497 step %scan3A_498 iter_args(%scan3A_784 = %broadcast_in_dim3A_70, %scan3A_785 = %broadcast_in_dim3A_70, %scan3A_786 = %broadcast_in_dim3A_70, %scan3A_787 = %broadcast_in_dim3A_70) -> (vector<16xf32>, vector<16xf32>, vector<16xf32>, vector<16xf32>)  : i32 {
        %mul3A_788 = arith.constant 8 : i32
        %mul3A_789 = arith.muli %scan3A_783, %mul3A_788 : i32
        %add3A_790 = arith.constant 200 : i32
        %add3A_791 = arith.addi %add3A_790, %mul3A_789 : i32
        %get3A_792 = arith.index_cast %add3A_791 : i32 to index
        %get3A_793 = arith.constant 0 : index
        %get3A_794 = tpu.vector_load %arg8[%get3A_792, %get3A_793] {strides = array<i32>} : memref<3200x16xf32, #tpu.memory_space<vmem>>, vector<16xf32>,
        %add3A_795 = arith.addf %scan3A_784, %get3A_794 : vector<16xf32>
        %add3A_796 = arith.constant 4 : i32
        %add3A_797 = arith.addi %add3A_791, %add3A_796 : i32
        %get3A_798 = arith.index_cast %add3A_797 : i32 to index
        %get3A_799 = arith.constant 0 : index
        %get3A_800 = tpu.vector_load %arg8[%get3A_798, %get3A_799] {strides = array<i32>} : memref<3200x16xf32, #tpu.memory_space<vmem>>, vector<16xf32>,
        %add3A_801 = arith.addf %add3A_795, %get3A_800 : vector<16xf32>
        %add3A_802 = arith.constant 1 : i32
        %add3A_803 = arith.addi %add3A_791, %add3A_802 : i32
        %get3A_804 = arith.index_cast %add3A_803 : i32 to index
        %get3A_805 = arith.constant 0 : index
        %get3A_806 = tpu.vector_load %arg8[%get3A_804, %get3A_805] {strides = array<i32>} : memref<3200x16xf32, #tpu.memory_space<vmem>>, vector<16xf32>,
        %add3A_807 = arith.addf %scan3A_785, %get3A_806 : vector<16xf32>
        %add3A_808 = arith.constant 5 : i32
        %add3A_809 = arith.addi %add3A_791, %add3A_808 : i32
        %get3A_810 = arith.index_cast %add3A_809 : i32 to index
        %get3A_811 = arith.constant 0 : index
        %get3A_812 = tpu.vector_load %arg8[%get3A_810, %get3A_811] {strides = array<i32>} : memref<3200x16xf32, #tpu.memory_space<vmem>>, vector<16xf32>,
        %add3A_813 = arith.addf %add3A_807, %get3A_812 : vector<16xf32>
        %add3A_814 = arith.constant 2 : i32
        %add3A_815 = arith.addi %add3A_791, %add3A_814 : i32
        %get3A_816 = arith.index_cast %add3A_815 : i32 to index
        %get3A_817 = arith.constant 0 : index
        %get3A_818 = tpu.vector_load %arg8[%get3A_816, %get3A_817] {strides = array<i32>} : memref<3200x16xf32, #tpu.memory_space<vmem>>, vector<16xf32>,
        %add3A_819 = arith.addf %scan3A_786, %get3A_818 : vector<16xf32>
        %add3A_820 = arith.constant 6 : i32
        %add3A_821 = arith.addi %add3A_791, %add3A_820 : i32
        %get3A_822 = arith.index_cast %add3A_821 : i32 to index
        %get3A_823 = arith.constant 0 : index
        %get3A_824 = tpu.vector_load %arg8[%get3A_822, %get3A_823] {strides = array<i32>} : memref<3200x16xf32, #tpu.memory_space<vmem>>, vector<16xf32>,
        %add3A_825 = arith.addf %add3A_819, %get3A_824 : vector<16xf32>
        %add3A_826 = arith.constant 3 : i32
        %add3A_827 = arith.addi %add3A_791, %add3A_826 : i32
        %get3A_828 = arith.index_cast %add3A_827 : i32 to index
        %get3A_829 = arith.constant 0 : index
        %get3A_830 = tpu.vector_load %arg8[%get3A_828, %get3A_829] {strides = array<i32>} : memref<3200x16xf32, #tpu.memory_space<vmem>>, vector<16xf32>,
        %add3A_831 = arith.addf %scan3A_787, %get3A_830 : vector<16xf32>
        %add3A_832 = arith.constant 7 : i32
        %add3A_833 = arith.addi %add3A_791, %add3A_832 : i32
        %get3A_834 = arith.index_cast %add3A_833 : i32 to index
        %get3A_835 = arith.constant 0 : index
        %get3A_836 = tpu.vector_load %arg8[%get3A_834, %get3A_835] {strides = array<i32>} : memref<3200x16xf32, #tpu.memory_space<vmem>>, vector<16xf32>,
        %add3A_837 = arith.addf %add3A_831, %get3A_836 : vector<16xf32>
        scf.yield %add3A_801, %add3A_813, %add3A_825, %add3A_837 : vector<16xf32>, vector<16xf32>, vector<16xf32>, vector<16xf32>
      }
      %scan3A_500 = arith.constant 25 : i32
      %add3A_501 = arith.addf %scan3A_499#0, %scan3A_499#1 : vector<16xf32>
      %add3A_502 = arith.addf %scan3A_499#2, %scan3A_499#3 : vector<16xf32>
      %add3A_503 = arith.addf %add3A_501, %add3A_502 : vector<16xf32>
      %broadcast_in_dim3A_504 = arith.constant 1 : i32
      %broadcast_in_dim3A_505 = vector.broadcast %broadcast_in_dim3A_504 : i32 to vector<16xi32>
      tpu.vector_store_idx %arg11[%iota3A, %broadcast_in_dim3A_505], %add3A_503 : memref<16x16xf32, #tpu.memory_space<vmem>>[vector<16xi32>, vector<16xi32>], vector<16xf32>,
      %scan3A_506 = arith.constant 0 : i32
      %scan3A_507 = arith.constant 25 : i32
      %scan3A_508 = arith.addi %scan3A_506, %scan3A_507 : i32
      %scan3A_509 = arith.constant 1 : i32
      %scan3A_510:4 = scf.for %scan3A_783 = %scan3A_506 to %scan3A_508 step %scan3A_509 iter_args(%scan3A_784 = %broadcast_in_dim3A_70, %scan3A_785 = %broadcast_in_dim3A_70, %scan3A_786 = %broadcast_in_dim3A_70, %scan3A_787 = %broadcast_in_dim3A_70) -> (vector<16xf32>, vector<16xf32>, vector<16xf32>, vector<16xf32>)  : i32 {
        %mul3A_788 = arith.constant 8 : i32
        %mul3A_789 = arith.muli %scan3A_783, %mul3A_788 : i32
        %add3A_790 = arith.constant 400 : i32
        %add3A_791 = arith.addi %add3A_790, %mul3A_789 : i32
        %get3A_792 = arith.index_cast %add3A_791 : i32 to index
        %get3A_793 = arith.constant 0 : index
        %get3A_794 = tpu.vector_load %arg8[%get3A_792, %get3A_793] {strides = array<i32>} : memref<3200x16xf32, #tpu.memory_space<vmem>>, vector<16xf32>,
        %add3A_795 = arith.addf %scan3A_784, %get3A_794 : vector<16xf32>
        %add3A_796 = arith.constant 4 : i32
        %add3A_797 = arith.addi %add3A_791, %add3A_796 : i32
        %get3A_798 = arith.index_cast %add3A_797 : i32 to index
        %get3A_799 = arith.constant 0 : index
        %get3A_800 = tpu.vector_load %arg8[%get3A_798, %get3A_799] {strides = array<i32>} : memref<3200x16xf32, #tpu.memory_space<vmem>>, vector<16xf32>,
        %add3A_801 = arith.addf %add3A_795, %get3A_800 : vector<16xf32>
        %add3A_802 = arith.constant 1 : i32
        %add3A_803 = arith.addi %add3A_791, %add3A_802 : i32
        %get3A_804 = arith.index_cast %add3A_803 : i32 to index
        %get3A_805 = arith.constant 0 : index
        %get3A_806 = tpu.vector_load %arg8[%get3A_804, %get3A_805] {strides = array<i32>} : memref<3200x16xf32, #tpu.memory_space<vmem>>, vector<16xf32>,
        %add3A_807 = arith.addf %scan3A_785, %get3A_806 : vector<16xf32>
        %add3A_808 = arith.constant 5 : i32
        %add3A_809 = arith.addi %add3A_791, %add3A_808 : i32
        %get3A_810 = arith.index_cast %add3A_809 : i32 to index
        %get3A_811 = arith.constant 0 : index
        %get3A_812 = tpu.vector_load %arg8[%get3A_810, %get3A_811] {strides = array<i32>} : memref<3200x16xf32, #tpu.memory_space<vmem>>, vector<16xf32>,
        %add3A_813 = arith.addf %add3A_807, %get3A_812 : vector<16xf32>
        %add3A_814 = arith.constant 2 : i32
        %add3A_815 = arith.addi %add3A_791, %add3A_814 : i32
        %get3A_816 = arith.index_cast %add3A_815 : i32 to index
        %get3A_817 = arith.constant 0 : index
        %get3A_818 = tpu.vector_load %arg8[%get3A_816, %get3A_817] {strides = array<i32>} : memref<3200x16xf32, #tpu.memory_space<vmem>>, vector<16xf32>,
        %add3A_819 = arith.addf %scan3A_786, %get3A_818 : vector<16xf32>
        %add3A_820 = arith.constant 6 : i32
        %add3A_821 = arith.addi %add3A_791, %add3A_820 : i32
        %get3A_822 = arith.index_cast %add3A_821 : i32 to index
        %get3A_823 = arith.constant 0 : index
        %get3A_824 = tpu.vector_load %arg8[%get3A_822, %get3A_823] {strides = array<i32>} : memref<3200x16xf32, #tpu.memory_space<vmem>>, vector<16xf32>,
        %add3A_825 = arith.addf %add3A_819, %get3A_824 : vector<16xf32>
        %add3A_826 = arith.constant 3 : i32
        %add3A_827 = arith.addi %add3A_791, %add3A_826 : i32
        %get3A_828 = arith.index_cast %add3A_827 : i32 to index
        %get3A_829 = arith.constant 0 : index
        %get3A_830 = tpu.vector_load %arg8[%get3A_828, %get3A_829] {strides = array<i32>} : memref<3200x16xf32, #tpu.memory_space<vmem>>, vector<16xf32>,
        %add3A_831 = arith.addf %scan3A_787, %get3A_830 : vector<16xf32>
        %add3A_832 = arith.constant 7 : i32
        %add3A_833 = arith.addi %add3A_791, %add3A_832 : i32
        %get3A_834 = arith.index_cast %add3A_833 : i32 to index
        %get3A_835 = arith.constant 0 : index
        %get3A_836 = tpu.vector_load %arg8[%get3A_834, %get3A_835] {strides = array<i32>} : memref<3200x16xf32, #tpu.memory_space<vmem>>, vector<16xf32>,
        %add3A_837 = arith.addf %add3A_831, %get3A_836 : vector<16xf32>
        scf.yield %add3A_801, %add3A_813, %add3A_825, %add3A_837 : vector<16xf32>, vector<16xf32>, vector<16xf32>, vector<16xf32>
      }
      %scan3A_511 = arith.constant 25 : i32
      %add3A_512 = arith.addf %scan3A_510#0, %scan3A_510#1 : vector<16xf32>
      %add3A_513 = arith.addf %scan3A_510#2, %scan3A_510#3 : vector<16xf32>
      %add3A_514 = arith.addf %add3A_512, %add3A_513 : vector<16xf32>
      %broadcast_in_dim3A_515 = arith.constant 2 : i32
      %broadcast_in_dim3A_516 = vector.broadcast %broadcast_in_dim3A_515 : i32 to vector<16xi32>
      tpu.vector_store_idx %arg11[%iota3A, %broadcast_in_dim3A_516], %add3A_514 : memref<16x16xf32, #tpu.memory_space<vmem>>[vector<16xi32>, vector<16xi32>], vector<16xf32>,
      %scan3A_517 = arith.constant 0 : i32
      %scan3A_518 = arith.constant 25 : i32
      %scan3A_519 = arith.addi %scan3A_517, %scan3A_518 : i32
      %scan3A_520 = arith.constant 1 : i32
      %scan3A_521:4 = scf.for %scan3A_783 = %scan3A_517 to %scan3A_519 step %scan3A_520 iter_args(%scan3A_784 = %broadcast_in_dim3A_70, %scan3A_785 = %broadcast_in_dim3A_70, %scan3A_786 = %broadcast_in_dim3A_70, %scan3A_787 = %broadcast_in_dim3A_70) -> (vector<16xf32>, vector<16xf32>, vector<16xf32>, vector<16xf32>)  : i32 {
        %mul3A_788 = arith.constant 8 : i32
        %mul3A_789 = arith.muli %scan3A_783, %mul3A_788 : i32
        %add3A_790 = arith.constant 600 : i32
        %add3A_791 = arith.addi %add3A_790, %mul3A_789 : i32
        %get3A_792 = arith.index_cast %add3A_791 : i32 to index
        %get3A_793 = arith.constant 0 : index
        %get3A_794 = tpu.vector_load %arg8[%get3A_792, %get3A_793] {strides = array<i32>} : memref<3200x16xf32, #tpu.memory_space<vmem>>, vector<16xf32>,
        %add3A_795 = arith.addf %scan3A_784, %get3A_794 : vector<16xf32>
        %add3A_796 = arith.constant 4 : i32
        %add3A_797 = arith.addi %add3A_791, %add3A_796 : i32
        %get3A_798 = arith.index_cast %add3A_797 : i32 to index
        %get3A_799 = arith.constant 0 : index
        %get3A_800 = tpu.vector_load %arg8[%get3A_798, %get3A_799] {strides = array<i32>} : memref<3200x16xf32, #tpu.memory_space<vmem>>, vector<16xf32>,
        %add3A_801 = arith.addf %add3A_795, %get3A_800 : vector<16xf32>
        %add3A_802 = arith.constant 1 : i32
        %add3A_803 = arith.addi %add3A_791, %add3A_802 : i32
        %get3A_804 = arith.index_cast %add3A_803 : i32 to index
        %get3A_805 = arith.constant 0 : index
        %get3A_806 = tpu.vector_load %arg8[%get3A_804, %get3A_805] {strides = array<i32>} : memref<3200x16xf32, #tpu.memory_space<vmem>>, vector<16xf32>,
        %add3A_807 = arith.addf %scan3A_785, %get3A_806 : vector<16xf32>
        %add3A_808 = arith.constant 5 : i32
        %add3A_809 = arith.addi %add3A_791, %add3A_808 : i32
        %get3A_810 = arith.index_cast %add3A_809 : i32 to index
        %get3A_811 = arith.constant 0 : index
        %get3A_812 = tpu.vector_load %arg8[%get3A_810, %get3A_811] {strides = array<i32>} : memref<3200x16xf32, #tpu.memory_space<vmem>>, vector<16xf32>,
        %add3A_813 = arith.addf %add3A_807, %get3A_812 : vector<16xf32>
        %add3A_814 = arith.constant 2 : i32
        %add3A_815 = arith.addi %add3A_791, %add3A_814 : i32
        %get3A_816 = arith.index_cast %add3A_815 : i32 to index
        %get3A_817 = arith.constant 0 : index
        %get3A_818 = tpu.vector_load %arg8[%get3A_816, %get3A_817] {strides = array<i32>} : memref<3200x16xf32, #tpu.memory_space<vmem>>, vector<16xf32>,
        %add3A_819 = arith.addf %scan3A_786, %get3A_818 : vector<16xf32>
        %add3A_820 = arith.constant 6 : i32
        %add3A_821 = arith.addi %add3A_791, %add3A_820 : i32
        %get3A_822 = arith.index_cast %add3A_821 : i32 to index
        %get3A_823 = arith.constant 0 : index
        %get3A_824 = tpu.vector_load %arg8[%get3A_822, %get3A_823] {strides = array<i32>} : memref<3200x16xf32, #tpu.memory_space<vmem>>, vector<16xf32>,
        %add3A_825 = arith.addf %add3A_819, %get3A_824 : vector<16xf32>
        %add3A_826 = arith.constant 3 : i32
        %add3A_827 = arith.addi %add3A_791, %add3A_826 : i32
        %get3A_828 = arith.index_cast %add3A_827 : i32 to index
        %get3A_829 = arith.constant 0 : index
        %get3A_830 = tpu.vector_load %arg8[%get3A_828, %get3A_829] {strides = array<i32>} : memref<3200x16xf32, #tpu.memory_space<vmem>>, vector<16xf32>,
        %add3A_831 = arith.addf %scan3A_787, %get3A_830 : vector<16xf32>
        %add3A_832 = arith.constant 7 : i32
        %add3A_833 = arith.addi %add3A_791, %add3A_832 : i32
        %get3A_834 = arith.index_cast %add3A_833 : i32 to index
        %get3A_835 = arith.constant 0 : index
        %get3A_836 = tpu.vector_load %arg8[%get3A_834, %get3A_835] {strides = array<i32>} : memref<3200x16xf32, #tpu.memory_space<vmem>>, vector<16xf32>,
        %add3A_837 = arith.addf %add3A_831, %get3A_836 : vector<16xf32>
        scf.yield %add3A_801, %add3A_813, %add3A_825, %add3A_837 : vector<16xf32>, vector<16xf32>, vector<16xf32>, vector<16xf32>
      }
      %scan3A_522 = arith.constant 25 : i32
      %add3A_523 = arith.addf %scan3A_521#0, %scan3A_521#1 : vector<16xf32>
      %add3A_524 = arith.addf %scan3A_521#2, %scan3A_521#3 : vector<16xf32>
      %add3A_525 = arith.addf %add3A_523, %add3A_524 : vector<16xf32>
      %broadcast_in_dim3A_526 = arith.constant 3 : i32
      %broadcast_in_dim3A_527 = vector.broadcast %broadcast_in_dim3A_526 : i32 to vector<16xi32>
      tpu.vector_store_idx %arg11[%iota3A, %broadcast_in_dim3A_527], %add3A_525 : memref<16x16xf32, #tpu.memory_space<vmem>>[vector<16xi32>, vector<16xi32>], vector<16xf32>,
      %scan3A_528 = arith.constant 0 : i32
      %scan3A_529 = arith.constant 25 : i32
      %scan3A_530 = arith.addi %scan3A_528, %scan3A_529 : i32
      %scan3A_531 = arith.constant 1 : i32
      %scan3A_532:4 = scf.for %scan3A_783 = %scan3A_528 to %scan3A_530 step %scan3A_531 iter_args(%scan3A_784 = %broadcast_in_dim3A_70, %scan3A_785 = %broadcast_in_dim3A_70, %scan3A_786 = %broadcast_in_dim3A_70, %scan3A_787 = %broadcast_in_dim3A_70) -> (vector<16xf32>, vector<16xf32>, vector<16xf32>, vector<16xf32>)  : i32 {
        %mul3A_788 = arith.constant 8 : i32
        %mul3A_789 = arith.muli %scan3A_783, %mul3A_788 : i32
        %add3A_790 = arith.constant 800 : i32
        %add3A_791 = arith.addi %add3A_790, %mul3A_789 : i32
        %get3A_792 = arith.index_cast %add3A_791 : i32 to index
        %get3A_793 = arith.constant 0 : index
        %get3A_794 = tpu.vector_load %arg8[%get3A_792, %get3A_793] {strides = array<i32>} : memref<3200x16xf32, #tpu.memory_space<vmem>>, vector<16xf32>,
        %add3A_795 = arith.addf %scan3A_784, %get3A_794 : vector<16xf32>
        %add3A_796 = arith.constant 4 : i32
        %add3A_797 = arith.addi %add3A_791, %add3A_796 : i32
        %get3A_798 = arith.index_cast %add3A_797 : i32 to index
        %get3A_799 = arith.constant 0 : index
        %get3A_800 = tpu.vector_load %arg8[%get3A_798, %get3A_799] {strides = array<i32>} : memref<3200x16xf32, #tpu.memory_space<vmem>>, vector<16xf32>,
        %add3A_801 = arith.addf %add3A_795, %get3A_800 : vector<16xf32>
        %add3A_802 = arith.constant 1 : i32
        %add3A_803 = arith.addi %add3A_791, %add3A_802 : i32
        %get3A_804 = arith.index_cast %add3A_803 : i32 to index
        %get3A_805 = arith.constant 0 : index
        %get3A_806 = tpu.vector_load %arg8[%get3A_804, %get3A_805] {strides = array<i32>} : memref<3200x16xf32, #tpu.memory_space<vmem>>, vector<16xf32>,
        %add3A_807 = arith.addf %scan3A_785, %get3A_806 : vector<16xf32>
        %add3A_808 = arith.constant 5 : i32
        %add3A_809 = arith.addi %add3A_791, %add3A_808 : i32
        %get3A_810 = arith.index_cast %add3A_809 : i32 to index
        %get3A_811 = arith.constant 0 : index
        %get3A_812 = tpu.vector_load %arg8[%get3A_810, %get3A_811] {strides = array<i32>} : memref<3200x16xf32, #tpu.memory_space<vmem>>, vector<16xf32>,
        %add3A_813 = arith.addf %add3A_807, %get3A_812 : vector<16xf32>
        %add3A_814 = arith.constant 2 : i32
        %add3A_815 = arith.addi %add3A_791, %add3A_814 : i32
        %get3A_816 = arith.index_cast %add3A_815 : i32 to index
        %get3A_817 = arith.constant 0 : index
        %get3A_818 = tpu.vector_load %arg8[%get3A_816, %get3A_817] {strides = array<i32>} : memref<3200x16xf32, #tpu.memory_space<vmem>>, vector<16xf32>,
        %add3A_819 = arith.addf %scan3A_786, %get3A_818 : vector<16xf32>
        %add3A_820 = arith.constant 6 : i32
        %add3A_821 = arith.addi %add3A_791, %add3A_820 : i32
        %get3A_822 = arith.index_cast %add3A_821 : i32 to index
        %get3A_823 = arith.constant 0 : index
        %get3A_824 = tpu.vector_load %arg8[%get3A_822, %get3A_823] {strides = array<i32>} : memref<3200x16xf32, #tpu.memory_space<vmem>>, vector<16xf32>,
        %add3A_825 = arith.addf %add3A_819, %get3A_824 : vector<16xf32>
        %add3A_826 = arith.constant 3 : i32
        %add3A_827 = arith.addi %add3A_791, %add3A_826 : i32
        %get3A_828 = arith.index_cast %add3A_827 : i32 to index
        %get3A_829 = arith.constant 0 : index
        %get3A_830 = tpu.vector_load %arg8[%get3A_828, %get3A_829] {strides = array<i32>} : memref<3200x16xf32, #tpu.memory_space<vmem>>, vector<16xf32>,
        %add3A_831 = arith.addf %scan3A_787, %get3A_830 : vector<16xf32>
        %add3A_832 = arith.constant 7 : i32
        %add3A_833 = arith.addi %add3A_791, %add3A_832 : i32
        %get3A_834 = arith.index_cast %add3A_833 : i32 to index
        %get3A_835 = arith.constant 0 : index
        %get3A_836 = tpu.vector_load %arg8[%get3A_834, %get3A_835] {strides = array<i32>} : memref<3200x16xf32, #tpu.memory_space<vmem>>, vector<16xf32>,
        %add3A_837 = arith.addf %add3A_831, %get3A_836 : vector<16xf32>
        scf.yield %add3A_801, %add3A_813, %add3A_825, %add3A_837 : vector<16xf32>, vector<16xf32>, vector<16xf32>, vector<16xf32>
      }
      %scan3A_533 = arith.constant 25 : i32
      %add3A_534 = arith.addf %scan3A_532#0, %scan3A_532#1 : vector<16xf32>
      %add3A_535 = arith.addf %scan3A_532#2, %scan3A_532#3 : vector<16xf32>
      %add3A_536 = arith.addf %add3A_534, %add3A_535 : vector<16xf32>
      %broadcast_in_dim3A_537 = arith.constant 4 : i32
      %broadcast_in_dim3A_538 = vector.broadcast %broadcast_in_dim3A_537 : i32 to vector<16xi32>
      tpu.vector_store_idx %arg11[%iota3A, %broadcast_in_dim3A_538], %add3A_536 : memref<16x16xf32, #tpu.memory_space<vmem>>[vector<16xi32>, vector<16xi32>], vector<16xf32>,
      %scan3A_539 = arith.constant 0 : i32
      %scan3A_540 = arith.constant 25 : i32
      %scan3A_541 = arith.addi %scan3A_539, %scan3A_540 : i32
      %scan3A_542 = arith.constant 1 : i32
      %scan3A_543:4 = scf.for %scan3A_783 = %scan3A_539 to %scan3A_541 step %scan3A_542 iter_args(%scan3A_784 = %broadcast_in_dim3A_70, %scan3A_785 = %broadcast_in_dim3A_70, %scan3A_786 = %broadcast_in_dim3A_70, %scan3A_787 = %broadcast_in_dim3A_70) -> (vector<16xf32>, vector<16xf32>, vector<16xf32>, vector<16xf32>)  : i32 {
        %mul3A_788 = arith.constant 8 : i32
        %mul3A_789 = arith.muli %scan3A_783, %mul3A_788 : i32
        %add3A_790 = arith.constant 1000 : i32
        %add3A_791 = arith.addi %add3A_790, %mul3A_789 : i32
        %get3A_792 = arith.index_cast %add3A_791 : i32 to index
        %get3A_793 = arith.constant 0 : index
        %get3A_794 = tpu.vector_load %arg8[%get3A_792, %get3A_793] {strides = array<i32>} : memref<3200x16xf32, #tpu.memory_space<vmem>>, vector<16xf32>,
        %add3A_795 = arith.addf %scan3A_784, %get3A_794 : vector<16xf32>
        %add3A_796 = arith.constant 4 : i32
        %add3A_797 = arith.addi %add3A_791, %add3A_796 : i32
        %get3A_798 = arith.index_cast %add3A_797 : i32 to index
        %get3A_799 = arith.constant 0 : index
        %get3A_800 = tpu.vector_load %arg8[%get3A_798, %get3A_799] {strides = array<i32>} : memref<3200x16xf32, #tpu.memory_space<vmem>>, vector<16xf32>,
        %add3A_801 = arith.addf %add3A_795, %get3A_800 : vector<16xf32>
        %add3A_802 = arith.constant 1 : i32
        %add3A_803 = arith.addi %add3A_791, %add3A_802 : i32
        %get3A_804 = arith.index_cast %add3A_803 : i32 to index
        %get3A_805 = arith.constant 0 : index
        %get3A_806 = tpu.vector_load %arg8[%get3A_804, %get3A_805] {strides = array<i32>} : memref<3200x16xf32, #tpu.memory_space<vmem>>, vector<16xf32>,
        %add3A_807 = arith.addf %scan3A_785, %get3A_806 : vector<16xf32>
        %add3A_808 = arith.constant 5 : i32
        %add3A_809 = arith.addi %add3A_791, %add3A_808 : i32
        %get3A_810 = arith.index_cast %add3A_809 : i32 to index
        %get3A_811 = arith.constant 0 : index
        %get3A_812 = tpu.vector_load %arg8[%get3A_810, %get3A_811] {strides = array<i32>} : memref<3200x16xf32, #tpu.memory_space<vmem>>, vector<16xf32>,
        %add3A_813 = arith.addf %add3A_807, %get3A_812 : vector<16xf32>
        %add3A_814 = arith.constant 2 : i32
        %add3A_815 = arith.addi %add3A_791, %add3A_814 : i32
        %get3A_816 = arith.index_cast %add3A_815 : i32 to index
        %get3A_817 = arith.constant 0 : index
        %get3A_818 = tpu.vector_load %arg8[%get3A_816, %get3A_817] {strides = array<i32>} : memref<3200x16xf32, #tpu.memory_space<vmem>>, vector<16xf32>,
        %add3A_819 = arith.addf %scan3A_786, %get3A_818 : vector<16xf32>
        %add3A_820 = arith.constant 6 : i32
        %add3A_821 = arith.addi %add3A_791, %add3A_820 : i32
        %get3A_822 = arith.index_cast %add3A_821 : i32 to index
        %get3A_823 = arith.constant 0 : index
        %get3A_824 = tpu.vector_load %arg8[%get3A_822, %get3A_823] {strides = array<i32>} : memref<3200x16xf32, #tpu.memory_space<vmem>>, vector<16xf32>,
        %add3A_825 = arith.addf %add3A_819, %get3A_824 : vector<16xf32>
        %add3A_826 = arith.constant 3 : i32
        %add3A_827 = arith.addi %add3A_791, %add3A_826 : i32
        %get3A_828 = arith.index_cast %add3A_827 : i32 to index
        %get3A_829 = arith.constant 0 : index
        %get3A_830 = tpu.vector_load %arg8[%get3A_828, %get3A_829] {strides = array<i32>} : memref<3200x16xf32, #tpu.memory_space<vmem>>, vector<16xf32>,
        %add3A_831 = arith.addf %scan3A_787, %get3A_830 : vector<16xf32>
        %add3A_832 = arith.constant 7 : i32
        %add3A_833 = arith.addi %add3A_791, %add3A_832 : i32
        %get3A_834 = arith.index_cast %add3A_833 : i32 to index
        %get3A_835 = arith.constant 0 : index
        %get3A_836 = tpu.vector_load %arg8[%get3A_834, %get3A_835] {strides = array<i32>} : memref<3200x16xf32, #tpu.memory_space<vmem>>, vector<16xf32>,
        %add3A_837 = arith.addf %add3A_831, %get3A_836 : vector<16xf32>
        scf.yield %add3A_801, %add3A_813, %add3A_825, %add3A_837 : vector<16xf32>, vector<16xf32>, vector<16xf32>, vector<16xf32>
      }
      %scan3A_544 = arith.constant 25 : i32
      %add3A_545 = arith.addf %scan3A_543#0, %scan3A_543#1 : vector<16xf32>
      %add3A_546 = arith.addf %scan3A_543#2, %scan3A_543#3 : vector<16xf32>
      %add3A_547 = arith.addf %add3A_545, %add3A_546 : vector<16xf32>
      %broadcast_in_dim3A_548 = arith.constant 5 : i32
      %broadcast_in_dim3A_549 = vector.broadcast %broadcast_in_dim3A_548 : i32 to vector<16xi32>
      tpu.vector_store_idx %arg11[%iota3A, %broadcast_in_dim3A_549], %add3A_547 : memref<16x16xf32, #tpu.memory_space<vmem>>[vector<16xi32>, vector<16xi32>], vector<16xf32>,
      %scan3A_550 = arith.constant 0 : i32
      %scan3A_551 = arith.constant 25 : i32
      %scan3A_552 = arith.addi %scan3A_550, %scan3A_551 : i32
      %scan3A_553 = arith.constant 1 : i32
      %scan3A_554:4 = scf.for %scan3A_783 = %scan3A_550 to %scan3A_552 step %scan3A_553 iter_args(%scan3A_784 = %broadcast_in_dim3A_70, %scan3A_785 = %broadcast_in_dim3A_70, %scan3A_786 = %broadcast_in_dim3A_70, %scan3A_787 = %broadcast_in_dim3A_70) -> (vector<16xf32>, vector<16xf32>, vector<16xf32>, vector<16xf32>)  : i32 {
        %mul3A_788 = arith.constant 8 : i32
        %mul3A_789 = arith.muli %scan3A_783, %mul3A_788 : i32
        %add3A_790 = arith.constant 1200 : i32
        %add3A_791 = arith.addi %add3A_790, %mul3A_789 : i32
        %get3A_792 = arith.index_cast %add3A_791 : i32 to index
        %get3A_793 = arith.constant 0 : index
        %get3A_794 = tpu.vector_load %arg8[%get3A_792, %get3A_793] {strides = array<i32>} : memref<3200x16xf32, #tpu.memory_space<vmem>>, vector<16xf32>,
        %add3A_795 = arith.addf %scan3A_784, %get3A_794 : vector<16xf32>
        %add3A_796 = arith.constant 4 : i32
        %add3A_797 = arith.addi %add3A_791, %add3A_796 : i32
        %get3A_798 = arith.index_cast %add3A_797 : i32 to index
        %get3A_799 = arith.constant 0 : index
        %get3A_800 = tpu.vector_load %arg8[%get3A_798, %get3A_799] {strides = array<i32>} : memref<3200x16xf32, #tpu.memory_space<vmem>>, vector<16xf32>,
        %add3A_801 = arith.addf %add3A_795, %get3A_800 : vector<16xf32>
        %add3A_802 = arith.constant 1 : i32
        %add3A_803 = arith.addi %add3A_791, %add3A_802 : i32
        %get3A_804 = arith.index_cast %add3A_803 : i32 to index
        %get3A_805 = arith.constant 0 : index
        %get3A_806 = tpu.vector_load %arg8[%get3A_804, %get3A_805] {strides = array<i32>} : memref<3200x16xf32, #tpu.memory_space<vmem>>, vector<16xf32>,
        %add3A_807 = arith.addf %scan3A_785, %get3A_806 : vector<16xf32>
        %add3A_808 = arith.constant 5 : i32
        %add3A_809 = arith.addi %add3A_791, %add3A_808 : i32
        %get3A_810 = arith.index_cast %add3A_809 : i32 to index
        %get3A_811 = arith.constant 0 : index
        %get3A_812 = tpu.vector_load %arg8[%get3A_810, %get3A_811] {strides = array<i32>} : memref<3200x16xf32, #tpu.memory_space<vmem>>, vector<16xf32>,
        %add3A_813 = arith.addf %add3A_807, %get3A_812 : vector<16xf32>
        %add3A_814 = arith.constant 2 : i32
        %add3A_815 = arith.addi %add3A_791, %add3A_814 : i32
        %get3A_816 = arith.index_cast %add3A_815 : i32 to index
        %get3A_817 = arith.constant 0 : index
        %get3A_818 = tpu.vector_load %arg8[%get3A_816, %get3A_817] {strides = array<i32>} : memref<3200x16xf32, #tpu.memory_space<vmem>>, vector<16xf32>,
        %add3A_819 = arith.addf %scan3A_786, %get3A_818 : vector<16xf32>
        %add3A_820 = arith.constant 6 : i32
        %add3A_821 = arith.addi %add3A_791, %add3A_820 : i32
        %get3A_822 = arith.index_cast %add3A_821 : i32 to index
        %get3A_823 = arith.constant 0 : index
        %get3A_824 = tpu.vector_load %arg8[%get3A_822, %get3A_823] {strides = array<i32>} : memref<3200x16xf32, #tpu.memory_space<vmem>>, vector<16xf32>,
        %add3A_825 = arith.addf %add3A_819, %get3A_824 : vector<16xf32>
        %add3A_826 = arith.constant 3 : i32
        %add3A_827 = arith.addi %add3A_791, %add3A_826 : i32
        %get3A_828 = arith.index_cast %add3A_827 : i32 to index
        %get3A_829 = arith.constant 0 : index
        %get3A_830 = tpu.vector_load %arg8[%get3A_828, %get3A_829] {strides = array<i32>} : memref<3200x16xf32, #tpu.memory_space<vmem>>, vector<16xf32>,
        %add3A_831 = arith.addf %scan3A_787, %get3A_830 : vector<16xf32>
        %add3A_832 = arith.constant 7 : i32
        %add3A_833 = arith.addi %add3A_791, %add3A_832 : i32
        %get3A_834 = arith.index_cast %add3A_833 : i32 to index
        %get3A_835 = arith.constant 0 : index
        %get3A_836 = tpu.vector_load %arg8[%get3A_834, %get3A_835] {strides = array<i32>} : memref<3200x16xf32, #tpu.memory_space<vmem>>, vector<16xf32>,
        %add3A_837 = arith.addf %add3A_831, %get3A_836 : vector<16xf32>
        scf.yield %add3A_801, %add3A_813, %add3A_825, %add3A_837 : vector<16xf32>, vector<16xf32>, vector<16xf32>, vector<16xf32>
      }
      %scan3A_555 = arith.constant 25 : i32
      %add3A_556 = arith.addf %scan3A_554#0, %scan3A_554#1 : vector<16xf32>
      %add3A_557 = arith.addf %scan3A_554#2, %scan3A_554#3 : vector<16xf32>
      %add3A_558 = arith.addf %add3A_556, %add3A_557 : vector<16xf32>
      %broadcast_in_dim3A_559 = arith.constant 6 : i32
      %broadcast_in_dim3A_560 = vector.broadcast %broadcast_in_dim3A_559 : i32 to vector<16xi32>
      tpu.vector_store_idx %arg11[%iota3A, %broadcast_in_dim3A_560], %add3A_558 : memref<16x16xf32, #tpu.memory_space<vmem>>[vector<16xi32>, vector<16xi32>], vector<16xf32>,
      %scan3A_561 = arith.constant 0 : i32
      %scan3A_562 = arith.constant 25 : i32
      %scan3A_563 = arith.addi %scan3A_561, %scan3A_562 : i32
      %scan3A_564 = arith.constant 1 : i32
      %scan3A_565:4 = scf.for %scan3A_783 = %scan3A_561 to %scan3A_563 step %scan3A_564 iter_args(%scan3A_784 = %broadcast_in_dim3A_70, %scan3A_785 = %broadcast_in_dim3A_70, %scan3A_786 = %broadcast_in_dim3A_70, %scan3A_787 = %broadcast_in_dim3A_70) -> (vector<16xf32>, vector<16xf32>, vector<16xf32>, vector<16xf32>)  : i32 {
        %mul3A_788 = arith.constant 8 : i32
        %mul3A_789 = arith.muli %scan3A_783, %mul3A_788 : i32
        %add3A_790 = arith.constant 1400 : i32
        %add3A_791 = arith.addi %add3A_790, %mul3A_789 : i32
        %get3A_792 = arith.index_cast %add3A_791 : i32 to index
        %get3A_793 = arith.constant 0 : index
        %get3A_794 = tpu.vector_load %arg8[%get3A_792, %get3A_793] {strides = array<i32>} : memref<3200x16xf32, #tpu.memory_space<vmem>>, vector<16xf32>,
        %add3A_795 = arith.addf %scan3A_784, %get3A_794 : vector<16xf32>
        %add3A_796 = arith.constant 4 : i32
        %add3A_797 = arith.addi %add3A_791, %add3A_796 : i32
        %get3A_798 = arith.index_cast %add3A_797 : i32 to index
        %get3A_799 = arith.constant 0 : index
        %get3A_800 = tpu.vector_load %arg8[%get3A_798, %get3A_799] {strides = array<i32>} : memref<3200x16xf32, #tpu.memory_space<vmem>>, vector<16xf32>,
        %add3A_801 = arith.addf %add3A_795, %get3A_800 : vector<16xf32>
        %add3A_802 = arith.constant 1 : i32
        %add3A_803 = arith.addi %add3A_791, %add3A_802 : i32
        %get3A_804 = arith.index_cast %add3A_803 : i32 to index
        %get3A_805 = arith.constant 0 : index
        %get3A_806 = tpu.vector_load %arg8[%get3A_804, %get3A_805] {strides = array<i32>} : memref<3200x16xf32, #tpu.memory_space<vmem>>, vector<16xf32>,
        %add3A_807 = arith.addf %scan3A_785, %get3A_806 : vector<16xf32>
        %add3A_808 = arith.constant 5 : i32
        %add3A_809 = arith.addi %add3A_791, %add3A_808 : i32
        %get3A_810 = arith.index_cast %add3A_809 : i32 to index
        %get3A_811 = arith.constant 0 : index
        %get3A_812 = tpu.vector_load %arg8[%get3A_810, %get3A_811] {strides = array<i32>} : memref<3200x16xf32, #tpu.memory_space<vmem>>, vector<16xf32>,
        %add3A_813 = arith.addf %add3A_807, %get3A_812 : vector<16xf32>
        %add3A_814 = arith.constant 2 : i32
        %add3A_815 = arith.addi %add3A_791, %add3A_814 : i32
        %get3A_816 = arith.index_cast %add3A_815 : i32 to index
        %get3A_817 = arith.constant 0 : index
        %get3A_818 = tpu.vector_load %arg8[%get3A_816, %get3A_817] {strides = array<i32>} : memref<3200x16xf32, #tpu.memory_space<vmem>>, vector<16xf32>,
        %add3A_819 = arith.addf %scan3A_786, %get3A_818 : vector<16xf32>
        %add3A_820 = arith.constant 6 : i32
        %add3A_821 = arith.addi %add3A_791, %add3A_820 : i32
        %get3A_822 = arith.index_cast %add3A_821 : i32 to index
        %get3A_823 = arith.constant 0 : index
        %get3A_824 = tpu.vector_load %arg8[%get3A_822, %get3A_823] {strides = array<i32>} : memref<3200x16xf32, #tpu.memory_space<vmem>>, vector<16xf32>,
        %add3A_825 = arith.addf %add3A_819, %get3A_824 : vector<16xf32>
        %add3A_826 = arith.constant 3 : i32
        %add3A_827 = arith.addi %add3A_791, %add3A_826 : i32
        %get3A_828 = arith.index_cast %add3A_827 : i32 to index
        %get3A_829 = arith.constant 0 : index
        %get3A_830 = tpu.vector_load %arg8[%get3A_828, %get3A_829] {strides = array<i32>} : memref<3200x16xf32, #tpu.memory_space<vmem>>, vector<16xf32>,
        %add3A_831 = arith.addf %scan3A_787, %get3A_830 : vector<16xf32>
        %add3A_832 = arith.constant 7 : i32
        %add3A_833 = arith.addi %add3A_791, %add3A_832 : i32
        %get3A_834 = arith.index_cast %add3A_833 : i32 to index
        %get3A_835 = arith.constant 0 : index
        %get3A_836 = tpu.vector_load %arg8[%get3A_834, %get3A_835] {strides = array<i32>} : memref<3200x16xf32, #tpu.memory_space<vmem>>, vector<16xf32>,
        %add3A_837 = arith.addf %add3A_831, %get3A_836 : vector<16xf32>
        scf.yield %add3A_801, %add3A_813, %add3A_825, %add3A_837 : vector<16xf32>, vector<16xf32>, vector<16xf32>, vector<16xf32>
      }
      %scan3A_566 = arith.constant 25 : i32
      %add3A_567 = arith.addf %scan3A_565#0, %scan3A_565#1 : vector<16xf32>
      %add3A_568 = arith.addf %scan3A_565#2, %scan3A_565#3 : vector<16xf32>
      %add3A_569 = arith.addf %add3A_567, %add3A_568 : vector<16xf32>
      %broadcast_in_dim3A_570 = arith.constant 7 : i32
      %broadcast_in_dim3A_571 = vector.broadcast %broadcast_in_dim3A_570 : i32 to vector<16xi32>
      tpu.vector_store_idx %arg11[%iota3A, %broadcast_in_dim3A_571], %add3A_569 : memref<16x16xf32, #tpu.memory_space<vmem>>[vector<16xi32>, vector<16xi32>], vector<16xf32>,
      %scan3A_572 = arith.constant 0 : i32
      %scan3A_573 = arith.constant 25 : i32
      %scan3A_574 = arith.addi %scan3A_572, %scan3A_573 : i32
      %scan3A_575 = arith.constant 1 : i32
      %scan3A_576:4 = scf.for %scan3A_783 = %scan3A_572 to %scan3A_574 step %scan3A_575 iter_args(%scan3A_784 = %broadcast_in_dim3A_70, %scan3A_785 = %broadcast_in_dim3A_70, %scan3A_786 = %broadcast_in_dim3A_70, %scan3A_787 = %broadcast_in_dim3A_70) -> (vector<16xf32>, vector<16xf32>, vector<16xf32>, vector<16xf32>)  : i32 {
        %mul3A_788 = arith.constant 8 : i32
        %mul3A_789 = arith.muli %scan3A_783, %mul3A_788 : i32
        %add3A_790 = arith.constant 1600 : i32
        %add3A_791 = arith.addi %add3A_790, %mul3A_789 : i32
        %get3A_792 = arith.index_cast %add3A_791 : i32 to index
        %get3A_793 = arith.constant 0 : index
        %get3A_794 = tpu.vector_load %arg8[%get3A_792, %get3A_793] {strides = array<i32>} : memref<3200x16xf32, #tpu.memory_space<vmem>>, vector<16xf32>,
        %add3A_795 = arith.addf %scan3A_784, %get3A_794 : vector<16xf32>
        %add3A_796 = arith.constant 4 : i32
        %add3A_797 = arith.addi %add3A_791, %add3A_796 : i32
        %get3A_798 = arith.index_cast %add3A_797 : i32 to index
        %get3A_799 = arith.constant 0 : index
        %get3A_800 = tpu.vector_load %arg8[%get3A_798, %get3A_799] {strides = array<i32>} : memref<3200x16xf32, #tpu.memory_space<vmem>>, vector<16xf32>,
        %add3A_801 = arith.addf %add3A_795, %get3A_800 : vector<16xf32>
        %add3A_802 = arith.constant 1 : i32
        %add3A_803 = arith.addi %add3A_791, %add3A_802 : i32
        %get3A_804 = arith.index_cast %add3A_803 : i32 to index
        %get3A_805 = arith.constant 0 : index
        %get3A_806 = tpu.vector_load %arg8[%get3A_804, %get3A_805] {strides = array<i32>} : memref<3200x16xf32, #tpu.memory_space<vmem>>, vector<16xf32>,
        %add3A_807 = arith.addf %scan3A_785, %get3A_806 : vector<16xf32>
        %add3A_808 = arith.constant 5 : i32
        %add3A_809 = arith.addi %add3A_791, %add3A_808 : i32
        %get3A_810 = arith.index_cast %add3A_809 : i32 to index
        %get3A_811 = arith.constant 0 : index
        %get3A_812 = tpu.vector_load %arg8[%get3A_810, %get3A_811] {strides = array<i32>} : memref<3200x16xf32, #tpu.memory_space<vmem>>, vector<16xf32>,
        %add3A_813 = arith.addf %add3A_807, %get3A_812 : vector<16xf32>
        %add3A_814 = arith.constant 2 : i32
        %add3A_815 = arith.addi %add3A_791, %add3A_814 : i32
        %get3A_816 = arith.index_cast %add3A_815 : i32 to index
        %get3A_817 = arith.constant 0 : index
        %get3A_818 = tpu.vector_load %arg8[%get3A_816, %get3A_817] {strides = array<i32>} : memref<3200x16xf32, #tpu.memory_space<vmem>>, vector<16xf32>,
        %add3A_819 = arith.addf %scan3A_786, %get3A_818 : vector<16xf32>
        %add3A_820 = arith.constant 6 : i32
        %add3A_821 = arith.addi %add3A_791, %add3A_820 : i32
        %get3A_822 = arith.index_cast %add3A_821 : i32 to index
        %get3A_823 = arith.constant 0 : index
        %get3A_824 = tpu.vector_load %arg8[%get3A_822, %get3A_823] {strides = array<i32>} : memref<3200x16xf32, #tpu.memory_space<vmem>>, vector<16xf32>,
        %add3A_825 = arith.addf %add3A_819, %get3A_824 : vector<16xf32>
        %add3A_826 = arith.constant 3 : i32
        %add3A_827 = arith.addi %add3A_791, %add3A_826 : i32
        %get3A_828 = arith.index_cast %add3A_827 : i32 to index
        %get3A_829 = arith.constant 0 : index
        %get3A_830 = tpu.vector_load %arg8[%get3A_828, %get3A_829] {strides = array<i32>} : memref<3200x16xf32, #tpu.memory_space<vmem>>, vector<16xf32>,
        %add3A_831 = arith.addf %scan3A_787, %get3A_830 : vector<16xf32>
        %add3A_832 = arith.constant 7 : i32
        %add3A_833 = arith.addi %add3A_791, %add3A_832 : i32
        %get3A_834 = arith.index_cast %add3A_833 : i32 to index
        %get3A_835 = arith.constant 0 : index
        %get3A_836 = tpu.vector_load %arg8[%get3A_834, %get3A_835] {strides = array<i32>} : memref<3200x16xf32, #tpu.memory_space<vmem>>, vector<16xf32>,
        %add3A_837 = arith.addf %add3A_831, %get3A_836 : vector<16xf32>
        scf.yield %add3A_801, %add3A_813, %add3A_825, %add3A_837 : vector<16xf32>, vector<16xf32>, vector<16xf32>, vector<16xf32>
      }
      %scan3A_577 = arith.constant 25 : i32
      %add3A_578 = arith.addf %scan3A_576#0, %scan3A_576#1 : vector<16xf32>
      %add3A_579 = arith.addf %scan3A_576#2, %scan3A_576#3 : vector<16xf32>
      %add3A_580 = arith.addf %add3A_578, %add3A_579 : vector<16xf32>
      %broadcast_in_dim3A_581 = arith.constant 8 : i32
      %broadcast_in_dim3A_582 = vector.broadcast %broadcast_in_dim3A_581 : i32 to vector<16xi32>
      tpu.vector_store_idx %arg11[%iota3A, %broadcast_in_dim3A_582], %add3A_580 : memref<16x16xf32, #tpu.memory_space<vmem>>[vector<16xi32>, vector<16xi32>], vector<16xf32>,
      %scan3A_583 = arith.constant 0 : i32
      %scan3A_584 = arith.constant 25 : i32
      %scan3A_585 = arith.addi %scan3A_583, %scan3A_584 : i32
      %scan3A_586 = arith.constant 1 : i32
      %scan3A_587:4 = scf.for %scan3A_783 = %scan3A_583 to %scan3A_585 step %scan3A_586 iter_args(%scan3A_784 = %broadcast_in_dim3A_70, %scan3A_785 = %broadcast_in_dim3A_70, %scan3A_786 = %broadcast_in_dim3A_70, %scan3A_787 = %broadcast_in_dim3A_70) -> (vector<16xf32>, vector<16xf32>, vector<16xf32>, vector<16xf32>)  : i32 {
        %mul3A_788 = arith.constant 8 : i32
        %mul3A_789 = arith.muli %scan3A_783, %mul3A_788 : i32
        %add3A_790 = arith.constant 1800 : i32
        %add3A_791 = arith.addi %add3A_790, %mul3A_789 : i32
        %get3A_792 = arith.index_cast %add3A_791 : i32 to index
        %get3A_793 = arith.constant 0 : index
        %get3A_794 = tpu.vector_load %arg8[%get3A_792, %get3A_793] {strides = array<i32>} : memref<3200x16xf32, #tpu.memory_space<vmem>>, vector<16xf32>,
        %add3A_795 = arith.addf %scan3A_784, %get3A_794 : vector<16xf32>
        %add3A_796 = arith.constant 4 : i32
        %add3A_797 = arith.addi %add3A_791, %add3A_796 : i32
        %get3A_798 = arith.index_cast %add3A_797 : i32 to index
        %get3A_799 = arith.constant 0 : index
        %get3A_800 = tpu.vector_load %arg8[%get3A_798, %get3A_799] {strides = array<i32>} : memref<3200x16xf32, #tpu.memory_space<vmem>>, vector<16xf32>,
        %add3A_801 = arith.addf %add3A_795, %get3A_800 : vector<16xf32>
        %add3A_802 = arith.constant 1 : i32
        %add3A_803 = arith.addi %add3A_791, %add3A_802 : i32
        %get3A_804 = arith.index_cast %add3A_803 : i32 to index
        %get3A_805 = arith.constant 0 : index
        %get3A_806 = tpu.vector_load %arg8[%get3A_804, %get3A_805] {strides = array<i32>} : memref<3200x16xf32, #tpu.memory_space<vmem>>, vector<16xf32>,
        %add3A_807 = arith.addf %scan3A_785, %get3A_806 : vector<16xf32>
        %add3A_808 = arith.constant 5 : i32
        %add3A_809 = arith.addi %add3A_791, %add3A_808 : i32
        %get3A_810 = arith.index_cast %add3A_809 : i32 to index
        %get3A_811 = arith.constant 0 : index
        %get3A_812 = tpu.vector_load %arg8[%get3A_810, %get3A_811] {strides = array<i32>} : memref<3200x16xf32, #tpu.memory_space<vmem>>, vector<16xf32>,
        %add3A_813 = arith.addf %add3A_807, %get3A_812 : vector<16xf32>
        %add3A_814 = arith.constant 2 : i32
        %add3A_815 = arith.addi %add3A_791, %add3A_814 : i32
        %get3A_816 = arith.index_cast %add3A_815 : i32 to index
        %get3A_817 = arith.constant 0 : index
        %get3A_818 = tpu.vector_load %arg8[%get3A_816, %get3A_817] {strides = array<i32>} : memref<3200x16xf32, #tpu.memory_space<vmem>>, vector<16xf32>,
        %add3A_819 = arith.addf %scan3A_786, %get3A_818 : vector<16xf32>
        %add3A_820 = arith.constant 6 : i32
        %add3A_821 = arith.addi %add3A_791, %add3A_820 : i32
        %get3A_822 = arith.index_cast %add3A_821 : i32 to index
        %get3A_823 = arith.constant 0 : index
        %get3A_824 = tpu.vector_load %arg8[%get3A_822, %get3A_823] {strides = array<i32>} : memref<3200x16xf32, #tpu.memory_space<vmem>>, vector<16xf32>,
        %add3A_825 = arith.addf %add3A_819, %get3A_824 : vector<16xf32>
        %add3A_826 = arith.constant 3 : i32
        %add3A_827 = arith.addi %add3A_791, %add3A_826 : i32
        %get3A_828 = arith.index_cast %add3A_827 : i32 to index
        %get3A_829 = arith.constant 0 : index
        %get3A_830 = tpu.vector_load %arg8[%get3A_828, %get3A_829] {strides = array<i32>} : memref<3200x16xf32, #tpu.memory_space<vmem>>, vector<16xf32>,
        %add3A_831 = arith.addf %scan3A_787, %get3A_830 : vector<16xf32>
        %add3A_832 = arith.constant 7 : i32
        %add3A_833 = arith.addi %add3A_791, %add3A_832 : i32
        %get3A_834 = arith.index_cast %add3A_833 : i32 to index
        %get3A_835 = arith.constant 0 : index
        %get3A_836 = tpu.vector_load %arg8[%get3A_834, %get3A_835] {strides = array<i32>} : memref<3200x16xf32, #tpu.memory_space<vmem>>, vector<16xf32>,
        %add3A_837 = arith.addf %add3A_831, %get3A_836 : vector<16xf32>
        scf.yield %add3A_801, %add3A_813, %add3A_825, %add3A_837 : vector<16xf32>, vector<16xf32>, vector<16xf32>, vector<16xf32>
      }
      %scan3A_588 = arith.constant 25 : i32
      %add3A_589 = arith.addf %scan3A_587#0, %scan3A_587#1 : vector<16xf32>
      %add3A_590 = arith.addf %scan3A_587#2, %scan3A_587#3 : vector<16xf32>
      %add3A_591 = arith.addf %add3A_589, %add3A_590 : vector<16xf32>
      %broadcast_in_dim3A_592 = arith.constant 9 : i32
      %broadcast_in_dim3A_593 = vector.broadcast %broadcast_in_dim3A_592 : i32 to vector<16xi32>
      tpu.vector_store_idx %arg11[%iota3A, %broadcast_in_dim3A_593], %add3A_591 : memref<16x16xf32, #tpu.memory_space<vmem>>[vector<16xi32>, vector<16xi32>], vector<16xf32>,
      %scan3A_594 = arith.constant 0 : i32
      %scan3A_595 = arith.constant 25 : i32
      %scan3A_596 = arith.addi %scan3A_594, %scan3A_595 : i32
      %scan3A_597 = arith.constant 1 : i32
      %scan3A_598:4 = scf.for %scan3A_783 = %scan3A_594 to %scan3A_596 step %scan3A_597 iter_args(%scan3A_784 = %broadcast_in_dim3A_70, %scan3A_785 = %broadcast_in_dim3A_70, %scan3A_786 = %broadcast_in_dim3A_70, %scan3A_787 = %broadcast_in_dim3A_70) -> (vector<16xf32>, vector<16xf32>, vector<16xf32>, vector<16xf32>)  : i32 {
        %mul3A_788 = arith.constant 8 : i32
        %mul3A_789 = arith.muli %scan3A_783, %mul3A_788 : i32
        %add3A_790 = arith.constant 2000 : i32
        %add3A_791 = arith.addi %add3A_790, %mul3A_789 : i32
        %get3A_792 = arith.index_cast %add3A_791 : i32 to index
        %get3A_793 = arith.constant 0 : index
        %get3A_794 = tpu.vector_load %arg8[%get3A_792, %get3A_793] {strides = array<i32>} : memref<3200x16xf32, #tpu.memory_space<vmem>>, vector<16xf32>,
        %add3A_795 = arith.addf %scan3A_784, %get3A_794 : vector<16xf32>
        %add3A_796 = arith.constant 4 : i32
        %add3A_797 = arith.addi %add3A_791, %add3A_796 : i32
        %get3A_798 = arith.index_cast %add3A_797 : i32 to index
        %get3A_799 = arith.constant 0 : index
        %get3A_800 = tpu.vector_load %arg8[%get3A_798, %get3A_799] {strides = array<i32>} : memref<3200x16xf32, #tpu.memory_space<vmem>>, vector<16xf32>,
        %add3A_801 = arith.addf %add3A_795, %get3A_800 : vector<16xf32>
        %add3A_802 = arith.constant 1 : i32
        %add3A_803 = arith.addi %add3A_791, %add3A_802 : i32
        %get3A_804 = arith.index_cast %add3A_803 : i32 to index
        %get3A_805 = arith.constant 0 : index
        %get3A_806 = tpu.vector_load %arg8[%get3A_804, %get3A_805] {strides = array<i32>} : memref<3200x16xf32, #tpu.memory_space<vmem>>, vector<16xf32>,
        %add3A_807 = arith.addf %scan3A_785, %get3A_806 : vector<16xf32>
        %add3A_808 = arith.constant 5 : i32
        %add3A_809 = arith.addi %add3A_791, %add3A_808 : i32
        %get3A_810 = arith.index_cast %add3A_809 : i32 to index
        %get3A_811 = arith.constant 0 : index
        %get3A_812 = tpu.vector_load %arg8[%get3A_810, %get3A_811] {strides = array<i32>} : memref<3200x16xf32, #tpu.memory_space<vmem>>, vector<16xf32>,
        %add3A_813 = arith.addf %add3A_807, %get3A_812 : vector<16xf32>
        %add3A_814 = arith.constant 2 : i32
        %add3A_815 = arith.addi %add3A_791, %add3A_814 : i32
        %get3A_816 = arith.index_cast %add3A_815 : i32 to index
        %get3A_817 = arith.constant 0 : index
        %get3A_818 = tpu.vector_load %arg8[%get3A_816, %get3A_817] {strides = array<i32>} : memref<3200x16xf32, #tpu.memory_space<vmem>>, vector<16xf32>,
        %add3A_819 = arith.addf %scan3A_786, %get3A_818 : vector<16xf32>
        %add3A_820 = arith.constant 6 : i32
        %add3A_821 = arith.addi %add3A_791, %add3A_820 : i32
        %get3A_822 = arith.index_cast %add3A_821 : i32 to index
        %get3A_823 = arith.constant 0 : index
        %get3A_824 = tpu.vector_load %arg8[%get3A_822, %get3A_823] {strides = array<i32>} : memref<3200x16xf32, #tpu.memory_space<vmem>>, vector<16xf32>,
        %add3A_825 = arith.addf %add3A_819, %get3A_824 : vector<16xf32>
        %add3A_826 = arith.constant 3 : i32
        %add3A_827 = arith.addi %add3A_791, %add3A_826 : i32
        %get3A_828 = arith.index_cast %add3A_827 : i32 to index
        %get3A_829 = arith.constant 0 : index
        %get3A_830 = tpu.vector_load %arg8[%get3A_828, %get3A_829] {strides = array<i32>} : memref<3200x16xf32, #tpu.memory_space<vmem>>, vector<16xf32>,
        %add3A_831 = arith.addf %scan3A_787, %get3A_830 : vector<16xf32>
        %add3A_832 = arith.constant 7 : i32
        %add3A_833 = arith.addi %add3A_791, %add3A_832 : i32
        %get3A_834 = arith.index_cast %add3A_833 : i32 to index
        %get3A_835 = arith.constant 0 : index
        %get3A_836 = tpu.vector_load %arg8[%get3A_834, %get3A_835] {strides = array<i32>} : memref<3200x16xf32, #tpu.memory_space<vmem>>, vector<16xf32>,
        %add3A_837 = arith.addf %add3A_831, %get3A_836 : vector<16xf32>
        scf.yield %add3A_801, %add3A_813, %add3A_825, %add3A_837 : vector<16xf32>, vector<16xf32>, vector<16xf32>, vector<16xf32>
      }
      %scan3A_599 = arith.constant 25 : i32
      %add3A_600 = arith.addf %scan3A_598#0, %scan3A_598#1 : vector<16xf32>
      %add3A_601 = arith.addf %scan3A_598#2, %scan3A_598#3 : vector<16xf32>
      %add3A_602 = arith.addf %add3A_600, %add3A_601 : vector<16xf32>
      %broadcast_in_dim3A_603 = arith.constant 10 : i32
      %broadcast_in_dim3A_604 = vector.broadcast %broadcast_in_dim3A_603 : i32 to vector<16xi32>
      tpu.vector_store_idx %arg11[%iota3A, %broadcast_in_dim3A_604], %add3A_602 : memref<16x16xf32, #tpu.memory_space<vmem>>[vector<16xi32>, vector<16xi32>], vector<16xf32>,
      %scan3A_605 = arith.constant 0 : i32
      %scan3A_606 = arith.constant 25 : i32
      %scan3A_607 = arith.addi %scan3A_605, %scan3A_606 : i32
      %scan3A_608 = arith.constant 1 : i32
      %scan3A_609:4 = scf.for %scan3A_783 = %scan3A_605 to %scan3A_607 step %scan3A_608 iter_args(%scan3A_784 = %broadcast_in_dim3A_70, %scan3A_785 = %broadcast_in_dim3A_70, %scan3A_786 = %broadcast_in_dim3A_70, %scan3A_787 = %broadcast_in_dim3A_70) -> (vector<16xf32>, vector<16xf32>, vector<16xf32>, vector<16xf32>)  : i32 {
        %mul3A_788 = arith.constant 8 : i32
        %mul3A_789 = arith.muli %scan3A_783, %mul3A_788 : i32
        %add3A_790 = arith.constant 2200 : i32
        %add3A_791 = arith.addi %add3A_790, %mul3A_789 : i32
        %get3A_792 = arith.index_cast %add3A_791 : i32 to index
        %get3A_793 = arith.constant 0 : index
        %get3A_794 = tpu.vector_load %arg8[%get3A_792, %get3A_793] {strides = array<i32>} : memref<3200x16xf32, #tpu.memory_space<vmem>>, vector<16xf32>,
        %add3A_795 = arith.addf %scan3A_784, %get3A_794 : vector<16xf32>
        %add3A_796 = arith.constant 4 : i32
        %add3A_797 = arith.addi %add3A_791, %add3A_796 : i32
        %get3A_798 = arith.index_cast %add3A_797 : i32 to index
        %get3A_799 = arith.constant 0 : index
        %get3A_800 = tpu.vector_load %arg8[%get3A_798, %get3A_799] {strides = array<i32>} : memref<3200x16xf32, #tpu.memory_space<vmem>>, vector<16xf32>,
        %add3A_801 = arith.addf %add3A_795, %get3A_800 : vector<16xf32>
        %add3A_802 = arith.constant 1 : i32
        %add3A_803 = arith.addi %add3A_791, %add3A_802 : i32
        %get3A_804 = arith.index_cast %add3A_803 : i32 to index
        %get3A_805 = arith.constant 0 : index
        %get3A_806 = tpu.vector_load %arg8[%get3A_804, %get3A_805] {strides = array<i32>} : memref<3200x16xf32, #tpu.memory_space<vmem>>, vector<16xf32>,
        %add3A_807 = arith.addf %scan3A_785, %get3A_806 : vector<16xf32>
        %add3A_808 = arith.constant 5 : i32
        %add3A_809 = arith.addi %add3A_791, %add3A_808 : i32
        %get3A_810 = arith.index_cast %add3A_809 : i32 to index
        %get3A_811 = arith.constant 0 : index
        %get3A_812 = tpu.vector_load %arg8[%get3A_810, %get3A_811] {strides = array<i32>} : memref<3200x16xf32, #tpu.memory_space<vmem>>, vector<16xf32>,
        %add3A_813 = arith.addf %add3A_807, %get3A_812 : vector<16xf32>
        %add3A_814 = arith.constant 2 : i32
        %add3A_815 = arith.addi %add3A_791, %add3A_814 : i32
        %get3A_816 = arith.index_cast %add3A_815 : i32 to index
        %get3A_817 = arith.constant 0 : index
        %get3A_818 = tpu.vector_load %arg8[%get3A_816, %get3A_817] {strides = array<i32>} : memref<3200x16xf32, #tpu.memory_space<vmem>>, vector<16xf32>,
        %add3A_819 = arith.addf %scan3A_786, %get3A_818 : vector<16xf32>
        %add3A_820 = arith.constant 6 : i32
        %add3A_821 = arith.addi %add3A_791, %add3A_820 : i32
        %get3A_822 = arith.index_cast %add3A_821 : i32 to index
        %get3A_823 = arith.constant 0 : index
        %get3A_824 = tpu.vector_load %arg8[%get3A_822, %get3A_823] {strides = array<i32>} : memref<3200x16xf32, #tpu.memory_space<vmem>>, vector<16xf32>,
        %add3A_825 = arith.addf %add3A_819, %get3A_824 : vector<16xf32>
        %add3A_826 = arith.constant 3 : i32
        %add3A_827 = arith.addi %add3A_791, %add3A_826 : i32
        %get3A_828 = arith.index_cast %add3A_827 : i32 to index
        %get3A_829 = arith.constant 0 : index
        %get3A_830 = tpu.vector_load %arg8[%get3A_828, %get3A_829] {strides = array<i32>} : memref<3200x16xf32, #tpu.memory_space<vmem>>, vector<16xf32>,
        %add3A_831 = arith.addf %scan3A_787, %get3A_830 : vector<16xf32>
        %add3A_832 = arith.constant 7 : i32
        %add3A_833 = arith.addi %add3A_791, %add3A_832 : i32
        %get3A_834 = arith.index_cast %add3A_833 : i32 to index
        %get3A_835 = arith.constant 0 : index
        %get3A_836 = tpu.vector_load %arg8[%get3A_834, %get3A_835] {strides = array<i32>} : memref<3200x16xf32, #tpu.memory_space<vmem>>, vector<16xf32>,
        %add3A_837 = arith.addf %add3A_831, %get3A_836 : vector<16xf32>
        scf.yield %add3A_801, %add3A_813, %add3A_825, %add3A_837 : vector<16xf32>, vector<16xf32>, vector<16xf32>, vector<16xf32>
      }
      %scan3A_610 = arith.constant 25 : i32
      %add3A_611 = arith.addf %scan3A_609#0, %scan3A_609#1 : vector<16xf32>
      %add3A_612 = arith.addf %scan3A_609#2, %scan3A_609#3 : vector<16xf32>
      %add3A_613 = arith.addf %add3A_611, %add3A_612 : vector<16xf32>
      %broadcast_in_dim3A_614 = arith.constant 11 : i32
      %broadcast_in_dim3A_615 = vector.broadcast %broadcast_in_dim3A_614 : i32 to vector<16xi32>
      tpu.vector_store_idx %arg11[%iota3A, %broadcast_in_dim3A_615], %add3A_613 : memref<16x16xf32, #tpu.memory_space<vmem>>[vector<16xi32>, vector<16xi32>], vector<16xf32>,
      %scan3A_616 = arith.constant 0 : i32
      %scan3A_617 = arith.constant 25 : i32
      %scan3A_618 = arith.addi %scan3A_616, %scan3A_617 : i32
      %scan3A_619 = arith.constant 1 : i32
      %scan3A_620:4 = scf.for %scan3A_783 = %scan3A_616 to %scan3A_618 step %scan3A_619 iter_args(%scan3A_784 = %broadcast_in_dim3A_70, %scan3A_785 = %broadcast_in_dim3A_70, %scan3A_786 = %broadcast_in_dim3A_70, %scan3A_787 = %broadcast_in_dim3A_70) -> (vector<16xf32>, vector<16xf32>, vector<16xf32>, vector<16xf32>)  : i32 {
        %mul3A_788 = arith.constant 8 : i32
        %mul3A_789 = arith.muli %scan3A_783, %mul3A_788 : i32
        %add3A_790 = arith.constant 2400 : i32
        %add3A_791 = arith.addi %add3A_790, %mul3A_789 : i32
        %get3A_792 = arith.index_cast %add3A_791 : i32 to index
        %get3A_793 = arith.constant 0 : index
        %get3A_794 = tpu.vector_load %arg8[%get3A_792, %get3A_793] {strides = array<i32>} : memref<3200x16xf32, #tpu.memory_space<vmem>>, vector<16xf32>,
        %add3A_795 = arith.addf %scan3A_784, %get3A_794 : vector<16xf32>
        %add3A_796 = arith.constant 4 : i32
        %add3A_797 = arith.addi %add3A_791, %add3A_796 : i32
        %get3A_798 = arith.index_cast %add3A_797 : i32 to index
        %get3A_799 = arith.constant 0 : index
        %get3A_800 = tpu.vector_load %arg8[%get3A_798, %get3A_799] {strides = array<i32>} : memref<3200x16xf32, #tpu.memory_space<vmem>>, vector<16xf32>,
        %add3A_801 = arith.addf %add3A_795, %get3A_800 : vector<16xf32>
        %add3A_802 = arith.constant 1 : i32
        %add3A_803 = arith.addi %add3A_791, %add3A_802 : i32
        %get3A_804 = arith.index_cast %add3A_803 : i32 to index
        %get3A_805 = arith.constant 0 : index
        %get3A_806 = tpu.vector_load %arg8[%get3A_804, %get3A_805] {strides = array<i32>} : memref<3200x16xf32, #tpu.memory_space<vmem>>, vector<16xf32>,
        %add3A_807 = arith.addf %scan3A_785, %get3A_806 : vector<16xf32>
        %add3A_808 = arith.constant 5 : i32
        %add3A_809 = arith.addi %add3A_791, %add3A_808 : i32
        %get3A_810 = arith.index_cast %add3A_809 : i32 to index
        %get3A_811 = arith.constant 0 : index
        %get3A_812 = tpu.vector_load %arg8[%get3A_810, %get3A_811] {strides = array<i32>} : memref<3200x16xf32, #tpu.memory_space<vmem>>, vector<16xf32>,
        %add3A_813 = arith.addf %add3A_807, %get3A_812 : vector<16xf32>
        %add3A_814 = arith.constant 2 : i32
        %add3A_815 = arith.addi %add3A_791, %add3A_814 : i32
        %get3A_816 = arith.index_cast %add3A_815 : i32 to index
        %get3A_817 = arith.constant 0 : index
        %get3A_818 = tpu.vector_load %arg8[%get3A_816, %get3A_817] {strides = array<i32>} : memref<3200x16xf32, #tpu.memory_space<vmem>>, vector<16xf32>,
        %add3A_819 = arith.addf %scan3A_786, %get3A_818 : vector<16xf32>
        %add3A_820 = arith.constant 6 : i32
        %add3A_821 = arith.addi %add3A_791, %add3A_820 : i32
        %get3A_822 = arith.index_cast %add3A_821 : i32 to index
        %get3A_823 = arith.constant 0 : index
        %get3A_824 = tpu.vector_load %arg8[%get3A_822, %get3A_823] {strides = array<i32>} : memref<3200x16xf32, #tpu.memory_space<vmem>>, vector<16xf32>,
        %add3A_825 = arith.addf %add3A_819, %get3A_824 : vector<16xf32>
        %add3A_826 = arith.constant 3 : i32
        %add3A_827 = arith.addi %add3A_791, %add3A_826 : i32
        %get3A_828 = arith.index_cast %add3A_827 : i32 to index
        %get3A_829 = arith.constant 0 : index
        %get3A_830 = tpu.vector_load %arg8[%get3A_828, %get3A_829] {strides = array<i32>} : memref<3200x16xf32, #tpu.memory_space<vmem>>, vector<16xf32>,
        %add3A_831 = arith.addf %scan3A_787, %get3A_830 : vector<16xf32>
        %add3A_832 = arith.constant 7 : i32
        %add3A_833 = arith.addi %add3A_791, %add3A_832 : i32
        %get3A_834 = arith.index_cast %add3A_833 : i32 to index
        %get3A_835 = arith.constant 0 : index
        %get3A_836 = tpu.vector_load %arg8[%get3A_834, %get3A_835] {strides = array<i32>} : memref<3200x16xf32, #tpu.memory_space<vmem>>, vector<16xf32>,
        %add3A_837 = arith.addf %add3A_831, %get3A_836 : vector<16xf32>
        scf.yield %add3A_801, %add3A_813, %add3A_825, %add3A_837 : vector<16xf32>, vector<16xf32>, vector<16xf32>, vector<16xf32>
      }
      %scan3A_621 = arith.constant 25 : i32
      %add3A_622 = arith.addf %scan3A_620#0, %scan3A_620#1 : vector<16xf32>
      %add3A_623 = arith.addf %scan3A_620#2, %scan3A_620#3 : vector<16xf32>
      %add3A_624 = arith.addf %add3A_622, %add3A_623 : vector<16xf32>
      %broadcast_in_dim3A_625 = arith.constant 12 : i32
      %broadcast_in_dim3A_626 = vector.broadcast %broadcast_in_dim3A_625 : i32 to vector<16xi32>
      tpu.vector_store_idx %arg11[%iota3A, %broadcast_in_dim3A_626], %add3A_624 : memref<16x16xf32, #tpu.memory_space<vmem>>[vector<16xi32>, vector<16xi32>], vector<16xf32>,
      %scan3A_627 = arith.constant 0 : i32
      %scan3A_628 = arith.constant 25 : i32
      %scan3A_629 = arith.addi %scan3A_627, %scan3A_628 : i32
      %scan3A_630 = arith.constant 1 : i32
      %scan3A_631:4 = scf.for %scan3A_783 = %scan3A_627 to %scan3A_629 step %scan3A_630 iter_args(%scan3A_784 = %broadcast_in_dim3A_70, %scan3A_785 = %broadcast_in_dim3A_70, %scan3A_786 = %broadcast_in_dim3A_70, %scan3A_787 = %broadcast_in_dim3A_70) -> (vector<16xf32>, vector<16xf32>, vector<16xf32>, vector<16xf32>)  : i32 {
        %mul3A_788 = arith.constant 8 : i32
        %mul3A_789 = arith.muli %scan3A_783, %mul3A_788 : i32
        %add3A_790 = arith.constant 2600 : i32
        %add3A_791 = arith.addi %add3A_790, %mul3A_789 : i32
        %get3A_792 = arith.index_cast %add3A_791 : i32 to index
        %get3A_793 = arith.constant 0 : index
        %get3A_794 = tpu.vector_load %arg8[%get3A_792, %get3A_793] {strides = array<i32>} : memref<3200x16xf32, #tpu.memory_space<vmem>>, vector<16xf32>,
        %add3A_795 = arith.addf %scan3A_784, %get3A_794 : vector<16xf32>
        %add3A_796 = arith.constant 4 : i32
        %add3A_797 = arith.addi %add3A_791, %add3A_796 : i32
        %get3A_798 = arith.index_cast %add3A_797 : i32 to index
        %get3A_799 = arith.constant 0 : index
        %get3A_800 = tpu.vector_load %arg8[%get3A_798, %get3A_799] {strides = array<i32>} : memref<3200x16xf32, #tpu.memory_space<vmem>>, vector<16xf32>,
        %add3A_801 = arith.addf %add3A_795, %get3A_800 : vector<16xf32>
        %add3A_802 = arith.constant 1 : i32
        %add3A_803 = arith.addi %add3A_791, %add3A_802 : i32
        %get3A_804 = arith.index_cast %add3A_803 : i32 to index
        %get3A_805 = arith.constant 0 : index
        %get3A_806 = tpu.vector_load %arg8[%get3A_804, %get3A_805] {strides = array<i32>} : memref<3200x16xf32, #tpu.memory_space<vmem>>, vector<16xf32>,
        %add3A_807 = arith.addf %scan3A_785, %get3A_806 : vector<16xf32>
        %add3A_808 = arith.constant 5 : i32
        %add3A_809 = arith.addi %add3A_791, %add3A_808 : i32
        %get3A_810 = arith.index_cast %add3A_809 : i32 to index
        %get3A_811 = arith.constant 0 : index
        %get3A_812 = tpu.vector_load %arg8[%get3A_810, %get3A_811] {strides = array<i32>} : memref<3200x16xf32, #tpu.memory_space<vmem>>, vector<16xf32>,
        %add3A_813 = arith.addf %add3A_807, %get3A_812 : vector<16xf32>
        %add3A_814 = arith.constant 2 : i32
        %add3A_815 = arith.addi %add3A_791, %add3A_814 : i32
        %get3A_816 = arith.index_cast %add3A_815 : i32 to index
        %get3A_817 = arith.constant 0 : index
        %get3A_818 = tpu.vector_load %arg8[%get3A_816, %get3A_817] {strides = array<i32>} : memref<3200x16xf32, #tpu.memory_space<vmem>>, vector<16xf32>,
        %add3A_819 = arith.addf %scan3A_786, %get3A_818 : vector<16xf32>
        %add3A_820 = arith.constant 6 : i32
        %add3A_821 = arith.addi %add3A_791, %add3A_820 : i32
        %get3A_822 = arith.index_cast %add3A_821 : i32 to index
        %get3A_823 = arith.constant 0 : index
        %get3A_824 = tpu.vector_load %arg8[%get3A_822, %get3A_823] {strides = array<i32>} : memref<3200x16xf32, #tpu.memory_space<vmem>>, vector<16xf32>,
        %add3A_825 = arith.addf %add3A_819, %get3A_824 : vector<16xf32>
        %add3A_826 = arith.constant 3 : i32
        %add3A_827 = arith.addi %add3A_791, %add3A_826 : i32
        %get3A_828 = arith.index_cast %add3A_827 : i32 to index
        %get3A_829 = arith.constant 0 : index
        %get3A_830 = tpu.vector_load %arg8[%get3A_828, %get3A_829] {strides = array<i32>} : memref<3200x16xf32, #tpu.memory_space<vmem>>, vector<16xf32>,
        %add3A_831 = arith.addf %scan3A_787, %get3A_830 : vector<16xf32>
        %add3A_832 = arith.constant 7 : i32
        %add3A_833 = arith.addi %add3A_791, %add3A_832 : i32
        %get3A_834 = arith.index_cast %add3A_833 : i32 to index
        %get3A_835 = arith.constant 0 : index
        %get3A_836 = tpu.vector_load %arg8[%get3A_834, %get3A_835] {strides = array<i32>} : memref<3200x16xf32, #tpu.memory_space<vmem>>, vector<16xf32>,
        %add3A_837 = arith.addf %add3A_831, %get3A_836 : vector<16xf32>
        scf.yield %add3A_801, %add3A_813, %add3A_825, %add3A_837 : vector<16xf32>, vector<16xf32>, vector<16xf32>, vector<16xf32>
      }
      %scan3A_632 = arith.constant 25 : i32
      %add3A_633 = arith.addf %scan3A_631#0, %scan3A_631#1 : vector<16xf32>
      %add3A_634 = arith.addf %scan3A_631#2, %scan3A_631#3 : vector<16xf32>
      %add3A_635 = arith.addf %add3A_633, %add3A_634 : vector<16xf32>
      %broadcast_in_dim3A_636 = arith.constant 13 : i32
      %broadcast_in_dim3A_637 = vector.broadcast %broadcast_in_dim3A_636 : i32 to vector<16xi32>
      tpu.vector_store_idx %arg11[%iota3A, %broadcast_in_dim3A_637], %add3A_635 : memref<16x16xf32, #tpu.memory_space<vmem>>[vector<16xi32>, vector<16xi32>], vector<16xf32>,
      %scan3A_638 = arith.constant 0 : i32
      %scan3A_639 = arith.constant 25 : i32
      %scan3A_640 = arith.addi %scan3A_638, %scan3A_639 : i32
      %scan3A_641 = arith.constant 1 : i32
      %scan3A_642:4 = scf.for %scan3A_783 = %scan3A_638 to %scan3A_640 step %scan3A_641 iter_args(%scan3A_784 = %broadcast_in_dim3A_70, %scan3A_785 = %broadcast_in_dim3A_70, %scan3A_786 = %broadcast_in_dim3A_70, %scan3A_787 = %broadcast_in_dim3A_70) -> (vector<16xf32>, vector<16xf32>, vector<16xf32>, vector<16xf32>)  : i32 {
        %mul3A_788 = arith.constant 8 : i32
        %mul3A_789 = arith.muli %scan3A_783, %mul3A_788 : i32
        %add3A_790 = arith.constant 2800 : i32
        %add3A_791 = arith.addi %add3A_790, %mul3A_789 : i32
        %get3A_792 = arith.index_cast %add3A_791 : i32 to index
        %get3A_793 = arith.constant 0 : index
        %get3A_794 = tpu.vector_load %arg8[%get3A_792, %get3A_793] {strides = array<i32>} : memref<3200x16xf32, #tpu.memory_space<vmem>>, vector<16xf32>,
        %add3A_795 = arith.addf %scan3A_784, %get3A_794 : vector<16xf32>
        %add3A_796 = arith.constant 4 : i32
        %add3A_797 = arith.addi %add3A_791, %add3A_796 : i32
        %get3A_798 = arith.index_cast %add3A_797 : i32 to index
        %get3A_799 = arith.constant 0 : index
        %get3A_800 = tpu.vector_load %arg8[%get3A_798, %get3A_799] {strides = array<i32>} : memref<3200x16xf32, #tpu.memory_space<vmem>>, vector<16xf32>,
        %add3A_801 = arith.addf %add3A_795, %get3A_800 : vector<16xf32>
        %add3A_802 = arith.constant 1 : i32
        %add3A_803 = arith.addi %add3A_791, %add3A_802 : i32
        %get3A_804 = arith.index_cast %add3A_803 : i32 to index
        %get3A_805 = arith.constant 0 : index
        %get3A_806 = tpu.vector_load %arg8[%get3A_804, %get3A_805] {strides = array<i32>} : memref<3200x16xf32, #tpu.memory_space<vmem>>, vector<16xf32>,
        %add3A_807 = arith.addf %scan3A_785, %get3A_806 : vector<16xf32>
        %add3A_808 = arith.constant 5 : i32
        %add3A_809 = arith.addi %add3A_791, %add3A_808 : i32
        %get3A_810 = arith.index_cast %add3A_809 : i32 to index
        %get3A_811 = arith.constant 0 : index
        %get3A_812 = tpu.vector_load %arg8[%get3A_810, %get3A_811] {strides = array<i32>} : memref<3200x16xf32, #tpu.memory_space<vmem>>, vector<16xf32>,
        %add3A_813 = arith.addf %add3A_807, %get3A_812 : vector<16xf32>
        %add3A_814 = arith.constant 2 : i32
        %add3A_815 = arith.addi %add3A_791, %add3A_814 : i32
        %get3A_816 = arith.index_cast %add3A_815 : i32 to index
        %get3A_817 = arith.constant 0 : index
        %get3A_818 = tpu.vector_load %arg8[%get3A_816, %get3A_817] {strides = array<i32>} : memref<3200x16xf32, #tpu.memory_space<vmem>>, vector<16xf32>,
        %add3A_819 = arith.addf %scan3A_786, %get3A_818 : vector<16xf32>
        %add3A_820 = arith.constant 6 : i32
        %add3A_821 = arith.addi %add3A_791, %add3A_820 : i32
        %get3A_822 = arith.index_cast %add3A_821 : i32 to index
        %get3A_823 = arith.constant 0 : index
        %get3A_824 = tpu.vector_load %arg8[%get3A_822, %get3A_823] {strides = array<i32>} : memref<3200x16xf32, #tpu.memory_space<vmem>>, vector<16xf32>,
        %add3A_825 = arith.addf %add3A_819, %get3A_824 : vector<16xf32>
        %add3A_826 = arith.constant 3 : i32
        %add3A_827 = arith.addi %add3A_791, %add3A_826 : i32
        %get3A_828 = arith.index_cast %add3A_827 : i32 to index
        %get3A_829 = arith.constant 0 : index
        %get3A_830 = tpu.vector_load %arg8[%get3A_828, %get3A_829] {strides = array<i32>} : memref<3200x16xf32, #tpu.memory_space<vmem>>, vector<16xf32>,
        %add3A_831 = arith.addf %scan3A_787, %get3A_830 : vector<16xf32>
        %add3A_832 = arith.constant 7 : i32
        %add3A_833 = arith.addi %add3A_791, %add3A_832 : i32
        %get3A_834 = arith.index_cast %add3A_833 : i32 to index
        %get3A_835 = arith.constant 0 : index
        %get3A_836 = tpu.vector_load %arg8[%get3A_834, %get3A_835] {strides = array<i32>} : memref<3200x16xf32, #tpu.memory_space<vmem>>, vector<16xf32>,
        %add3A_837 = arith.addf %add3A_831, %get3A_836 : vector<16xf32>
        scf.yield %add3A_801, %add3A_813, %add3A_825, %add3A_837 : vector<16xf32>, vector<16xf32>, vector<16xf32>, vector<16xf32>
      }
      %scan3A_643 = arith.constant 25 : i32
      %add3A_644 = arith.addf %scan3A_642#0, %scan3A_642#1 : vector<16xf32>
      %add3A_645 = arith.addf %scan3A_642#2, %scan3A_642#3 : vector<16xf32>
      %add3A_646 = arith.addf %add3A_644, %add3A_645 : vector<16xf32>
      %broadcast_in_dim3A_647 = arith.constant 14 : i32
      %broadcast_in_dim3A_648 = vector.broadcast %broadcast_in_dim3A_647 : i32 to vector<16xi32>
      tpu.vector_store_idx %arg11[%iota3A, %broadcast_in_dim3A_648], %add3A_646 : memref<16x16xf32, #tpu.memory_space<vmem>>[vector<16xi32>, vector<16xi32>], vector<16xf32>,
      %scan3A_649 = arith.constant 0 : i32
      %scan3A_650 = arith.constant 25 : i32
      %scan3A_651 = arith.addi %scan3A_649, %scan3A_650 : i32
      %scan3A_652 = arith.constant 1 : i32
      %scan3A_653:4 = scf.for %scan3A_783 = %scan3A_649 to %scan3A_651 step %scan3A_652 iter_args(%scan3A_784 = %broadcast_in_dim3A_70, %scan3A_785 = %broadcast_in_dim3A_70, %scan3A_786 = %broadcast_in_dim3A_70, %scan3A_787 = %broadcast_in_dim3A_70) -> (vector<16xf32>, vector<16xf32>, vector<16xf32>, vector<16xf32>)  : i32 {
        %mul3A_788 = arith.constant 8 : i32
        %mul3A_789 = arith.muli %scan3A_783, %mul3A_788 : i32
        %add3A_790 = arith.constant 3000 : i32
        %add3A_791 = arith.addi %add3A_790, %mul3A_789 : i32
        %get3A_792 = arith.index_cast %add3A_791 : i32 to index
        %get3A_793 = arith.constant 0 : index
        %get3A_794 = tpu.vector_load %arg8[%get3A_792, %get3A_793] {strides = array<i32>} : memref<3200x16xf32, #tpu.memory_space<vmem>>, vector<16xf32>,
        %add3A_795 = arith.addf %scan3A_784, %get3A_794 : vector<16xf32>
        %add3A_796 = arith.constant 4 : i32
        %add3A_797 = arith.addi %add3A_791, %add3A_796 : i32
        %get3A_798 = arith.index_cast %add3A_797 : i32 to index
        %get3A_799 = arith.constant 0 : index
        %get3A_800 = tpu.vector_load %arg8[%get3A_798, %get3A_799] {strides = array<i32>} : memref<3200x16xf32, #tpu.memory_space<vmem>>, vector<16xf32>,
        %add3A_801 = arith.addf %add3A_795, %get3A_800 : vector<16xf32>
        %add3A_802 = arith.constant 1 : i32
        %add3A_803 = arith.addi %add3A_791, %add3A_802 : i32
        %get3A_804 = arith.index_cast %add3A_803 : i32 to index
        %get3A_805 = arith.constant 0 : index
        %get3A_806 = tpu.vector_load %arg8[%get3A_804, %get3A_805] {strides = array<i32>} : memref<3200x16xf32, #tpu.memory_space<vmem>>, vector<16xf32>,
        %add3A_807 = arith.addf %scan3A_785, %get3A_806 : vector<16xf32>
        %add3A_808 = arith.constant 5 : i32
        %add3A_809 = arith.addi %add3A_791, %add3A_808 : i32
        %get3A_810 = arith.index_cast %add3A_809 : i32 to index
        %get3A_811 = arith.constant 0 : index
        %get3A_812 = tpu.vector_load %arg8[%get3A_810, %get3A_811] {strides = array<i32>} : memref<3200x16xf32, #tpu.memory_space<vmem>>, vector<16xf32>,
        %add3A_813 = arith.addf %add3A_807, %get3A_812 : vector<16xf32>
        %add3A_814 = arith.constant 2 : i32
        %add3A_815 = arith.addi %add3A_791, %add3A_814 : i32
        %get3A_816 = arith.index_cast %add3A_815 : i32 to index
        %get3A_817 = arith.constant 0 : index
        %get3A_818 = tpu.vector_load %arg8[%get3A_816, %get3A_817] {strides = array<i32>} : memref<3200x16xf32, #tpu.memory_space<vmem>>, vector<16xf32>,
        %add3A_819 = arith.addf %scan3A_786, %get3A_818 : vector<16xf32>
        %add3A_820 = arith.constant 6 : i32
        %add3A_821 = arith.addi %add3A_791, %add3A_820 : i32
        %get3A_822 = arith.index_cast %add3A_821 : i32 to index
        %get3A_823 = arith.constant 0 : index
        %get3A_824 = tpu.vector_load %arg8[%get3A_822, %get3A_823] {strides = array<i32>} : memref<3200x16xf32, #tpu.memory_space<vmem>>, vector<16xf32>,
        %add3A_825 = arith.addf %add3A_819, %get3A_824 : vector<16xf32>
        %add3A_826 = arith.constant 3 : i32
        %add3A_827 = arith.addi %add3A_791, %add3A_826 : i32
        %get3A_828 = arith.index_cast %add3A_827 : i32 to index
        %get3A_829 = arith.constant 0 : index
        %get3A_830 = tpu.vector_load %arg8[%get3A_828, %get3A_829] {strides = array<i32>} : memref<3200x16xf32, #tpu.memory_space<vmem>>, vector<16xf32>,
        %add3A_831 = arith.addf %scan3A_787, %get3A_830 : vector<16xf32>
        %add3A_832 = arith.constant 7 : i32
        %add3A_833 = arith.addi %add3A_791, %add3A_832 : i32
        %get3A_834 = arith.index_cast %add3A_833 : i32 to index
        %get3A_835 = arith.constant 0 : index
        %get3A_836 = tpu.vector_load %arg8[%get3A_834, %get3A_835] {strides = array<i32>} : memref<3200x16xf32, #tpu.memory_space<vmem>>, vector<16xf32>,
        %add3A_837 = arith.addf %add3A_831, %get3A_836 : vector<16xf32>
        scf.yield %add3A_801, %add3A_813, %add3A_825, %add3A_837 : vector<16xf32>, vector<16xf32>, vector<16xf32>, vector<16xf32>
      }
      %scan3A_654 = arith.constant 25 : i32
      %add3A_655 = arith.addf %scan3A_653#0, %scan3A_653#1 : vector<16xf32>
      %add3A_656 = arith.addf %scan3A_653#2, %scan3A_653#3 : vector<16xf32>
      %add3A_657 = arith.addf %add3A_655, %add3A_656 : vector<16xf32>
      %broadcast_in_dim3A_658 = arith.constant 15 : i32
      %broadcast_in_dim3A_659 = vector.broadcast %broadcast_in_dim3A_658 : i32 to vector<16xi32>
      tpu.vector_store_idx %arg11[%iota3A, %broadcast_in_dim3A_659], %add3A_657 : memref<16x16xf32, #tpu.memory_space<vmem>>[vector<16xi32>, vector<16xi32>], vector<16xf32>,
      %get3A_660 = arith.constant 0 : i32
      %get3A_661 = arith.index_cast %get3A_660 : i32 to index
      %get3A_662 = arith.constant 0 : index
      %get3A_663 = tpu.vector_load %arg11[%get3A_661, %get3A_662] {strides = array<i32>} : memref<16x16xf32, #tpu.memory_space<vmem>>, vector<16xf32>,
      %mul3A_664 = arith.mulf %get3A_663, %get3A_5 : vector<16xf32>
      %add3A_665 = arith.addf %broadcast_in_dim3A_70, %mul3A_664 : vector<16xf32>
      %get3A_666 = arith.constant 1 : i32
      %get3A_667 = arith.index_cast %get3A_666 : i32 to index
      %get3A_668 = arith.constant 0 : index
      %get3A_669 = tpu.vector_load %arg11[%get3A_667, %get3A_668] {strides = array<i32>} : memref<16x16xf32, #tpu.memory_space<vmem>>, vector<16xf32>,
      %mul3A_670 = arith.mulf %get3A_669, %get3A_9 : vector<16xf32>
      %add3A_671 = arith.addf %broadcast_in_dim3A_70, %mul3A_670 : vector<16xf32>
      %get3A_672 = arith.constant 2 : i32
      %get3A_673 = arith.index_cast %get3A_672 : i32 to index
      %get3A_674 = arith.constant 0 : index
      %get3A_675 = tpu.vector_load %arg11[%get3A_673, %get3A_674] {strides = array<i32>} : memref<16x16xf32, #tpu.memory_space<vmem>>, vector<16xf32>,
      %mul3A_676 = arith.mulf %get3A_675, %get3A_13 : vector<16xf32>
      %add3A_677 = arith.addf %broadcast_in_dim3A_70, %mul3A_676 : vector<16xf32>
      %get3A_678 = arith.constant 3 : i32
      %get3A_679 = arith.index_cast %get3A_678 : i32 to index
      %get3A_680 = arith.constant 0 : index
      %get3A_681 = tpu.vector_load %arg11[%get3A_679, %get3A_680] {strides = array<i32>} : memref<16x16xf32, #tpu.memory_space<vmem>>, vector<16xf32>,
      %mul3A_682 = arith.mulf %get3A_681, %get3A_17 : vector<16xf32>
      %add3A_683 = arith.addf %broadcast_in_dim3A_70, %mul3A_682 : vector<16xf32>
      %get3A_684 = arith.constant 4 : i32
      %get3A_685 = arith.index_cast %get3A_684 : i32 to index
      %get3A_686 = arith.constant 0 : index
      %get3A_687 = tpu.vector_load %arg11[%get3A_685, %get3A_686] {strides = array<i32>} : memref<16x16xf32, #tpu.memory_space<vmem>>, vector<16xf32>,
      %mul3A_688 = arith.mulf %get3A_687, %get3A_21 : vector<16xf32>
      %add3A_689 = arith.addf %add3A_665, %mul3A_688 : vector<16xf32>
      %get3A_690 = arith.constant 5 : i32
      %get3A_691 = arith.index_cast %get3A_690 : i32 to index
      %get3A_692 = arith.constant 0 : index
      %get3A_693 = tpu.vector_load %arg11[%get3A_691, %get3A_692] {strides = array<i32>} : memref<16x16xf32, #tpu.memory_space<vmem>>, vector<16xf32>,
      %mul3A_694 = arith.mulf %get3A_693, %get3A_25 : vector<16xf32>
      %add3A_695 = arith.addf %add3A_671, %mul3A_694 : vector<16xf32>
      %get3A_696 = arith.constant 6 : i32
      %get3A_697 = arith.index_cast %get3A_696 : i32 to index
      %get3A_698 = arith.constant 0 : index
      %get3A_699 = tpu.vector_load %arg11[%get3A_697, %get3A_698] {strides = array<i32>} : memref<16x16xf32, #tpu.memory_space<vmem>>, vector<16xf32>,
      %mul3A_700 = arith.mulf %get3A_699, %get3A_29 : vector<16xf32>
      %add3A_701 = arith.addf %add3A_677, %mul3A_700 : vector<16xf32>
      %get3A_702 = arith.constant 7 : i32
      %get3A_703 = arith.index_cast %get3A_702 : i32 to index
      %get3A_704 = arith.constant 0 : index
      %get3A_705 = tpu.vector_load %arg11[%get3A_703, %get3A_704] {strides = array<i32>} : memref<16x16xf32, #tpu.memory_space<vmem>>, vector<16xf32>,
      %mul3A_706 = arith.mulf %get3A_705, %get3A_33 : vector<16xf32>
      %add3A_707 = arith.addf %add3A_683, %mul3A_706 : vector<16xf32>
      %get3A_708 = arith.constant 8 : i32
      %get3A_709 = arith.index_cast %get3A_708 : i32 to index
      %get3A_710 = arith.constant 0 : index
      %get3A_711 = tpu.vector_load %arg11[%get3A_709, %get3A_710] {strides = array<i32>} : memref<16x16xf32, #tpu.memory_space<vmem>>, vector<16xf32>,
      %mul3A_712 = arith.mulf %get3A_711, %get3A_37 : vector<16xf32>
      %add3A_713 = arith.addf %add3A_689, %mul3A_712 : vector<16xf32>
      %get3A_714 = arith.constant 9 : i32
      %get3A_715 = arith.index_cast %get3A_714 : i32 to index
      %get3A_716 = arith.constant 0 : index
      %get3A_717 = tpu.vector_load %arg11[%get3A_715, %get3A_716] {strides = array<i32>} : memref<16x16xf32, #tpu.memory_space<vmem>>, vector<16xf32>,
      %mul3A_718 = arith.mulf %get3A_717, %get3A_41 : vector<16xf32>
      %add3A_719 = arith.addf %add3A_695, %mul3A_718 : vector<16xf32>
      %get3A_720 = arith.constant 10 : i32
      %get3A_721 = arith.index_cast %get3A_720 : i32 to index
      %get3A_722 = arith.constant 0 : index
      %get3A_723 = tpu.vector_load %arg11[%get3A_721, %get3A_722] {strides = array<i32>} : memref<16x16xf32, #tpu.memory_space<vmem>>, vector<16xf32>,
      %mul3A_724 = arith.mulf %get3A_723, %get3A_45 : vector<16xf32>
      %add3A_725 = arith.addf %add3A_701, %mul3A_724 : vector<16xf32>
      %get3A_726 = arith.constant 11 : i32
      %get3A_727 = arith.index_cast %get3A_726 : i32 to index
      %get3A_728 = arith.constant 0 : index
      %get3A_729 = tpu.vector_load %arg11[%get3A_727, %get3A_728] {strides = array<i32>} : memref<16x16xf32, #tpu.memory_space<vmem>>, vector<16xf32>,
      %mul3A_730 = arith.mulf %get3A_729, %get3A_49 : vector<16xf32>
      %add3A_731 = arith.addf %add3A_707, %mul3A_730 : vector<16xf32>
      %get3A_732 = arith.constant 12 : i32
      %get3A_733 = arith.index_cast %get3A_732 : i32 to index
      %get3A_734 = arith.constant 0 : index
      %get3A_735 = tpu.vector_load %arg11[%get3A_733, %get3A_734] {strides = array<i32>} : memref<16x16xf32, #tpu.memory_space<vmem>>, vector<16xf32>,
      %mul3A_736 = arith.mulf %get3A_735, %get3A_53 : vector<16xf32>
      %add3A_737 = arith.addf %add3A_713, %mul3A_736 : vector<16xf32>
      %get3A_738 = arith.constant 13 : i32
      %get3A_739 = arith.index_cast %get3A_738 : i32 to index
      %get3A_740 = arith.constant 0 : index
      %get3A_741 = tpu.vector_load %arg11[%get3A_739, %get3A_740] {strides = array<i32>} : memref<16x16xf32, #tpu.memory_space<vmem>>, vector<16xf32>,
      %mul3A_742 = arith.mulf %get3A_741, %get3A_57 : vector<16xf32>
      %add3A_743 = arith.addf %add3A_719, %mul3A_742 : vector<16xf32>
      %get3A_744 = arith.constant 14 : i32
      %get3A_745 = arith.index_cast %get3A_744 : i32 to index
      %get3A_746 = arith.constant 0 : index
      %get3A_747 = tpu.vector_load %arg11[%get3A_745, %get3A_746] {strides = array<i32>} : memref<16x16xf32, #tpu.memory_space<vmem>>, vector<16xf32>,
      %mul3A_748 = arith.mulf %get3A_747, %get3A_61 : vector<16xf32>
      %add3A_749 = arith.addf %add3A_725, %mul3A_748 : vector<16xf32>
      %get3A_750 = arith.constant 15 : i32
      %get3A_751 = arith.index_cast %get3A_750 : i32 to index
      %get3A_752 = arith.constant 0 : index
      %get3A_753 = tpu.vector_load %arg11[%get3A_751, %get3A_752] {strides = array<i32>} : memref<16x16xf32, #tpu.memory_space<vmem>>, vector<16xf32>,
      %mul3A_754 = arith.mulf %get3A_753, %get3A_65 : vector<16xf32>
      %add3A_755 = arith.addf %add3A_731, %mul3A_754 : vector<16xf32>
      %add3A_756 = arith.addf %add3A_737, %add3A_743 : vector<16xf32>
      %add3A_757 = arith.addf %add3A_749, %add3A_755 : vector<16xf32>
      %add3A_758 = arith.addf %add3A_756, %add3A_757 : vector<16xf32>
      %mul3A_759 = arith.constant 5.000000e-03 : f32
      %mul3A_760 = vector.broadcast %mul3A_759 : f32 to vector<16xf32>
      %mul3A_761 = arith.mulf %add3A_758, %mul3A_760 : vector<16xf32>
      %add3A_762 = arith.addf %mul3A_761, %get3A_69 : vector<16xf32>
      %neg3A = arith.constant 0.000000e+00 : f32
      %neg3A_763 = vector.broadcast %neg3A : f32 to vector<16xf32>
      %neg3A_764 = arith.subf %neg3A_763, %add3A_762 : vector<16xf32>
      %exp3A = math.exp %neg3A_764 : vector<16xf32>
      %add3A_765 = arith.constant 1.000000e+00 : f32
      %add3A_766 = vector.broadcast %add3A_765 : f32 to vector<16xf32>
      %add3A_767 = arith.addf %add3A_766, %exp3A : vector<16xf32>
      %div3A = arith.constant 1.000000e+00 : f32
      %div3A_768 = vector.broadcast %div3A : f32 to vector<16xf32>
      %div3A_769 = arith.divf %div3A_768, %add3A_767 : vector<16xf32>
      %mul3A_770 = arith.constant 1.000000e+04 : f32
      %mul3A_771 = vector.broadcast %mul3A_770 : f32 to vector<16xf32>
      %mul3A_772 = arith.mulf %div3A_769, %mul3A_771 : vector<16xf32>
      %add3A_773 = arith.constant 0x4B400000 : f32
      %add3A_774 = vector.broadcast %add3A_773 : f32 to vector<16xf32>
      %add3A_775 = arith.addf %mul3A_772, %add3A_774 : vector<16xf32>
      %sub3A = arith.constant 0x4B400000 : f32
      %sub3A_776 = vector.broadcast %sub3A : f32 to vector<16xf32>
      %sub3A_777 = arith.subf %add3A_775, %sub3A_776 : vector<16xf32>
      %mul3A_778 = arith.constant 9.99999974E-5 : f32
      %mul3A_779 = vector.broadcast %mul3A_778 : f32 to vector<16xf32>
      %mul3A_780 = arith.mulf %sub3A_777, %mul3A_779 : vector<16xf32>
      %swap3A = arith.index_cast %scan3A_78 : i32 to index
      %swap3A_781 = arith.constant 0 : index
      %swap3A_782 = tpu.vector_load %arg12[%swap3A, %swap3A_781] {strides = array<i32>} : memref<32x16xf32, #tpu.memory_space<vmem>>, vector<16xf32>,
      tpu.vector_store %arg12[%swap3A, %swap3A_781], %mul3A_780 {strides = array<i32>} : memref<32x16xf32, #tpu.memory_space<vmem>>, vector<16xf32>,
    }
    %scan3A_75 = arith.constant 32 : i32
    %mul3A_76 = arith.constant 32 : i32
    %mul3A_77 = arith.muli %add3A, %mul3A_76 : i32
    "tpu.region"() ({
      %run_scoped3A = tpu.sem_alloc : memref<!tpu.dma_semaphore, #tpu.memory_space<semaphore_mem>>
      %dma_start3A = arith.constant 0 : i32
      %dma_start3A_78 = tpu.memref_slice %arg6[%mul3A_77, %dma_start3A] : memref<1024x16xf32, #tpu.memory_space<hbm>> -> memref<32x16xf32, #tpu.memory_space<hbm>>
      %dma_start3A_79 = arith.constant 0 : i32
      %dma_start3A_80 = tpu.memref_slice %arg6[%mul3A_77, %dma_start3A_79] : memref<1024x16xf32, #tpu.memory_space<hbm>> -> memref<32x16xf32, #tpu.memory_space<hbm>>
      tpu.enqueue_dma source(%arg12 : memref<32x16xf32, #tpu.memory_space<vmem>>) target(%dma_start3A_80 : memref<32x16xf32, #tpu.memory_space<hbm>>) target_semaphore(%run_scoped3A : memref<!tpu.dma_semaphore, #tpu.memory_space<semaphore_mem>>)
      %dma_wait3A = arith.constant 0 : i32
      %dma_wait3A_81 = tpu.memref_slice %arg6[%mul3A_77, %dma_wait3A] : memref<1024x16xf32, #tpu.memory_space<hbm>> -> memref<32x16xf32, #tpu.memory_space<hbm>>
      %dma_wait3A_82 = arith.constant 0 : i32
      %dma_wait3A_83 = tpu.memref_slice %arg6[%mul3A_77, %dma_wait3A_82] : memref<1024x16xf32, #tpu.memory_space<hbm>> -> memref<32x16xf32, #tpu.memory_space<hbm>>
      tpu.wait_dma2 semaphore(%run_scoped3A : memref<!tpu.dma_semaphore, #tpu.memory_space<semaphore_mem>>) src(%arg12 : memref<32x16xf32, #tpu.memory_space<vmem>>) dst(%dma_wait3A_83 : memref<32x16xf32, #tpu.memory_space<hbm>>)
      tpu.yield
    }) : () -> ()
    return
  }
}

</mosaic_0001>

<sc_bundles>
// kernel: kernel.3.cloned.1.call-start
scs
__scs_entry_jumppad:
0x0: {  	(pc) =	sbr.rel $0x88, $3  }
0x1: {  	(tag) =	ssettag $0x0;
	lr =	simm.s32 $0x1  }
0x2: {  	[smem:$0x3F9D] =	sst lr;
	_ =	strace $0xD0000000  }
0x3: {  	_ = 	snop  }
0x4: {  	_ = 	snop  }
0x5: {  	_ = 	snop  }
0x6: {  	_ = 	snop  }
0x7: {  	_ = 	snop  }
__scs_overlays_trampoline_lowered:
0x8: {  	[smem:$0x3FAC] =	sst s0  }
0x9: {  	[smem:$0x3FAD] =	sst s1  }
0xa: {  	[smem:$0x3FAE] =	sst s2  }
0xb: {  	[smem:$0x3FAF] =	sst s3  }
0xc: {  	[smem:$0x3FB0] =	sst s4  }
0xd: {  	[smem:$0x3FB1] =	sst s5  }
0xe: {  	[smem:$0x3FB2] =	sst s6  }
0xf: {  	[smem:$0x3FB3] =	sst s7  }
0x10: {  	[smem:$0x3FB4] =	sst s8  }
0x11: {  	[smem:$0x3FB5] =	sst s9;
	s0 =	simm.s32 @!p0 $0x0  }
0x12: {  	s1 =	sld [smem:$0x3F9B];
	s0 =	simm.s32 @p0 $0x1  }
0x13: {  	[smem:$0x3FB6] =	sst s0;
	s0 =	simm.s32 @!p1 $0x0  }
0x14: {  	s2 =	sld [smem:$0x3F9A];
	s0 =	simm.s32 @p1 $0x1  }
0x15: {  	[smem:$0x3FB7] =	sst s0;
	s0 =	simm.s32 @!p2 $0x0  }
0x16: {  	s3 =	sld [smem:$0x3FDB];
	s0 =	simm.s32 @p2 $0x1  }
0x17: {  	s4 =	simm.s32 $0x1BF5;
	[smem:$0x3FB9] =	sst s0  }
0x18: {  	s0 =	sld [smem:$0x3F9C];
	_ =	swait.ge [sflag:s4], $0x0  }
0x19: {  	s7 =	sld [smem:$0x3F9D]  }
0x1a: {  	s8 =	sadd.s32 $0xFFFFE003, lr  }
0x1b: {  	s9 =	sadd.s32 $0xFFFFFEF7, lr;
	s5 =	simm.s32 $0xFFFFFFFF;
	p2 =	slt.u32 s8, $0xFFFFF086  }
0x1c: {  	p1 =	slt.u32 s9, $0xF7A;
	s5 =	simm.s32 @!p2 $0x0  }
0x1d: {  	s5 =	simm.s32 @p1 $0x1;
	p0 =	seq.s32 s7, s2  }
0x1e: {  	s7 =	smul.u32 @!p0 $0xF7A, s2;
	p2 =	seq.s32 @!p0 s5, $0x0  }
0x1f: {  	s9 =	smul.u32 $0xF7A, s1;
	s8 =	simm.s32 @!p0 $0x1BF5;
	p2 =	por !p2, p0  }
0x20: {  	[sflag:s8] =	ssyncset.s32 @!p0 $0xFFFFF086;
	s6 =	sadd.s32 @!p0 s3, s7;
	s7 =	simm.s32 @!p0 $0x108  }
0x21: {  	s3 =	sadd.s32 s3, s9;
	s6 =	sadd.s32 @!p0 $0x88, s6;
	s7 =	simm.s32 @p2 $0x1082  }
0x22: {  	[simem:s7], [sflag:s8] =	dma.local @!p0 [hbm:s6], $0xF7A  }
0x23: {  	s9 =	sor.u32 $0xD0000000, s2;
	s6 =	simm.s32 $0x108;
	_ =	swait.ge @!p0 [sflag:s8], $0x0  }
0x24: {  	s3 =	sadd.s32 $0x88, s3;
	s6 =	simm.s32 @!p1 $0x1082;
	[sflag:s4] =	ssyncset.s32 $0xFFFFF086  }
0x25: {  	[simem:s6], [sflag:s4] =	dma.local [hbm:s3], $0xF7A  }
0x26: {  	[smem:$0x3F9D] =	sst s1;
	(tag) =	ssettag s2;
	_ =	strace s9  }
0x27: {  	s1 =	sld [smem:$0x3FAD]  }
0x28: {  	s2 =	sld [smem:$0x3FAE]  }
0x29: {  	s4 =	sld [smem:$0x3FB0]  }
0x2a: {  	p0 =	seq.s32 s5, $0x0;
	s5 =	sld [smem:$0x3FB1]  }
0x2b: {  	s6 =	sld [smem:$0x3FB2]  }
0x2c: {  	s7 =	sld [smem:$0x3FB3]  }
0x2d: {  	s3 =	simm.s32 $0x108;
	s8 =	sld [smem:$0x3FB4]  }
0x2e: {  	s3 =	simm.s32 @!p0 $0x1082;
	s9 =	sld [smem:$0x3FB5]  }
0x2f: {  	lr =	sadd.s32 s0, s3;
	s0 =	sld [smem:$0x3FAC]  }
0x30: {  	s3 =	sld [smem:$0x3FAF]  }
0x31: {  	[smem:$0x3FB8] =	sst s10  }
0x32: {  	s10 =	sld [smem:$0x3FB6];
	_ =	sdelay $0x3  }
0x33: {  	p0 =	seq.s32 s10, $0x1;
	s10 =	sld [smem:$0x3FB8];
	_ =	sdelay $0x3  }
0x34: {  	[smem:$0x3FB8] =	sst s10  }
0x35: {  	s10 =	sld [smem:$0x3FB7];
	_ =	sdelay $0x3  }
0x36: {  	p1 =	seq.s32 s10, $0x1;
	s10 =	sld [smem:$0x3FB8];
	_ =	sdelay $0x3  }
0x37: {  	[smem:$0x3FB8] =	sst s10  }
0x38: {  	s10 =	sld [smem:$0x3FB9]  }
0x39: {  	_ = 	snop;
	(pc) =	sbr.ind lr, $3  }
0x3a: {  	_ = 	snop  }
0x3b: {  	_ = 	snop  }
0x3c: {  	p2 =	seq.s32 s10, $0x1;
	s10 =	sld [smem:$0x3FB8]  }
0x3d: {  	_ =	shalt  }
0x3e: {  	_ =	shalt  }
0x3f: {  	_ =	shalt  }
0x40: {  	_ =	shalt  }
0x41: {  	_ =	shalt  }
0x42: {  	_ =	shalt  }
0x43: {  	_ =	shalt  }
0x44: {  	_ =	shalt  }
0x45: {  	_ =	shalt  }
0x46: {  	_ =	shalt  }
0x47: {  	_ =	shalt  }
0x48: {  	_ =	shalt  }
0x49: {  	_ =	shalt  }
0x4a: {  	_ =	shalt  }
0x4b: {  	_ =	shalt  }
0x4c: {  	_ =	shalt  }
0x4d: {  	_ =	shalt  }
0x4e: {  	_ =	shalt  }
0x4f: {  	_ =	shalt  }
0x50: {  	_ =	shalt  }
0x51: {  	_ =	shalt  }
0x52: {  	_ =	shalt  }
0x53: {  	_ =	shalt  }
0x54: {  	_ =	shalt  }
0x55: {  	_ =	shalt  }
0x56: {  	_ =	shalt  }
0x57: {  	_ =	shalt  }
0x58: {  	_ =	shalt  }
0x59: {  	_ =	shalt  }
0x5a: {  	_ =	shalt  }
0x5b: {  	_ =	shalt  }
0x5c: {  	_ =	shalt  }
0x5d: {  	_ =	shalt  }
0x5e: {  	_ =	shalt  }
0x5f: {  	_ =	shalt  }
0x60: {  	_ =	shalt  }
0x61: {  	_ =	shalt  }
0x62: {  	_ =	shalt  }
0x63: {  	_ =	shalt  }
0x64: {  	_ =	shalt  }
0x65: {  	_ =	shalt  }
0x66: {  	_ =	shalt  }
0x67: {  	_ =	shalt  }
0x68: {  	_ =	shalt  }
0x69: {  	_ =	shalt  }
0x6a: {  	_ =	shalt  }
0x6b: {  	_ =	shalt  }
0x6c: {  	_ =	shalt  }
0x6d: {  	_ =	shalt  }
0x6e: {  	_ =	shalt  }
0x6f: {  	_ =	shalt  }
0x70: {  	_ =	shalt  }
0x71: {  	_ =	shalt  }
0x72: {  	_ =	shalt  }
0x73: {  	_ =	shalt  }
0x74: {  	_ =	shalt  }
0x75: {  	_ =	shalt  }
0x76: {  	_ =	shalt  }
0x77: {  	_ =	shalt  }
0x78: {  	_ =	shalt  }
0x79: {  	_ =	shalt  }
0x7a: {  	_ =	shalt  }
0x7b: {  	_ =	shalt  }
0x7c: {  	_ =	shalt  }
0x7d: {  	_ =	shalt  }
0x7e: {  	_ =	shalt  }
0x7f: {  	_ =	shalt  }
0x80: {  	_ =	shalt  }
0x81: {  	_ =	shalt  }
0x82: {  	_ =	shalt  }
0x83: {  	_ =	shalt  }
0x84: {  	_ =	shalt  }
0x85: {  	_ =	shalt  }
0x86: {  	_ =	shalt  }
0x87: {  	_ =	shalt  }
.Lfunc_end0:
.L_simem_size_0:
called_computation_lowered:
.L_overlay_start_0:
0x88: {  	s2 =	sld [smem:$0x3FD9]  }
0x89: {  	s3 =	sld [smem:$0x3FFE];
	_ =	sdelay $0x1  }
0x8a: {  	s1 =	srdreg.scid  }
0x8b: {  	s0 =	sand.u32 $0x1, s1  }
0x8c: {  	s17 =	sshll.u32 s0, $0xA;
	s2 =	sadd.s32 s3, s2  }
0x8d: {  	s2 =	sadd.s32 s2, s17  }
0x8e: {  	[smem:$0x3FC4] =	sst s2  }
0x8f: {  	_ = 	snop  }
0x90: {  	s2 =	sld [smem:$0x3FD0];
	(tm) =	ssettm $0x1  }
0x91: {  	s18 =	sld [smem:$0x3FFB];
	_ =	sdelay $0x3  }
0x92: {  	_ =	strace s18  }
0x93: {  	s3 =	sld [smem:$0x3FFC];
	_ =	sdelay $0x3  }
0x94: {  	_ =	strace s3  }
0x95: {  	s3 =	sld [smem:$0x3FFD];
	_ =	sdelay $0x3  }
0x96: {  	_ =	strace s3  }
0x97: {  	_ =	strace $0x8FFFFFFF  }
0x98: {  	s19 =	sld [smem:$0x3FDB];
	_ =	sdelay $0x1  }
0x99: {  	s4 =	simm.s32 $_scs_section_size  }
0x9a: {  	s5 =	simm.s32 $_size__tile_overlayer_lowered;
	s6 =	simm.s32 $_tile_overlayer_lowered  }
0x9b: {  	s22 =	simm.s32 $0x1BFF;
	s21 =	sshll.u32 s6, $0x1;
	s3 =	sadd.s32 s4, s19  }
0x9c: {  	s7 =	simm.s32 $0x0;
	s20 =	sshll.u32 s5, $0x1;
	s5 =	sadd.s32 s21, s3  }
0x9d: {  	[timem:s7], [sflag:s22] =	dma.local [hbm:s5], s20  }
0x9e: {  	_ =	swait.ge [sflag:s22], s20  }
0x9f: {  	s4 =	ssub.s32 $0x0, s20;
	[sflag:s22] =	ssyncset.done $0x0  }
0xa0: {  	[sflag:s22] =	ssyncadd.s32 s4;
	_ =	sdelay $0x1  }
0xa1: {  	s23 =	simm.s32 $0x1B8B  }
0xa2: {  	_ =	swait.ge [sflag:s23], $0x1  }
0xa3: {  	[sflag:s23] =	ssyncset.done $0x0  }
0xa4: {  	s25 =	simm.s32 $0x1B8E;
	s24 =	sld [smem:$0x3FFE];
	[sflag:s23] =	ssyncadd.s32 $0xFFFFFFFF  }
0xa5: {  	s26 =	simm.s32 $execute0_lowered;
	[smem:$0x3FD2] =	sst s25  }
0xa6: {  	s5 =	sshll.u32 s26, $0x1;
	_ =	strace $0x80000046;
	[dreg:$0x1] =	wrdreg $0xFFFFFFFF  }
0xa7: {  	s28 =	simm.s32 $_size_execute0_lowered;
	s3 =	sadd.s32 s3, s5;
	[dreg:$0x0] =	wrdreg $0x0  }
0xa8: {  	s5 =	sshll.u32 s28, $0x1;
	[dreg:$0x2] =	wrdreg s3  }
0xa9: {  	[dreg:$0x3] =	wrdreg s5  }
0xaa: {  	[dreg:$0x4] =	wrdreg $0xC0  }
0xab: {  	_ =	task [dreg:s7], $0x5FFFF  }
0xac: {  	[dreg:$0x1] =	wrdreg $0xFFFFFFFF  }
0xad: {  	[dreg:$0x0] =	wrdreg $0x60  }
0xae: {  	[dreg:$0x2] =	wrdreg s24  }
0xaf: {  	[dreg:$0x3] =	wrdreg s2  }
0xb0: {  	[dreg:$0x4] =	wrdreg $0x9  }
0xb1: {  	_ =	task.clear_ibuf [dreg:s7], $0x5FFFF;
	_ =	strace $0x90000046  }
0xb2: {  	s29 =	simm.s32 $0x9;
	_ =	strace $0x80000048  }
0xb3: {  	_ =	swait.ge [sflag:s29], $0x1  }
0xb4: {  	[sflag:s29] =	ssyncadd.s32 $0xFFFFFFFF  }
0xb5: {  	_ =	strace $0x90000048  }
0xb6: {  	_ =	sfence  }
0xb7: {  	s30 =	sld [smem:$0x0];
	_ =	sdelay $0x2  }
0xb8: {  	s31 =	sshll.u32 s1, $0xD;
	s1 =	sshrl.u32 s1, $0x2  }
0xb9: {  	s3 =	sand.u32 $0x4000, s31;
	s1 =	sadd.s32 s1, s30  }
0xba: {  	s0 =	sor.u32 s3, s0;
	s1 =	sshll.u32 s1, $0x11  }
0xbb: {  	s0 =	sor.u32 s1, s0  }
0xbc: {  	s0 =	sadd.s32 $0x8F2B, s0  }
0xbd: {  	[sflag:s0] =	ssyncadd.remote.s32 $0x1  }
0xbe: {  	_ =	sfence.sel $0xFFFF  }
0xbf: {  	[dreg:$0x0] =	wrdreg $0xFFFFFFFF;
	(pc) =	sbr.abs _section_cstart, $3  }
0xc0: {  	[dreg:$0x1] =	wrdreg $0xFFFFFFFF  }
0xc1: {  	_ =	task.clear_ibuf [dreg:s7], $0x2FFFF;
	_ =	strace $0x9FFFFFFF  }
0xc2: {  	(tm) =	ssettm $0x7FFFFFFF  }
0xc3: {  	_ =	shalt  }
tec
execute0_lowered:
.L_overlay_start_1:
0x0: {  	(tag) =	ssettag $0x1  }
0x1: {  	s0 =	rddreg [dreg:$0x0]  }
0x2: {  	s1 =	rddreg [dreg:$0x1]  }
0x3: {  	s11 =	simm.s32 $0x0;
	s2 =	srdreg.scid;
	s7 =	stileid.u32  }
0x4: {  	s13 =	simm.s32 $0x2;
	s14 =	simm.s32 $0x80;
	s17 =	simm.s32 $0x780  }
0x5: {  	s18 =	simm.s32 $0x8480;
	s19 =	simm.s32 $0x800;
	s20 =	simm.s32 $0x8C80  }
0x6: {  	s21 =	simm.s32 $0x880;
	s22 =	simm.s32 $0x9480;
	s23 =	simm.s32 $0x900  }
0x7: {  	s28 =	simm.s32 $0xA00;
	s29 =	simm.s32 $0xAC80;
	s30 =	simm.s32 $0xA80  }
0x8: {  	s31 =	simm.s32 $0xB480;
	s10 =	simm.s32 $0xB80;
	s12 =	simm.s32 $0xC480  }
0x9: {  	s8 =	simm.s32 $0x1;
	s9 =	simm.s32 $0xD590;
	s16 =	simm.s32 $0x0  }
0xa: {  	[smem:$0x7FF] =	sst s11;
	s3 =	sadd.s32 $0xF42C00, s0;
	s4 =	sadd.s32 $0x800, s0  }
0xb: {  	s2 =	sand.u32 $0x1, s2;
	s6 =	sadd.s32 $0x64800, s0;
	s0 =	sadd.s32 $0x64A00, s0  }
0xc: {  	_ =	strace $0x80000047;
	s5 =	ssub.s32 $0x2, s2;
	[dreg:$0x3] =	wrdreg s6  }
0xd: {  	v0 =	vlaneseq.u32;
	s2 =	sshll.u32 s2, $0x4;
	[dreg:$0x4] =	wrdreg s0;
	s24 =	sshrl.u32 s5, $0x1  }
0xe: {  	v0 =	vmul.u32 $0x10, v0;
	s6 =	simm.s32 $0xCC80;
	s2 =	sor.u32 s7, s2;
	s25 =	ssub.s32 s5, s24  }
0xf: {  	s26 =	sshll.u32 s2, $0x6;
	s7 =	smul.u32 $0x19000, s2;
	s24 =	simm.s32 $0x9C80  }
0x10: {  	v1 =	vor.u32 $0x1, v0;
	v2 =	vor.u32 $0x2, v0;
	s2 =	simm.s32 $0xBC80;
	s5 =	simm.s32 $0xC00;
	s1 =	sadd.s32 s1, s26  }
0x11: {  	v3 =	vor.u32 $0x3, v0;
	v4 =	vor.u32 $0x4, v0;
	v5 =	vor.u32 $0x5, v0;
	s0 =	smax.u32 s25, $0x1;
	s25 =	simm.s32 $0x980;
	[dreg:$0x5] =	wrdreg s1  }
0x12: {  	v6 =	vor.u32 $0x6, v0;
	v7 =	vor.u32 $0x7, v0;
	v8 =	vor.u32 $0x8, v0;
	s26 =	simm.s32 $0xA480;
	[dreg:$0x6] =	wrdreg s0;
	s0 =	simm.s32 $0xB00  }
.LBB2_1:
0x13: {  	[dreg:$0x7] =	wrdreg s16  }
0x14: {  	s1 =	rddreg [dreg:$0x3];
	s16 =	simm.s32 $0x3;
	s15 =	simm.s32 $0xD480  }
0x15: {  	[tilespmem:s15], [sflag:$0x3] =	stream.linear.gather [hbm4b:s1+s11], $0x100, $0x38;
	[tilespmem:$0xD890] =	vst v63  }
0x16: {  	_ =	swait.ge [sflag:s16], $0x100  }
0x17: {  	[sflag:s16] =	ssyncset.done $0x0  }
0x18: {  	s15 =	simm.s32 $0xD580;
	s1 =	rddreg [dreg:$0x4];
	[sflag:s16] =	ssyncadd.s32 $0xFFFFFF00  }
0x19: {  	[tilespmem:s15], [sflag:$0x3] =	stream.linear.gather [hbm4b:s1+s11], $0x10, $0x38;
	[tilespmem:$0xD890] =	vst v63  }
0x1a: {  	_ =	swait.ge [sflag:s16], $0x10  }
0x1b: {  	[sflag:s16] =	ssyncset.done $0x0  }
0x1c: {  	[sflag:s16] =	ssyncadd.s32 $0xFFFFFFF0  }
0x1d: {  	v9 =	vld [tilespmem:$0xD480]  }
0x1e: {  	v10 =	vld [tilespmem:$0xD490]  }
0x1f: {  	v11 =	vld [tilespmem:$0xD4A0]  }
0x20: {  	v12 =	vld [tilespmem:$0xD4B0]  }
0x21: {  	v13 =	vld [tilespmem:$0xD4C0]  }
0x22: {  	v14 =	vld [tilespmem:$0xD4D0]  }
0x23: {  	v15 =	vld [tilespmem:$0xD4E0]  }
0x24: {  	v16 =	vld [tilespmem:$0xD4F0]  }
0x25: {  	v17 =	vld [tilespmem:$0xD500]  }
0x26: {  	v18 =	vld [tilespmem:$0xD510]  }
0x27: {  	v19 =	vld [tilespmem:$0xD520]  }
0x28: {  	v20 =	vld [tilespmem:$0xD530]  }
0x29: {  	v21 =	vld [tilespmem:$0xD540]  }
0x2a: {  	v22 =	vld [tilespmem:$0xD550]  }
0x2b: {  	v23 =	vld [tilespmem:$0xD560]  }
0x2c: {  	v24 =	vld [tilespmem:$0xD570]  }
0x2d: {  	s1 =	simm.s32 $0x0;
	s16 =	simm.s32 $0xC80;
	v25 =	vld [tilespmem:$0xD580]  }
.LBB2_2:
0x2e: {  	s11 =	smul.u32 $0xC80, s1;
	_ =	sdelay $0x1  }
0x2f: {  	s11 =	sadd.s32 s7, s11  }
0x30: {  	s11 =	sshrl.u32 s11, $0x3  }
0x31: {  	s15 =	simm.s32 $0x0;
	s11 =	sadd.s32 s4, s11  }
0x32: {  	[tilespmem:s15], [sflag:$0x2] =	stream.linear.gather [hbm4b:s11+s15], $0xC80, $0x38;
	[tilespmem:$0xD890] =	vst v63  }
0x33: {  	_ =	swait.ge [sflag:s13], $0xC80  }
0x34: {  	[sflag:s13] =	ssyncset.done $0x0  }
0x35: {  	[sflag:s13] =	ssyncadd.s32 $0xFFFFF380  }
0x36: {  	[tilespmem:s16], [sflag:$0x1] =	stream.indirect.gather [hbm4b:s3+s14], $0x10, s15, s14, $0xb8;
	[tilespmem:$0xD890] =	vst v63  }
0x37: {  	s15 =	simm.s32 $0x1480  }
0x38: {  	[tilespmem:s15], [sflag:$0x1] =	stream.indirect.gather [hbm4b:s3+s14], $0x10, s14, s14, $0xb8;
	[tilespmem:$0xD890] =	vst v63  }
0x39: {  	s11 =	simm.s32 $0x100;
	s15 =	simm.s32 $0x1C80  }
0x3a: {  	[tilespmem:s15], [sflag:$0x1] =	stream.indirect.gather [hbm4b:s3+s14], $0x10, s11, s14, $0xb8;
	[tilespmem:$0xD890] =	vst v63  }
0x3b: {  	s11 =	simm.s32 $0x180;
	s15 =	simm.s32 $0x2480  }
0x3c: {  	[tilespmem:s15], [sflag:$0x1] =	stream.indirect.gather [hbm4b:s3+s14], $0x10, s11, s14, $0xb8;
	[tilespmem:$0xD890] =	vst v63  }
0x3d: {  	s11 =	simm.s32 $0x200;
	s15 =	simm.s32 $0x2C80  }
0x3e: {  	[tilespmem:s15], [sflag:$0x1] =	stream.indirect.gather [hbm4b:s3+s14], $0x10, s11, s14, $0xb8;
	[tilespmem:$0xD890] =	vst v63  }
0x3f: {  	s11 =	simm.s32 $0x280;
	s15 =	simm.s32 $0x3480  }
0x40: {  	[tilespmem:s15], [sflag:$0x1] =	stream.indirect.gather [hbm4b:s3+s14], $0x10, s11, s14, $0xb8;
	[tilespmem:$0xD890] =	vst v63  }
0x41: {  	s11 =	simm.s32 $0x300;
	s15 =	simm.s32 $0x3C80  }
0x42: {  	[tilespmem:s15], [sflag:$0x1] =	stream.indirect.gather [hbm4b:s3+s14], $0x10, s11, s14, $0xb8;
	[tilespmem:$0xD890] =	vst v63  }
0x43: {  	s11 =	simm.s32 $0x380;
	s15 =	simm.s32 $0x4480  }
0x44: {  	[tilespmem:s15], [sflag:$0x1] =	stream.indirect.gather [hbm4b:s3+s14], $0x10, s11, s14, $0xb8;
	[tilespmem:$0xD890] =	vst v63  }
0x45: {  	s11 =	simm.s32 $0x400;
	s15 =	simm.s32 $0x4C80  }
0x46: {  	[tilespmem:s15], [sflag:$0x1] =	stream.indirect.gather [hbm4b:s3+s14], $0x10, s11, s14, $0xb8;
	[tilespmem:$0xD890] =	vst v63  }
0x47: {  	s11 =	simm.s32 $0x480;
	s15 =	simm.s32 $0x5480  }
0x48: {  	[tilespmem:s15], [sflag:$0x1] =	stream.indirect.gather [hbm4b:s3+s14], $0x10, s11, s14, $0xb8;
	[tilespmem:$0xD890] =	vst v63  }
0x49: {  	s11 =	simm.s32 $0x500;
	s15 =	simm.s32 $0x5C80  }
0x4a: {  	[tilespmem:s15], [sflag:$0x1] =	stream.indirect.gather [hbm4b:s3+s14], $0x10, s11, s14, $0xb8;
	[tilespmem:$0xD890] =	vst v63  }
0x4b: {  	s11 =	simm.s32 $0x580;
	s15 =	simm.s32 $0x6480  }
0x4c: {  	[tilespmem:s15], [sflag:$0x1] =	stream.indirect.gather [hbm4b:s3+s14], $0x10, s11, s14, $0xb8;
	[tilespmem:$0xD890] =	vst v63  }
0x4d: {  	s11 =	simm.s32 $0x600;
	s15 =	simm.s32 $0x6C80  }
0x4e: {  	[tilespmem:s15], [sflag:$0x1] =	stream.indirect.gather [hbm4b:s3+s14], $0x10, s11, s14, $0xb8;
	[tilespmem:$0xD890] =	vst v63  }
0x4f: {  	s11 =	simm.s32 $0x680;
	s15 =	simm.s32 $0x7480  }
0x50: {  	[tilespmem:s15], [sflag:$0x1] =	stream.indirect.gather [hbm4b:s3+s14], $0x10, s11, s14, $0xb8;
	[tilespmem:$0xD890] =	vst v63  }
0x51: {  	s11 =	simm.s32 $0x700;
	s15 =	simm.s32 $0x7C80  }
0x52: {  	[tilespmem:s15], [sflag:$0x1] =	stream.indirect.gather [hbm4b:s3+s14], $0x10, s11, s14, $0xb8;
	[tilespmem:$0xD890] =	vst v63  }
0x53: {  	_ = 	snop  }
0x54: {  	[tilespmem:s18], [sflag:$0x1] =	stream.indirect.gather [hbm4b:s3+s14], $0x10, s17, s14, $0xb8;
	[tilespmem:$0xD890] =	vst v63  }
0x55: {  	_ = 	snop  }
0x56: {  	[tilespmem:s20], [sflag:$0x1] =	stream.indirect.gather [hbm4b:s3+s14], $0x10, s19, s14, $0xb8;
	[tilespmem:$0xD890] =	vst v63  }
0x57: {  	_ = 	snop  }
0x58: {  	[tilespmem:s22], [sflag:$0x1] =	stream.indirect.gather [hbm4b:s3+s14], $0x10, s21, s14, $0xb8;
	[tilespmem:$0xD890] =	vst v63  }
0x59: {  	_ = 	snop  }
0x5a: {  	[tilespmem:s24], [sflag:$0x1] =	stream.indirect.gather [hbm4b:s3+s14], $0x10, s23, s14, $0xb8;
	[tilespmem:$0xD890] =	vst v63  }
0x5b: {  	_ = 	snop  }
0x5c: {  	[tilespmem:s26], [sflag:$0x1] =	stream.indirect.gather [hbm4b:s3+s14], $0x10, s25, s14, $0xb8;
	[tilespmem:$0xD890] =	vst v63  }
0x5d: {  	_ = 	snop  }
0x5e: {  	[tilespmem:s29], [sflag:$0x1] =	stream.indirect.gather [hbm4b:s3+s14], $0x10, s28, s14, $0xb8;
	[tilespmem:$0xD890] =	vst v63  }
0x5f: {  	_ = 	snop  }
0x60: {  	[tilespmem:s31], [sflag:$0x1] =	stream.indirect.gather [hbm4b:s3+s14], $0x10, s30, s14, $0xb8;
	[tilespmem:$0xD890] =	vst v63  }
0x61: {  	_ = 	snop  }
0x62: {  	[tilespmem:s2], [sflag:$0x1] =	stream.indirect.gather [hbm4b:s3+s14], $0x10, s0, s14, $0xb8;
	[tilespmem:$0xD890] =	vst v63  }
0x63: {  	_ = 	snop  }
0x64: {  	[tilespmem:s12], [sflag:$0x1] =	stream.indirect.gather [hbm4b:s3+s14], $0x10, s10, s14, $0xb8;
	[tilespmem:$0xD890] =	vst v63  }
0x65: {  	_ = 	snop  }
0x66: {  	[tilespmem:s6], [sflag:$0x1] =	stream.indirect.gather [hbm4b:s3+s14], $0x10, s5, s14, $0xb8;
	[tilespmem:$0xD890] =	vst v63  }
0x67: {  	_ =	swait.ge [sflag:s8], $0x800  }
0x68: {  	[sflag:s8] =	ssyncset.done $0x0  }
0x69: {  	[sflag:s8] =	ssyncadd.s32 $0xFFFFF800  }
0x6a: {  	_ =	swait.ge [sflag:s8], $0x800  }
0x6b: {  	[sflag:s8] =	ssyncset.done $0x0  }
0x6c: {  	[sflag:s8] =	ssyncadd.s32 $0xFFFFF800  }
0x6d: {  	_ =	swait.ge [sflag:s8], $0x800  }
0x6e: {  	[sflag:s8] =	ssyncset.done $0x0  }
0x6f: {  	[sflag:s8] =	ssyncadd.s32 $0xFFFFF800  }
0x70: {  	_ =	swait.ge [sflag:s8], $0x800  }
0x71: {  	[sflag:s8] =	ssyncset.done $0x0  }
0x72: {  	[sflag:s8] =	ssyncadd.s32 $0xFFFFF800  }
0x73: {  	_ =	swait.ge [sflag:s8], $0x800  }
0x74: {  	[sflag:s8] =	ssyncset.done $0x0  }
0x75: {  	[sflag:s8] =	ssyncadd.s32 $0xFFFFF800  }
0x76: {  	_ =	swait.ge [sflag:s8], $0x800  }
0x77: {  	[sflag:s8] =	ssyncset.done $0x0  }
0x78: {  	[sflag:s8] =	ssyncadd.s32 $0xFFFFF800  }
0x79: {  	_ =	swait.ge [sflag:s8], $0x800  }
0x7a: {  	[sflag:s8] =	ssyncset.done $0x0  }
0x7b: {  	[sflag:s8] =	ssyncadd.s32 $0xFFFFF800  }
0x7c: {  	_ =	swait.ge [sflag:s8], $0x800  }
0x7d: {  	[sflag:s8] =	ssyncset.done $0x0  }
0x7e: {  	[sflag:s8] =	ssyncadd.s32 $0xFFFFF800  }
0x7f: {  	_ =	swait.ge [sflag:s8], $0x800  }
0x80: {  	[sflag:s8] =	ssyncset.done $0x0  }
0x81: {  	[sflag:s8] =	ssyncadd.s32 $0xFFFFF800  }
0x82: {  	_ =	swait.ge [sflag:s8], $0x800  }
0x83: {  	[sflag:s8] =	ssyncset.done $0x0  }
0x84: {  	[sflag:s8] =	ssyncadd.s32 $0xFFFFF800  }
0x85: {  	_ =	swait.ge [sflag:s8], $0x800  }
0x86: {  	[sflag:s8] =	ssyncset.done $0x0  }
0x87: {  	[sflag:s8] =	ssyncadd.s32 $0xFFFFF800  }
0x88: {  	_ =	swait.ge [sflag:s8], $0x800  }
0x89: {  	[sflag:s8] =	ssyncset.done $0x0  }
0x8a: {  	[sflag:s8] =	ssyncadd.s32 $0xFFFFF800  }
0x8b: {  	_ =	swait.ge [sflag:s8], $0x800  }
0x8c: {  	[sflag:s8] =	ssyncset.done $0x0  }
0x8d: {  	[sflag:s8] =	ssyncadd.s32 $0xFFFFF800  }
0x8e: {  	_ =	swait.ge [sflag:s8], $0x800  }
0x8f: {  	[sflag:s8] =	ssyncset.done $0x0  }
0x90: {  	[sflag:s8] =	ssyncadd.s32 $0xFFFFF800  }
0x91: {  	_ =	swait.ge [sflag:s8], $0x800  }
0x92: {  	[sflag:s8] =	ssyncset.done $0x0  }
0x93: {  	[sflag:s8] =	ssyncadd.s32 $0xFFFFF800  }
0x94: {  	_ =	swait.ge [sflag:s8], $0x800  }
0x95: {  	[sflag:s8] =	ssyncset.done $0x0  }
0x96: {  	[sflag:s8] =	ssyncadd.s32 $0xFFFFF800  }
0x97: {  	_ =	swait.ge [sflag:s8], $0x800  }
0x98: {  	[sflag:s8] =	ssyncset.done $0x0  }
0x99: {  	[sflag:s8] =	ssyncadd.s32 $0xFFFFF800  }
0x9a: {  	_ =	swait.ge [sflag:s8], $0x800  }
0x9b: {  	[sflag:s8] =	ssyncset.done $0x0  }
0x9c: {  	[sflag:s8] =	ssyncadd.s32 $0xFFFFF800  }
0x9d: {  	_ =	swait.ge [sflag:s8], $0x800  }
0x9e: {  	[sflag:s8] =	ssyncset.done $0x0  }
0x9f: {  	[sflag:s8] =	ssyncadd.s32 $0xFFFFF800  }
0xa0: {  	_ =	swait.ge [sflag:s8], $0x800  }
0xa1: {  	[sflag:s8] =	ssyncset.done $0x0  }
0xa2: {  	[sflag:s8] =	ssyncadd.s32 $0xFFFFF800  }
0xa3: {  	_ =	swait.ge [sflag:s8], $0x800  }
0xa4: {  	[sflag:s8] =	ssyncset.done $0x0  }
0xa5: {  	[sflag:s8] =	ssyncadd.s32 $0xFFFFF800  }
0xa6: {  	_ =	swait.ge [sflag:s8], $0x800  }
0xa7: {  	[sflag:s8] =	ssyncset.done $0x0  }
0xa8: {  	[sflag:s8] =	ssyncadd.s32 $0xFFFFF800  }
0xa9: {  	_ =	swait.ge [sflag:s8], $0x800  }
0xaa: {  	[sflag:s8] =	ssyncset.done $0x0  }
0xab: {  	[sflag:s8] =	ssyncadd.s32 $0xFFFFF800  }
0xac: {  	_ =	swait.ge [sflag:s8], $0x800  }
0xad: {  	[sflag:s8] =	ssyncset.done $0x0  }
0xae: {  	[sflag:s8] =	ssyncadd.s32 $0xFFFFF800  }
0xaf: {  	_ =	swait.ge [sflag:s8], $0x800  }
0xb0: {  	[sflag:s8] =	ssyncset.done $0x0  }
0xb1: {  	s11 =	simm.s32 $0x0;
	[sflag:s8] =	ssyncadd.s32 $0xFFFFF800  }
0xb2: {  	v27 =	vld [tilespmem:s11+$0xCC0]  }
0xb3: {  	v26 =	vld [tilespmem:s11+$0xCD0]  }
0xb4: {  	v28 =	vld [tilespmem:s11+$0xC80]  }
0xb5: {  	v31 =	vimm.f32 $0.0e+00;
	v29 =	vld [tilespmem:s11+$0xC90]  }
0xb6: {  	v32 =	vimm.f32 $0.0e+00;
	v33 =	vimm.f32 $0.0e+00;
	v34 =	vimm.f32 $0.0e+00;
	s15 =	simm.s32 $0x200;
	v30 =	vld [tilespmem:s11+$0xCA0]  }
.LBB2_3:
0xb7: {  	p0 =	sne.s32 s15, $0x3000;
	v35 =	vld [tilespmem:s11+$0xCB0];
	v36 =	vmov v27  }
0xb8: {  	v37 =	vld [tilespmem:s11+$0xCE0];
	v38 =	vmov v26  }
0xb9: {  	v39 =	vld [tilespmem:s11+$0xCF0];
	s11 =	sshra.s32 s15, $0x2  }
.Ltmp0:
0xba: {  	v27 =	vld [tilespmem:s11+$0xCC0];
	(pc) =	sbr.rel @p0 .LBB2_3-.Ltmp0, $4  }
0xbb: {  	v31 =	vadd.f32 v28, v31;
	v32 =	vadd.f32 v29, v32;
	v26 =	vld [tilespmem:s11+$0xCD0]  }
0xbc: {  	v33 =	vadd.f32 v30, v33;
	v28 =	vld [tilespmem:s11+$0xC80];
	v34 =	vadd.f32 v35, v34  }
0xbd: {  	v31 =	vadd.f32 v36, v31;
	v32 =	vadd.f32 v38, v32;
	v29 =	vld [tilespmem:s11+$0xC90]  }
0xbe: {  	s15 =	sadd.s32 $0x200, s15;
	v33 =	vadd.f32 v37, v33;
	v30 =	vld [tilespmem:s11+$0xCA0];
	v34 =	vadd.f32 v39, v34  }
0xbf: {  	v35 =	vld [tilespmem:s11+$0xCB0]  }
0xc0: {  	v36 =	vld [tilespmem:s11+$0xCE0]  }
0xc1: {  	v37 =	vld [tilespmem:s11+$0xCF0];
	_ =	sdelay $0x1  }
0xc2: {  	v28 =	vadd.f32 v28, v31;
	v29 =	vadd.f32 v29, v32  }
0xc3: {  	v30 =	vadd.f32 v30, v33;
	v31 =	vadd.f32 v35, v34  }
0xc4: {  	v27 =	vadd.f32 v27, v28;
	v26 =	vadd.f32 v26, v29  }
0xc5: {  	v28 =	vadd.f32 v36, v30;
	v29 =	vadd.f32 v37, v31;
	_ =	sdelay $0x1  }
0xc6: {  	v26 =	vadd.f32 v26, v27;
	v27 =	vadd.f32 v29, v28;
	_ =	sdelay $0x1  }
0xc7: {  	v26 =	vadd.f32 v27, v26;
	_ =	sdelay $0x1  }
0xc8: {  	s11 =	simm.s32 $0x0;
	[tilespmem:v0+s9+$0x0] =	vst.idx.msk $0xffff, v26  }
0xc9: {  	v27 =	vld [tilespmem:s11+$0x1940]  }
0xca: {  	v26 =	vld [tilespmem:s11+$0x1950]  }
0xcb: {  	v28 =	vld [tilespmem:s11+$0x1900]  }
0xcc: {  	v32 =	vimm.f32 $0.0e+00;
	v29 =	vld [tilespmem:s11+$0x1910]  }
0xcd: {  	s15 =	simm.s32 $0x200;
	v33 =	vimm.f32 $0.0e+00;
	v34 =	vimm.f32 $0.0e+00;
	v31 =	vimm.f32 $0.0e+00;
	v30 =	vld [tilespmem:s11+$0x1920]  }
.LBB2_5:
0xce: {  	p0 =	sne.s32 s15, $0x3000;
	v35 =	vld [tilespmem:s11+$0x1930];
	v36 =	vmov v27  }
0xcf: {  	v37 =	vld [tilespmem:s11+$0x1960];
	v38 =	vmov v26  }
0xd0: {  	v39 =	vld [tilespmem:s11+$0x1970];
	s11 =	sshra.s32 s15, $0x2  }
.Ltmp1:
0xd1: {  	v27 =	vld [tilespmem:s11+$0x1940];
	(pc) =	sbr.rel @p0 .LBB2_5-.Ltmp1, $4  }
0xd2: {  	v31 =	vadd.f32 v28, v31;
	v32 =	vadd.f32 v29, v32;
	v26 =	vld [tilespmem:s11+$0x1950]  }
0xd3: {  	v33 =	vadd.f32 v30, v33;
	v28 =	vld [tilespmem:s11+$0x1900];
	v34 =	vadd.f32 v35, v34  }
0xd4: {  	v31 =	vadd.f32 v36, v31;
	v32 =	vadd.f32 v38, v32;
	v29 =	vld [tilespmem:s11+$0x1910]  }
0xd5: {  	s15 =	sadd.s32 $0x200, s15;
	v33 =	vadd.f32 v37, v33;
	v30 =	vld [tilespmem:s11+$0x1920];
	v34 =	vadd.f32 v39, v34  }
0xd6: {  	v35 =	vld [tilespmem:s11+$0x1930]  }
0xd7: {  	v36 =	vld [tilespmem:s11+$0x1960]  }
0xd8: {  	v37 =	vld [tilespmem:s11+$0x1970];
	_ =	sdelay $0x1  }
0xd9: {  	v28 =	vadd.f32 v28, v31;
	v29 =	vadd.f32 v29, v32  }
0xda: {  	v30 =	vadd.f32 v30, v33;
	v31 =	vadd.f32 v35, v34  }
0xdb: {  	v27 =	vadd.f32 v27, v28;
	v26 =	vadd.f32 v26, v29  }
0xdc: {  	v28 =	vadd.f32 v36, v30;
	v29 =	vadd.f32 v37, v31;
	_ =	sdelay $0x1  }
0xdd: {  	v26 =	vadd.f32 v26, v27;
	v27 =	vadd.f32 v29, v28;
	_ =	sdelay $0x1  }
0xde: {  	v26 =	vadd.f32 v27, v26;
	_ =	sdelay $0x1  }
0xdf: {  	s11 =	simm.s32 $0x0;
	[tilespmem:v1+s9+$0x0] =	vst.idx.msk $0xffff, v26  }
0xe0: {  	v27 =	vld [tilespmem:s11+$0x25C0]  }
0xe1: {  	v26 =	vld [tilespmem:s11+$0x25D0]  }
0xe2: {  	v28 =	vld [tilespmem:s11+$0x2580]  }
0xe3: {  	v32 =	vimm.f32 $0.0e+00;
	v29 =	vld [tilespmem:s11+$0x2590]  }
0xe4: {  	s15 =	simm.s32 $0x200;
	v33 =	vimm.f32 $0.0e+00;
	v34 =	vimm.f32 $0.0e+00;
	v31 =	vimm.f32 $0.0e+00;
	v30 =	vld [tilespmem:s11+$0x25A0]  }
.LBB2_7:
0xe5: {  	p0 =	sne.s32 s15, $0x3000;
	v35 =	vld [tilespmem:s11+$0x25B0];
	v36 =	vmov v27  }
0xe6: {  	v37 =	vld [tilespmem:s11+$0x25E0];
	v38 =	vmov v26  }
0xe7: {  	v39 =	vld [tilespmem:s11+$0x25F0];
	s11 =	sshra.s32 s15, $0x2  }
.Ltmp2:
0xe8: {  	v27 =	vld [tilespmem:s11+$0x25C0];
	(pc) =	sbr.rel @p0 .LBB2_7-.Ltmp2, $4  }
0xe9: {  	v31 =	vadd.f32 v28, v31;
	v32 =	vadd.f32 v29, v32;
	v26 =	vld [tilespmem:s11+$0x25D0]  }
0xea: {  	v33 =	vadd.f32 v30, v33;
	v28 =	vld [tilespmem:s11+$0x2580];
	v34 =	vadd.f32 v35, v34  }
0xeb: {  	v31 =	vadd.f32 v36, v31;
	v32 =	vadd.f32 v38, v32;
	v29 =	vld [tilespmem:s11+$0x2590]  }
0xec: {  	s15 =	sadd.s32 $0x200, s15;
	v33 =	vadd.f32 v37, v33;
	v30 =	vld [tilespmem:s11+$0x25A0];
	v34 =	vadd.f32 v39, v34  }
0xed: {  	v35 =	vld [tilespmem:s11+$0x25B0]  }
0xee: {  	v36 =	vld [tilespmem:s11+$0x25E0]  }
0xef: {  	v37 =	vld [tilespmem:s11+$0x25F0];
	_ =	sdelay $0x1  }
0xf0: {  	v28 =	vadd.f32 v28, v31;
	v29 =	vadd.f32 v29, v32  }
0xf1: {  	v30 =	vadd.f32 v30, v33;
	v31 =	vadd.f32 v35, v34  }
0xf2: {  	v27 =	vadd.f32 v27, v28;
	v26 =	vadd.f32 v26, v29  }
0xf3: {  	v28 =	vadd.f32 v36, v30;
	v29 =	vadd.f32 v37, v31;
	_ =	sdelay $0x1  }
0xf4: {  	v26 =	vadd.f32 v26, v27;
	v27 =	vadd.f32 v29, v28;
	_ =	sdelay $0x1  }
0xf5: {  	v26 =	vadd.f32 v27, v26;
	_ =	sdelay $0x1  }
0xf6: {  	s11 =	simm.s32 $0x0;
	[tilespmem:v2+s9+$0x0] =	vst.idx.msk $0xffff, v26  }
0xf7: {  	v27 =	vld [tilespmem:s11+$0x3240]  }
0xf8: {  	v26 =	vld [tilespmem:s11+$0x3250]  }
0xf9: {  	v28 =	vld [tilespmem:s11+$0x3200]  }
0xfa: {  	v32 =	vimm.f32 $0.0e+00;
	v29 =	vld [tilespmem:s11+$0x3210]  }
0xfb: {  	s15 =	simm.s32 $0x200;
	v33 =	vimm.f32 $0.0e+00;
	v34 =	vimm.f32 $0.0e+00;
	v31 =	vimm.f32 $0.0e+00;
	v30 =	vld [tilespmem:s11+$0x3220]  }
.LBB2_9:
0xfc: {  	p0 =	sne.s32 s15, $0x3000;
	v35 =	vld [tilespmem:s11+$0x3230];
	v36 =	vmov v27  }
0xfd: {  	v37 =	vld [tilespmem:s11+$0x3260];
	v38 =	vmov v26  }
0xfe: {  	v39 =	vld [tilespmem:s11+$0x3270];
	s11 =	sshra.s32 s15, $0x2  }
.Ltmp3:
0xff: {  	v27 =	vld [tilespmem:s11+$0x3240];
	(pc) =	sbr.rel @p0 .LBB2_9-.Ltmp3, $4  }
0x100: {  	v31 =	vadd.f32 v28, v31;
	v32 =	vadd.f32 v29, v32;
	v26 =	vld [tilespmem:s11+$0x3250]  }
0x101: {  	v33 =	vadd.f32 v30, v33;
	v28 =	vld [tilespmem:s11+$0x3200];
	v34 =	vadd.f32 v35, v34  }
0x102: {  	v31 =	vadd.f32 v36, v31;
	v32 =	vadd.f32 v38, v32;
	v29 =	vld [tilespmem:s11+$0x3210]  }
0x103: {  	s15 =	sadd.s32 $0x200, s15;
	v33 =	vadd.f32 v37, v33;
	v30 =	vld [tilespmem:s11+$0x3220];
	v34 =	vadd.f32 v39, v34  }
0x104: {  	v35 =	vld [tilespmem:s11+$0x3230]  }
0x105: {  	v36 =	vld [tilespmem:s11+$0x3260]  }
0x106: {  	v37 =	vld [tilespmem:s11+$0x3270];
	_ =	sdelay $0x1  }
0x107: {  	v28 =	vadd.f32 v28, v31;
	v29 =	vadd.f32 v29, v32  }
0x108: {  	v30 =	vadd.f32 v30, v33;
	v31 =	vadd.f32 v35, v34  }
0x109: {  	v27 =	vadd.f32 v27, v28;
	v26 =	vadd.f32 v26, v29  }
0x10a: {  	v28 =	vadd.f32 v36, v30;
	v29 =	vadd.f32 v37, v31;
	_ =	sdelay $0x1  }
0x10b: {  	v26 =	vadd.f32 v26, v27;
	v27 =	vadd.f32 v29, v28;
	_ =	sdelay $0x1  }
0x10c: {  	v26 =	vadd.f32 v27, v26;
	_ =	sdelay $0x1  }
0x10d: {  	s11 =	simm.s32 $0x0;
	[tilespmem:v3+s9+$0x0] =	vst.idx.msk $0xffff, v26  }
0x10e: {  	v27 =	vld [tilespmem:s11+$0x3EC0]  }
0x10f: {  	v26 =	vld [tilespmem:s11+$0x3ED0]  }
0x110: {  	v28 =	vld [tilespmem:s11+$0x3E80]  }
0x111: {  	v32 =	vimm.f32 $0.0e+00;
	v29 =	vld [tilespmem:s11+$0x3E90]  }
0x112: {  	s15 =	simm.s32 $0x200;
	v33 =	vimm.f32 $0.0e+00;
	v34 =	vimm.f32 $0.0e+00;
	v31 =	vimm.f32 $0.0e+00;
	v30 =	vld [tilespmem:s11+$0x3EA0]  }
.LBB2_11:
0x113: {  	p0 =	sne.s32 s15, $0x3000;
	v35 =	vld [tilespmem:s11+$0x3EB0];
	v36 =	vmov v27  }
0x114: {  	v37 =	vld [tilespmem:s11+$0x3EE0];
	v38 =	vmov v26  }
0x115: {  	v39 =	vld [tilespmem:s11+$0x3EF0];
	s11 =	sshra.s32 s15, $0x2  }
.Ltmp4:
0x116: {  	v27 =	vld [tilespmem:s11+$0x3EC0];
	(pc) =	sbr.rel @p0 .LBB2_11-.Ltmp4, $4  }
0x117: {  	v31 =	vadd.f32 v28, v31;
	v32 =	vadd.f32 v29, v32;
	v26 =	vld [tilespmem:s11+$0x3ED0]  }
0x118: {  	v33 =	vadd.f32 v30, v33;
	v28 =	vld [tilespmem:s11+$0x3E80];
	v34 =	vadd.f32 v35, v34  }
0x119: {  	v31 =	vadd.f32 v36, v31;
	v32 =	vadd.f32 v38, v32;
	v29 =	vld [tilespmem:s11+$0x3E90]  }
0x11a: {  	s15 =	sadd.s32 $0x200, s15;
	v33 =	vadd.f32 v37, v33;
	v30 =	vld [tilespmem:s11+$0x3EA0];
	v34 =	vadd.f32 v39, v34  }
0x11b: {  	v35 =	vld [tilespmem:s11+$0x3EB0]  }
0x11c: {  	v36 =	vld [tilespmem:s11+$0x3EE0]  }
0x11d: {  	v37 =	vld [tilespmem:s11+$0x3EF0];
	_ =	sdelay $0x1  }
0x11e: {  	v28 =	vadd.f32 v28, v31;
	v29 =	vadd.f32 v29, v32  }
0x11f: {  	v30 =	vadd.f32 v30, v33;
	v31 =	vadd.f32 v35, v34  }
0x120: {  	v27 =	vadd.f32 v27, v28;
	v26 =	vadd.f32 v26, v29  }
0x121: {  	v28 =	vadd.f32 v36, v30;
	v29 =	vadd.f32 v37, v31;
	_ =	sdelay $0x1  }
0x122: {  	v26 =	vadd.f32 v26, v27;
	v27 =	vadd.f32 v29, v28;
	_ =	sdelay $0x1  }
0x123: {  	v26 =	vadd.f32 v27, v26;
	_ =	sdelay $0x1  }
0x124: {  	s11 =	simm.s32 $0x0;
	[tilespmem:v4+s9+$0x0] =	vst.idx.msk $0xffff, v26  }
0x125: {  	v27 =	vld [tilespmem:s11+$0x4B40]  }
0x126: {  	v26 =	vld [tilespmem:s11+$0x4B50]  }
0x127: {  	v28 =	vld [tilespmem:s11+$0x4B00]  }
0x128: {  	v32 =	vimm.f32 $0.0e+00;
	v29 =	vld [tilespmem:s11+$0x4B10]  }
0x129: {  	s15 =	simm.s32 $0x200;
	v33 =	vimm.f32 $0.0e+00;
	v34 =	vimm.f32 $0.0e+00;
	v31 =	vimm.f32 $0.0e+00;
	v30 =	vld [tilespmem:s11+$0x4B20]  }
.LBB2_13:
0x12a: {  	p0 =	sne.s32 s15, $0x3000;
	v35 =	vld [tilespmem:s11+$0x4B30];
	v36 =	vmov v27  }
0x12b: {  	v37 =	vld [tilespmem:s11+$0x4B60];
	v38 =	vmov v26  }
0x12c: {  	v39 =	vld [tilespmem:s11+$0x4B70];
	s11 =	sshra.s32 s15, $0x2  }
.Ltmp5:
0x12d: {  	v27 =	vld [tilespmem:s11+$0x4B40];
	(pc) =	sbr.rel @p0 .LBB2_13-.Ltmp5, $4  }
0x12e: {  	v31 =	vadd.f32 v28, v31;
	v32 =	vadd.f32 v29, v32;
	v26 =	vld [tilespmem:s11+$0x4B50]  }
0x12f: {  	v33 =	vadd.f32 v30, v33;
	v28 =	vld [tilespmem:s11+$0x4B00];
	v34 =	vadd.f32 v35, v34  }
0x130: {  	v31 =	vadd.f32 v36, v31;
	v32 =	vadd.f32 v38, v32;
	v29 =	vld [tilespmem:s11+$0x4B10]  }
0x131: {  	s15 =	sadd.s32 $0x200, s15;
	v33 =	vadd.f32 v37, v33;
	v30 =	vld [tilespmem:s11+$0x4B20];
	v34 =	vadd.f32 v39, v34  }
0x132: {  	v35 =	vld [tilespmem:s11+$0x4B30]  }
0x133: {  	v36 =	vld [tilespmem:s11+$0x4B60]  }
0x134: {  	v37 =	vld [tilespmem:s11+$0x4B70];
	_ =	sdelay $0x1  }
0x135: {  	v28 =	vadd.f32 v28, v31;
	v29 =	vadd.f32 v29, v32  }
0x136: {  	v30 =	vadd.f32 v30, v33;
	v31 =	vadd.f32 v35, v34  }
0x137: {  	v27 =	vadd.f32 v27, v28;
	v26 =	vadd.f32 v26, v29  }
0x138: {  	v28 =	vadd.f32 v36, v30;
	v29 =	vadd.f32 v37, v31;
	_ =	sdelay $0x1  }
0x139: {  	v26 =	vadd.f32 v26, v27;
	v27 =	vadd.f32 v29, v28;
	_ =	sdelay $0x1  }
0x13a: {  	v26 =	vadd.f32 v27, v26;
	_ =	sdelay $0x1  }
0x13b: {  	s11 =	simm.s32 $0x0;
	[tilespmem:v5+s9+$0x0] =	vst.idx.msk $0xffff, v26  }
0x13c: {  	v27 =	vld [tilespmem:s11+$0x57C0]  }
0x13d: {  	v26 =	vld [tilespmem:s11+$0x57D0]  }
0x13e: {  	v28 =	vld [tilespmem:s11+$0x5780]  }
0x13f: {  	v32 =	vimm.f32 $0.0e+00;
	v29 =	vld [tilespmem:s11+$0x5790]  }
0x140: {  	s15 =	simm.s32 $0x200;
	v33 =	vimm.f32 $0.0e+00;
	v34 =	vimm.f32 $0.0e+00;
	v31 =	vimm.f32 $0.0e+00;
	v30 =	vld [tilespmem:s11+$0x57A0]  }
.LBB2_15:
0x141: {  	p0 =	sne.s32 s15, $0x3000;
	v35 =	vld [tilespmem:s11+$0x57B0];
	v36 =	vmov v27  }
0x142: {  	v37 =	vld [tilespmem:s11+$0x57E0];
	v38 =	vmov v26  }
0x143: {  	v39 =	vld [tilespmem:s11+$0x57F0];
	s11 =	sshra.s32 s15, $0x2  }
.Ltmp6:
0x144: {  	v27 =	vld [tilespmem:s11+$0x57C0];
	(pc) =	sbr.rel @p0 .LBB2_15-.Ltmp6, $4  }
0x145: {  	v31 =	vadd.f32 v28, v31;
	v32 =	vadd.f32 v29, v32;
	v26 =	vld [tilespmem:s11+$0x57D0]  }
0x146: {  	v33 =	vadd.f32 v30, v33;
	v28 =	vld [tilespmem:s11+$0x5780];
	v34 =	vadd.f32 v35, v34  }
0x147: {  	v31 =	vadd.f32 v36, v31;
	v32 =	vadd.f32 v38, v32;
	v29 =	vld [tilespmem:s11+$0x5790]  }
0x148: {  	s15 =	sadd.s32 $0x200, s15;
	v33 =	vadd.f32 v37, v33;
	v30 =	vld [tilespmem:s11+$0x57A0];
	v34 =	vadd.f32 v39, v34  }
0x149: {  	v35 =	vld [tilespmem:s11+$0x57B0]  }
0x14a: {  	v36 =	vld [tilespmem:s11+$0x57E0]  }
0x14b: {  	v37 =	vld [tilespmem:s11+$0x57F0];
	_ =	sdelay $0x1  }
0x14c: {  	v28 =	vadd.f32 v28, v31;
	v29 =	vadd.f32 v29, v32  }
0x14d: {  	v30 =	vadd.f32 v30, v33;
	v31 =	vadd.f32 v35, v34  }
0x14e: {  	v27 =	vadd.f32 v27, v28;
	v26 =	vadd.f32 v26, v29  }
0x14f: {  	v28 =	vadd.f32 v36, v30;
	v29 =	vadd.f32 v37, v31;
	_ =	sdelay $0x1  }
0x150: {  	v26 =	vadd.f32 v26, v27;
	v27 =	vadd.f32 v29, v28;
	_ =	sdelay $0x1  }
0x151: {  	v26 =	vadd.f32 v27, v26;
	_ =	sdelay $0x1  }
0x152: {  	s11 =	simm.s32 $0x0;
	[tilespmem:v6+s9+$0x0] =	vst.idx.msk $0xffff, v26  }
0x153: {  	v27 =	vld [tilespmem:s11+$0x6440]  }
0x154: {  	v26 =	vld [tilespmem:s11+$0x6450]  }
0x155: {  	v28 =	vld [tilespmem:s11+$0x6400]  }
0x156: {  	v32 =	vimm.f32 $0.0e+00;
	v29 =	vld [tilespmem:s11+$0x6410]  }
0x157: {  	s15 =	simm.s32 $0x200;
	v33 =	vimm.f32 $0.0e+00;
	v34 =	vimm.f32 $0.0e+00;
	v31 =	vimm.f32 $0.0e+00;
	v30 =	vld [tilespmem:s11+$0x6420]  }
.LBB2_17:
0x158: {  	p0 =	sne.s32 s15, $0x3000;
	v35 =	vld [tilespmem:s11+$0x6430];
	v36 =	vmov v27  }
0x159: {  	v37 =	vld [tilespmem:s11+$0x6460];
	v38 =	vmov v26  }
0x15a: {  	v39 =	vld [tilespmem:s11+$0x6470];
	s11 =	sshra.s32 s15, $0x2  }
.Ltmp7:
0x15b: {  	v27 =	vld [tilespmem:s11+$0x6440];
	(pc) =	sbr.rel @p0 .LBB2_17-.Ltmp7, $4  }
0x15c: {  	v31 =	vadd.f32 v28, v31;
	v32 =	vadd.f32 v29, v32;
	v26 =	vld [tilespmem:s11+$0x6450]  }
0x15d: {  	v33 =	vadd.f32 v30, v33;
	v28 =	vld [tilespmem:s11+$0x6400];
	v34 =	vadd.f32 v35, v34  }
0x15e: {  	v31 =	vadd.f32 v36, v31;
	v32 =	vadd.f32 v38, v32;
	v29 =	vld [tilespmem:s11+$0x6410]  }
0x15f: {  	s15 =	sadd.s32 $0x200, s15;
	v33 =	vadd.f32 v37, v33;
	v30 =	vld [tilespmem:s11+$0x6420];
	v34 =	vadd.f32 v39, v34  }
0x160: {  	v35 =	vld [tilespmem:s11+$0x6430]  }
0x161: {  	v36 =	vld [tilespmem:s11+$0x6460]  }
0x162: {  	v37 =	vld [tilespmem:s11+$0x6470];
	_ =	sdelay $0x1  }
0x163: {  	v28 =	vadd.f32 v28, v31;
	v29 =	vadd.f32 v29, v32  }
0x164: {  	v30 =	vadd.f32 v30, v33;
	v31 =	vadd.f32 v35, v34  }
0x165: {  	v27 =	vadd.f32 v27, v28;
	v26 =	vadd.f32 v26, v29  }
0x166: {  	v28 =	vadd.f32 v36, v30;
	v29 =	vadd.f32 v37, v31;
	_ =	sdelay $0x1  }
0x167: {  	v26 =	vadd.f32 v26, v27;
	v27 =	vadd.f32 v29, v28;
	_ =	sdelay $0x1  }
0x168: {  	v26 =	vadd.f32 v27, v26;
	_ =	sdelay $0x1  }
0x169: {  	s11 =	simm.s32 $0x0;
	[tilespmem:v7+s9+$0x0] =	vst.idx.msk $0xffff, v26  }
0x16a: {  	v27 =	vld [tilespmem:s11+$0x70C0]  }
0x16b: {  	v26 =	vld [tilespmem:s11+$0x70D0]  }
0x16c: {  	v28 =	vld [tilespmem:s11+$0x7080]  }
0x16d: {  	v32 =	vimm.f32 $0.0e+00;
	v29 =	vld [tilespmem:s11+$0x7090]  }
0x16e: {  	s15 =	simm.s32 $0x200;
	v33 =	vimm.f32 $0.0e+00;
	v34 =	vimm.f32 $0.0e+00;
	v31 =	vimm.f32 $0.0e+00;
	v30 =	vld [tilespmem:s11+$0x70A0]  }
.LBB2_19:
0x16f: {  	p0 =	sne.s32 s15, $0x3000;
	v35 =	vld [tilespmem:s11+$0x70B0];
	v36 =	vmov v27  }
0x170: {  	v37 =	vld [tilespmem:s11+$0x70E0];
	v38 =	vmov v26  }
0x171: {  	v39 =	vld [tilespmem:s11+$0x70F0];
	s11 =	sshra.s32 s15, $0x2  }
.Ltmp8:
0x172: {  	v27 =	vld [tilespmem:s11+$0x70C0];
	(pc) =	sbr.rel @p0 .LBB2_19-.Ltmp8, $4  }
0x173: {  	v31 =	vadd.f32 v28, v31;
	v32 =	vadd.f32 v29, v32;
	v26 =	vld [tilespmem:s11+$0x70D0]  }
0x174: {  	v33 =	vadd.f32 v30, v33;
	v28 =	vld [tilespmem:s11+$0x7080];
	v34 =	vadd.f32 v35, v34  }
0x175: {  	v31 =	vadd.f32 v36, v31;
	v32 =	vadd.f32 v38, v32;
	v29 =	vld [tilespmem:s11+$0x7090]  }
0x176: {  	s15 =	sadd.s32 $0x200, s15;
	v33 =	vadd.f32 v37, v33;
	v30 =	vld [tilespmem:s11+$0x70A0];
	v34 =	vadd.f32 v39, v34  }
0x177: {  	v35 =	vld [tilespmem:s11+$0x70B0]  }
0x178: {  	v36 =	vld [tilespmem:s11+$0x70E0]  }
0x179: {  	v37 =	vld [tilespmem:s11+$0x70F0];
	_ =	sdelay $0x1  }
0x17a: {  	v28 =	vadd.f32 v28, v31;
	v29 =	vadd.f32 v29, v32  }
0x17b: {  	v30 =	vadd.f32 v30, v33;
	v31 =	vadd.f32 v35, v34  }
0x17c: {  	v27 =	vadd.f32 v27, v28;
	v26 =	vadd.f32 v26, v29  }
0x17d: {  	v28 =	vadd.f32 v36, v30;
	v29 =	vadd.f32 v37, v31;
	_ =	sdelay $0x1  }
0x17e: {  	v26 =	vadd.f32 v26, v27;
	v27 =	vadd.f32 v29, v28;
	_ =	sdelay $0x1  }
0x17f: {  	v26 =	vadd.f32 v27, v26;
	_ =	sdelay $0x1  }
0x180: {  	s11 =	simm.s32 $0x0;
	[tilespmem:v8+s9+$0x0] =	vst.idx.msk $0xffff, v26  }
0x181: {  	v27 =	vld [tilespmem:s11+$0x7D40]  }
0x182: {  	v26 =	vld [tilespmem:s11+$0x7D50]  }
0x183: {  	v28 =	vld [tilespmem:s11+$0x7D00]  }
0x184: {  	v32 =	vimm.f32 $0.0e+00;
	v29 =	vld [tilespmem:s11+$0x7D10]  }
0x185: {  	s15 =	simm.s32 $0x200;
	v33 =	vimm.f32 $0.0e+00;
	v34 =	vimm.f32 $0.0e+00;
	v31 =	vimm.f32 $0.0e+00;
	v30 =	vld [tilespmem:s11+$0x7D20]  }
.LBB2_21:
0x186: {  	p0 =	sne.s32 s15, $0x3000;
	v35 =	vld [tilespmem:s11+$0x7D30];
	v36 =	vmov v27  }
0x187: {  	v37 =	vld [tilespmem:s11+$0x7D60];
	v38 =	vmov v26  }
0x188: {  	v39 =	vld [tilespmem:s11+$0x7D70];
	s11 =	sshra.s32 s15, $0x2  }
.Ltmp9:
0x189: {  	v27 =	vld [tilespmem:s11+$0x7D40];
	(pc) =	sbr.rel @p0 .LBB2_21-.Ltmp9, $4  }
0x18a: {  	v31 =	vadd.f32 v28, v31;
	v32 =	vadd.f32 v29, v32;
	v26 =	vld [tilespmem:s11+$0x7D50]  }
0x18b: {  	v33 =	vadd.f32 v30, v33;
	v28 =	vld [tilespmem:s11+$0x7D00];
	v34 =	vadd.f32 v35, v34  }
0x18c: {  	v31 =	vadd.f32 v36, v31;
	v32 =	vadd.f32 v38, v32;
	v29 =	vld [tilespmem:s11+$0x7D10]  }
0x18d: {  	s15 =	sadd.s32 $0x200, s15;
	v33 =	vadd.f32 v37, v33;
	v30 =	vld [tilespmem:s11+$0x7D20];
	v34 =	vadd.f32 v39, v34  }
0x18e: {  	v35 =	vld [tilespmem:s11+$0x7D30]  }
0x18f: {  	v36 =	vld [tilespmem:s11+$0x7D60]  }
0x190: {  	v37 =	vld [tilespmem:s11+$0x7D70];
	_ =	sdelay $0x1  }
0x191: {  	v28 =	vadd.f32 v28, v31;
	v29 =	vadd.f32 v29, v32  }
0x192: {  	v30 =	vadd.f32 v30, v33;
	v31 =	vadd.f32 v35, v34  }
0x193: {  	v27 =	vadd.f32 v27, v28;
	v26 =	vadd.f32 v26, v29  }
0x194: {  	v28 =	vadd.f32 v36, v30;
	v29 =	vadd.f32 v37, v31  }
0x195: {  	v30 =	vor.u32 $0x9, v0  }
0x196: {  	v26 =	vadd.f32 v26, v27;
	v27 =	vadd.f32 v29, v28;
	_ =	sdelay $0x1  }
0x197: {  	v26 =	vadd.f32 v27, v26;
	_ =	sdelay $0x1  }
0x198: {  	s11 =	simm.s32 $0x0;
	[tilespmem:v30+s9+$0x0] =	vst.idx.msk $0xffff, v26  }
0x199: {  	v27 =	vld [tilespmem:s11+$0x89C0]  }
0x19a: {  	v26 =	vld [tilespmem:s11+$0x89D0]  }
0x19b: {  	v28 =	vld [tilespmem:s11+$0x8980]  }
0x19c: {  	v32 =	vimm.f32 $0.0e+00;
	v29 =	vld [tilespmem:s11+$0x8990]  }
0x19d: {  	s15 =	simm.s32 $0x200;
	v33 =	vimm.f32 $0.0e+00;
	v34 =	vimm.f32 $0.0e+00;
	v31 =	vimm.f32 $0.0e+00;
	v30 =	vld [tilespmem:s11+$0x89A0]  }
.LBB2_23:
0x19e: {  	p0 =	sne.s32 s15, $0x3000;
	v35 =	vld [tilespmem:s11+$0x89B0];
	v36 =	vmov v27  }
0x19f: {  	v37 =	vld [tilespmem:s11+$0x89E0];
	v38 =	vmov v26  }
0x1a0: {  	v39 =	vld [tilespmem:s11+$0x89F0];
	s11 =	sshra.s32 s15, $0x2  }
.Ltmp10:
0x1a1: {  	v27 =	vld [tilespmem:s11+$0x89C0];
	(pc) =	sbr.rel @p0 .LBB2_23-.Ltmp10, $4  }
0x1a2: {  	v31 =	vadd.f32 v28, v31;
	v32 =	vadd.f32 v29, v32;
	v26 =	vld [tilespmem:s11+$0x89D0]  }
0x1a3: {  	v33 =	vadd.f32 v30, v33;
	v28 =	vld [tilespmem:s11+$0x8980];
	v34 =	vadd.f32 v35, v34  }
0x1a4: {  	v31 =	vadd.f32 v36, v31;
	v32 =	vadd.f32 v38, v32;
	v29 =	vld [tilespmem:s11+$0x8990]  }
0x1a5: {  	s15 =	sadd.s32 $0x200, s15;
	v33 =	vadd.f32 v37, v33;
	v30 =	vld [tilespmem:s11+$0x89A0];
	v34 =	vadd.f32 v39, v34  }
0x1a6: {  	v35 =	vld [tilespmem:s11+$0x89B0]  }
0x1a7: {  	v36 =	vld [tilespmem:s11+$0x89E0]  }
0x1a8: {  	v37 =	vld [tilespmem:s11+$0x89F0];
	_ =	sdelay $0x1  }
0x1a9: {  	v28 =	vadd.f32 v28, v31;
	v29 =	vadd.f32 v29, v32  }
0x1aa: {  	v30 =	vadd.f32 v30, v33;
	v31 =	vadd.f32 v35, v34  }
0x1ab: {  	v27 =	vadd.f32 v27, v28;
	v26 =	vadd.f32 v26, v29  }
0x1ac: {  	v28 =	vadd.f32 v36, v30;
	v29 =	vadd.f32 v37, v31  }
0x1ad: {  	v30 =	vor.u32 $0xA, v0  }
0x1ae: {  	v26 =	vadd.f32 v26, v27;
	v27 =	vadd.f32 v29, v28;
	_ =	sdelay $0x1  }
0x1af: {  	v26 =	vadd.f32 v27, v26;
	_ =	sdelay $0x1  }
0x1b0: {  	s11 =	simm.s32 $0x0;
	[tilespmem:v30+s9+$0x0] =	vst.idx.msk $0xffff, v26  }
0x1b1: {  	v27 =	vld [tilespmem:s11+$0x9640]  }
0x1b2: {  	v26 =	vld [tilespmem:s11+$0x9650]  }
0x1b3: {  	v28 =	vld [tilespmem:s11+$0x9600]  }
0x1b4: {  	v32 =	vimm.f32 $0.0e+00;
	v29 =	vld [tilespmem:s11+$0x9610]  }
0x1b5: {  	s15 =	simm.s32 $0x200;
	v33 =	vimm.f32 $0.0e+00;
	v34 =	vimm.f32 $0.0e+00;
	v31 =	vimm.f32 $0.0e+00;
	v30 =	vld [tilespmem:s11+$0x9620]  }
.LBB2_25:
0x1b6: {  	p0 =	sne.s32 s15, $0x3000;
	v35 =	vld [tilespmem:s11+$0x9630];
	v36 =	vmov v27  }
0x1b7: {  	v37 =	vld [tilespmem:s11+$0x9660];
	v38 =	vmov v26  }
0x1b8: {  	v39 =	vld [tilespmem:s11+$0x9670];
	s11 =	sshra.s32 s15, $0x2  }
.Ltmp11:
0x1b9: {  	v27 =	vld [tilespmem:s11+$0x9640];
	(pc) =	sbr.rel @p0 .LBB2_25-.Ltmp11, $4  }
0x1ba: {  	v31 =	vadd.f32 v28, v31;
	v32 =	vadd.f32 v29, v32;
	v26 =	vld [tilespmem:s11+$0x9650]  }
0x1bb: {  	v33 =	vadd.f32 v30, v33;
	v28 =	vld [tilespmem:s11+$0x9600];
	v34 =	vadd.f32 v35, v34  }
0x1bc: {  	v31 =	vadd.f32 v36, v31;
	v32 =	vadd.f32 v38, v32;
	v29 =	vld [tilespmem:s11+$0x9610]  }
0x1bd: {  	s15 =	sadd.s32 $0x200, s15;
	v33 =	vadd.f32 v37, v33;
	v30 =	vld [tilespmem:s11+$0x9620];
	v34 =	vadd.f32 v39, v34  }
0x1be: {  	v35 =	vld [tilespmem:s11+$0x9630]  }
0x1bf: {  	v36 =	vld [tilespmem:s11+$0x9660]  }
0x1c0: {  	v37 =	vld [tilespmem:s11+$0x9670];
	_ =	sdelay $0x1  }
0x1c1: {  	v28 =	vadd.f32 v28, v31;
	v29 =	vadd.f32 v29, v32  }
0x1c2: {  	v30 =	vadd.f32 v30, v33;
	v31 =	vadd.f32 v35, v34  }
0x1c3: {  	v27 =	vadd.f32 v27, v28;
	v26 =	vadd.f32 v26, v29  }
0x1c4: {  	v28 =	vadd.f32 v36, v30;
	v29 =	vadd.f32 v37, v31  }
0x1c5: {  	v30 =	vor.u32 $0xB, v0  }
0x1c6: {  	v26 =	vadd.f32 v26, v27;
	v27 =	vadd.f32 v29, v28;
	_ =	sdelay $0x1  }
0x1c7: {  	v26 =	vadd.f32 v27, v26;
	_ =	sdelay $0x1  }
0x1c8: {  	s11 =	simm.s32 $0x0;
	[tilespmem:v30+s9+$0x0] =	vst.idx.msk $0xffff, v26  }
0x1c9: {  	v27 =	vld [tilespmem:s11+$0xA2C0]  }
0x1ca: {  	v26 =	vld [tilespmem:s11+$0xA2D0]  }
0x1cb: {  	v28 =	vld [tilespmem:s11+$0xA280]  }
0x1cc: {  	v32 =	vimm.f32 $0.0e+00;
	v29 =	vld [tilespmem:s11+$0xA290]  }
0x1cd: {  	s15 =	simm.s32 $0x200;
	v33 =	vimm.f32 $0.0e+00;
	v34 =	vimm.f32 $0.0e+00;
	v31 =	vimm.f32 $0.0e+00;
	v30 =	vld [tilespmem:s11+$0xA2A0]  }
.LBB2_27:
0x1ce: {  	p0 =	sne.s32 s15, $0x3000;
	v35 =	vld [tilespmem:s11+$0xA2B0];
	v36 =	vmov v27  }
0x1cf: {  	v37 =	vld [tilespmem:s11+$0xA2E0];
	v38 =	vmov v26  }
0x1d0: {  	v39 =	vld [tilespmem:s11+$0xA2F0];
	s11 =	sshra.s32 s15, $0x2  }
.Ltmp12:
0x1d1: {  	v27 =	vld [tilespmem:s11+$0xA2C0];
	(pc) =	sbr.rel @p0 .LBB2_27-.Ltmp12, $4  }
0x1d2: {  	v31 =	vadd.f32 v28, v31;
	v32 =	vadd.f32 v29, v32;
	v26 =	vld [tilespmem:s11+$0xA2D0]  }
0x1d3: {  	v33 =	vadd.f32 v30, v33;
	v28 =	vld [tilespmem:s11+$0xA280];
	v34 =	vadd.f32 v35, v34  }
0x1d4: {  	v31 =	vadd.f32 v36, v31;
	v32 =	vadd.f32 v38, v32;
	v29 =	vld [tilespmem:s11+$0xA290]  }
0x1d5: {  	s15 =	sadd.s32 $0x200, s15;
	v33 =	vadd.f32 v37, v33;
	v30 =	vld [tilespmem:s11+$0xA2A0];
	v34 =	vadd.f32 v39, v34  }
0x1d6: {  	v35 =	vld [tilespmem:s11+$0xA2B0]  }
0x1d7: {  	v36 =	vld [tilespmem:s11+$0xA2E0]  }
0x1d8: {  	v37 =	vld [tilespmem:s11+$0xA2F0];
	_ =	sdelay $0x1  }
0x1d9: {  	v28 =	vadd.f32 v28, v31;
	v29 =	vadd.f32 v29, v32  }
0x1da: {  	v30 =	vadd.f32 v30, v33;
	v31 =	vadd.f32 v35, v34  }
0x1db: {  	v27 =	vadd.f32 v27, v28;
	v26 =	vadd.f32 v26, v29  }
0x1dc: {  	v28 =	vadd.f32 v36, v30;
	v29 =	vadd.f32 v37, v31  }
0x1dd: {  	v30 =	vor.u32 $0xC, v0  }
0x1de: {  	v26 =	vadd.f32 v26, v27;
	v27 =	vadd.f32 v29, v28;
	_ =	sdelay $0x1  }
0x1df: {  	v26 =	vadd.f32 v27, v26;
	_ =	sdelay $0x1  }
0x1e0: {  	s11 =	simm.s32 $0x0;
	[tilespmem:v30+s9+$0x0] =	vst.idx.msk $0xffff, v26  }
0x1e1: {  	v27 =	vld [tilespmem:s11+$0xAF40]  }
0x1e2: {  	v26 =	vld [tilespmem:s11+$0xAF50]  }
0x1e3: {  	v28 =	vld [tilespmem:s11+$0xAF00]  }
0x1e4: {  	v32 =	vimm.f32 $0.0e+00;
	v29 =	vld [tilespmem:s11+$0xAF10]  }
0x1e5: {  	s15 =	simm.s32 $0x200;
	v33 =	vimm.f32 $0.0e+00;
	v34 =	vimm.f32 $0.0e+00;
	v31 =	vimm.f32 $0.0e+00;
	v30 =	vld [tilespmem:s11+$0xAF20]  }
.LBB2_29:
0x1e6: {  	p0 =	sne.s32 s15, $0x3000;
	v35 =	vld [tilespmem:s11+$0xAF30];
	v36 =	vmov v27  }
0x1e7: {  	v37 =	vld [tilespmem:s11+$0xAF60];
	v38 =	vmov v26  }
0x1e8: {  	v39 =	vld [tilespmem:s11+$0xAF70];
	s11 =	sshra.s32 s15, $0x2  }
.Ltmp13:
0x1e9: {  	v27 =	vld [tilespmem:s11+$0xAF40];
	(pc) =	sbr.rel @p0 .LBB2_29-.Ltmp13, $4  }
0x1ea: {  	v31 =	vadd.f32 v28, v31;
	v32 =	vadd.f32 v29, v32;
	v26 =	vld [tilespmem:s11+$0xAF50]  }
0x1eb: {  	v33 =	vadd.f32 v30, v33;
	v28 =	vld [tilespmem:s11+$0xAF00];
	v34 =	vadd.f32 v35, v34  }
0x1ec: {  	v31 =	vadd.f32 v36, v31;
	v32 =	vadd.f32 v38, v32;
	v29 =	vld [tilespmem:s11+$0xAF10]  }
0x1ed: {  	s15 =	sadd.s32 $0x200, s15;
	v33 =	vadd.f32 v37, v33;
	v30 =	vld [tilespmem:s11+$0xAF20];
	v34 =	vadd.f32 v39, v34  }
0x1ee: {  	v35 =	vld [tilespmem:s11+$0xAF30]  }
0x1ef: {  	v36 =	vld [tilespmem:s11+$0xAF60]  }
0x1f0: {  	v37 =	vld [tilespmem:s11+$0xAF70];
	_ =	sdelay $0x1  }
0x1f1: {  	v28 =	vadd.f32 v28, v31;
	v29 =	vadd.f32 v29, v32  }
0x1f2: {  	v30 =	vadd.f32 v30, v33;
	v31 =	vadd.f32 v35, v34  }
0x1f3: {  	v27 =	vadd.f32 v27, v28;
	v26 =	vadd.f32 v26, v29  }
0x1f4: {  	v28 =	vadd.f32 v36, v30;
	v29 =	vadd.f32 v37, v31  }
0x1f5: {  	v30 =	vor.u32 $0xD, v0  }
0x1f6: {  	v26 =	vadd.f32 v26, v27;
	v27 =	vadd.f32 v29, v28;
	_ =	sdelay $0x1  }
0x1f7: {  	v26 =	vadd.f32 v27, v26;
	_ =	sdelay $0x1  }
0x1f8: {  	s11 =	simm.s32 $0x0;
	[tilespmem:v30+s9+$0x0] =	vst.idx.msk $0xffff, v26  }
0x1f9: {  	v27 =	vld [tilespmem:s11+$0xBBC0]  }
0x1fa: {  	v26 =	vld [tilespmem:s11+$0xBBD0]  }
0x1fb: {  	v28 =	vld [tilespmem:s11+$0xBB80]  }
0x1fc: {  	v32 =	vimm.f32 $0.0e+00;
	v29 =	vld [tilespmem:s11+$0xBB90]  }
0x1fd: {  	s15 =	simm.s32 $0x200;
	v33 =	vimm.f32 $0.0e+00;
	v34 =	vimm.f32 $0.0e+00;
	v31 =	vimm.f32 $0.0e+00;
	v30 =	vld [tilespmem:s11+$0xBBA0]  }
.LBB2_31:
0x1fe: {  	p0 =	sne.s32 s15, $0x3000;
	v35 =	vld [tilespmem:s11+$0xBBB0];
	v36 =	vmov v27  }
0x1ff: {  	v37 =	vld [tilespmem:s11+$0xBBE0];
	v38 =	vmov v26  }
0x200: {  	v39 =	vld [tilespmem:s11+$0xBBF0];
	s11 =	sshra.s32 s15, $0x2  }
.Ltmp14:
0x201: {  	v27 =	vld [tilespmem:s11+$0xBBC0];
	(pc) =	sbr.rel @p0 .LBB2_31-.Ltmp14, $4  }
0x202: {  	v31 =	vadd.f32 v28, v31;
	v32 =	vadd.f32 v29, v32;
	v26 =	vld [tilespmem:s11+$0xBBD0]  }
0x203: {  	v33 =	vadd.f32 v30, v33;
	v28 =	vld [tilespmem:s11+$0xBB80];
	v34 =	vadd.f32 v35, v34  }
0x204: {  	v31 =	vadd.f32 v36, v31;
	v32 =	vadd.f32 v38, v32;
	v29 =	vld [tilespmem:s11+$0xBB90]  }
0x205: {  	s15 =	sadd.s32 $0x200, s15;
	v33 =	vadd.f32 v37, v33;
	v30 =	vld [tilespmem:s11+$0xBBA0];
	v34 =	vadd.f32 v39, v34  }
0x206: {  	v35 =	vld [tilespmem:s11+$0xBBB0]  }
0x207: {  	v36 =	vld [tilespmem:s11+$0xBBE0]  }
0x208: {  	v37 =	vld [tilespmem:s11+$0xBBF0];
	_ =	sdelay $0x1  }
0x209: {  	v28 =	vadd.f32 v28, v31;
	v29 =	vadd.f32 v29, v32  }
0x20a: {  	v30 =	vadd.f32 v30, v33;
	v31 =	vadd.f32 v35, v34  }
0x20b: {  	v27 =	vadd.f32 v27, v28;
	v26 =	vadd.f32 v26, v29  }
0x20c: {  	v28 =	vadd.f32 v36, v30;
	v29 =	vadd.f32 v37, v31  }
0x20d: {  	v30 =	vor.u32 $0xE, v0  }
0x20e: {  	v26 =	vadd.f32 v26, v27;
	v27 =	vadd.f32 v29, v28;
	_ =	sdelay $0x1  }
0x20f: {  	v26 =	vadd.f32 v27, v26;
	_ =	sdelay $0x1  }
0x210: {  	s11 =	simm.s32 $0x0;
	[tilespmem:v30+s9+$0x0] =	vst.idx.msk $0xffff, v26  }
0x211: {  	v27 =	vld [tilespmem:s11+$0xC840]  }
0x212: {  	v26 =	vld [tilespmem:s11+$0xC850]  }
0x213: {  	v28 =	vld [tilespmem:s11+$0xC800]  }
0x214: {  	v32 =	vimm.f32 $0.0e+00;
	v29 =	vld [tilespmem:s11+$0xC810]  }
0x215: {  	s15 =	simm.s32 $0x200;
	v33 =	vimm.f32 $0.0e+00;
	v34 =	vimm.f32 $0.0e+00;
	v31 =	vimm.f32 $0.0e+00;
	v30 =	vld [tilespmem:s11+$0xC820]  }
.LBB2_33:
0x216: {  	p0 =	sne.s32 s15, $0x3000;
	v35 =	vld [tilespmem:s11+$0xC830];
	v36 =	vmov v27  }
0x217: {  	v37 =	vld [tilespmem:s11+$0xC860];
	v38 =	vmov v26  }
0x218: {  	v39 =	vld [tilespmem:s11+$0xC870];
	s11 =	sshra.s32 s15, $0x2  }
.Ltmp15:
0x219: {  	v27 =	vld [tilespmem:s11+$0xC840];
	(pc) =	sbr.rel @p0 .LBB2_33-.Ltmp15, $4  }
0x21a: {  	v31 =	vadd.f32 v28, v31;
	v32 =	vadd.f32 v29, v32;
	v26 =	vld [tilespmem:s11+$0xC850]  }
0x21b: {  	v33 =	vadd.f32 v30, v33;
	v28 =	vld [tilespmem:s11+$0xC800];
	v34 =	vadd.f32 v35, v34  }
0x21c: {  	v31 =	vadd.f32 v36, v31;
	v32 =	vadd.f32 v38, v32;
	v29 =	vld [tilespmem:s11+$0xC810]  }
0x21d: {  	s15 =	sadd.s32 $0x200, s15;
	v33 =	vadd.f32 v37, v33;
	v30 =	vld [tilespmem:s11+$0xC820];
	v34 =	vadd.f32 v39, v34  }
0x21e: {  	v35 =	vld [tilespmem:s11+$0xC830]  }
0x21f: {  	v36 =	vld [tilespmem:s11+$0xC860]  }
0x220: {  	v37 =	vld [tilespmem:s11+$0xC870];
	_ =	sdelay $0x1  }
0x221: {  	v28 =	vadd.f32 v28, v31;
	v29 =	vadd.f32 v29, v32  }
0x222: {  	v30 =	vadd.f32 v30, v33;
	v41 =	vadd.f32 v35, v34  }
0x223: {  	v27 =	vadd.f32 v27, v28;
	v26 =	vadd.f32 v26, v29  }
0x224: {  	v42 =	vadd.f32 v36, v30;
	v43 =	vadd.f32 v37, v41  }
0x225: {  	v44 =	vor.u32 $0xF, v0  }
0x226: {  	v26 =	vadd.f32 v26, v27;
	v27 =	vadd.f32 v43, v42;
	_ =	sdelay $0x1  }
0x227: {  	v26 =	vadd.f32 v27, v26;
	_ =	sdelay $0x1  }
0x228: {  	[tilespmem:v44+s9+$0x0] =	vst.idx.msk $0xffff, v26  }
0x229: {  	v26 =	vld [tilespmem:$0xD590]  }
0x22a: {  	v27 =	vld [tilespmem:$0xD5A0]  }
0x22b: {  	v45 =	vld [tilespmem:$0xD5B0]  }
0x22c: {  	v46 =	vld [tilespmem:$0xD5C0]  }
0x22d: {  	v30 =	vld [tilespmem:$0xD5D0]  }
0x22e: {  	v47 =	vld [tilespmem:$0xD5E0]  }
0x22f: {  	v48 =	vld [tilespmem:$0xD5F0]  }
0x230: {  	v49 =	vld [tilespmem:$0xD600]  }
0x231: {  	v50 =	vld [tilespmem:$0xD610]  }
0x232: {  	v51 =	vld [tilespmem:$0xD620]  }
0x233: {  	v52 =	vld [tilespmem:$0xD630];
	v26 =	vmul.f32 v26, v9;
	v27 =	vmul.f32 v27, v10  }
0x234: {  	v53 =	vld [tilespmem:$0xD640];
	v28 =	vmul.f32 v45, v11;
	v29 =	vmul.f32 v46, v12  }
0x235: {  	v38 =	vld [tilespmem:$0xD650];
	v30 =	vmul.f32 v30, v13;
	v31 =	vmul.f32 v47, v14  }
0x236: {  	v39 =	vld [tilespmem:$0xD660];
	v54 =	vmul.f32 v48, v15;
	v55 =	vmul.f32 v49, v16  }
0x237: {  	v40 =	vld [tilespmem:$0xD670];
	v57 =	vmul.f32 v50, v17;
	v58 =	vmul.f32 v51, v18  }
0x238: {  	v56 =	vld [tilespmem:$0xD680];
	v59 =	vmul.f32 v52, v19;
	v26 =	vadd.f32 $0.0e+00, v26;
	v27 =	vadd.f32 $0.0e+00, v27  }
0x239: {  	v60 =	vmul.f32 v53, v20;
	v28 =	vadd.f32 $0.0e+00, v28;
	v29 =	vadd.f32 $0.0e+00, v29  }
0x23a: {  	v61 =	vmul.f32 v38, v21;
	v26 =	vadd.f32 v30, v26;
	v27 =	vadd.f32 v31, v27  }
0x23b: {  	v62 =	vmul.f32 v39, v22;
	v28 =	vadd.f32 v54, v28;
	v29 =	vadd.f32 v55, v29  }
0x23c: {  	v63 =	vmul.f32 v40, v23;
	v26 =	vadd.f32 v57, v26;
	v27 =	vadd.f32 v58, v27  }
0x23d: {  	v33 =	vmul.f32 v56, v24;
	v28 =	vadd.f32 v59, v28;
	v29 =	vadd.f32 v60, v29  }
0x23e: {  	v26 =	vadd.f32 v61, v26;
	v27 =	vadd.f32 v62, v27  }
0x23f: {  	v28 =	vadd.f32 v63, v28;
	v29 =	vadd.f32 v33, v29;
	_ =	sdelay $0x1  }
0x240: {  	v26 =	vadd.f32 v27, v26;
	v27 =	vadd.f32 v29, v28;
	_ =	sdelay $0x1  }
0x241: {  	v26 =	vadd.f32 v27, v26;
	_ =	sdelay $0x1  }
0x242: {  	v26 =	vmul.f32 $4.999999890e-03, v26;
	_ =	sdelay $0x1  }
0x243: {  	v26 =	vadd.f32 v26, v25;
	_ =	sdelay $0x1  }
0x244: {  	v26 =	vsub.f32 $0.0e+00, v26;
	_ =	sdelay $0x1  }
0x245: {  	v26 =	vmul.f32 $1.442695020e+00, v26;
	_ =	sdelay $0x1  }
0x246: {  	(erf) = vpow2.f32 v26;
	_ =	sdelay $0x8  }
0x247: {  	v26 =	vpop (erf)  }
0x248: {  	v26 =	vadd.f32 $1.000000000e+00, v26;
	_ =	sdelay $0x1  }
0x249: {  	(erf) = vrcp.f32 v26;
	_ =	sdelay $0x8  }
0x24a: {  	v26 =	vpop (erf)  }
0x24b: {  	v26 =	vmul.f32 $1.000000000e+04, v26;
	_ =	sdelay $0x1  }
0x24c: {  	s15 =	sshll.u32 s1, $0x4;
	s1 =	sadd.s32 $0x1, s1;
	v26 =	vadd.f32 $1.258291200e+07, v26  }
0x24d: {  	p0 =	sne.s32 s1, $0x20  }
.Ltmp16:
0x24e: {  	v26 =	vadd.f32 $-1.258291200e+07, v26;
	(pc) =	sbr.rel @p0 .LBB2_2-.Ltmp16, $4  }
0x24f: {  	_ = 	snop  }
0x250: {  	v26 =	vmul.f32 $9.999999740e-05, v26  }
0x251: {  	s11 =	sand.u32 $0x3FFFFFF0, s15  }
0x252: {  	[tilespmem:s11+$0xD690] =	vst v26  }
0x253: {  	s11 =	simm.s32 $0x0;
	s1 =	rddreg [dreg:$0x5];
	s15 =	simm.s32 $0xD690  }
0x254: {  	[hbm4b:s1+s11] =	stream.linear.scatter [tilespmem:s15], [sflag:$0x3], $0x200, $0x38;
	[tilespmem:$0xD890] =	vst v63  }
0x255: {  	s15 =	simm.s32 $0x3  }
0x256: {  	_ =	swait.ge [sflag:s15], $0x200  }
0x257: {  	s16 =	rddreg [dreg:$0x7]  }
0x258: {  	s1 =	rddreg [dreg:$0x6];
	s16 =	sadd.s32 $0x1, s16  }
0x259: {  	p0 =	sne.s32 s16, s1  }
.Ltmp17:
0x25a: {  	_ = 	snop;
	(pc) =	sbr.rel @p0 .LBB2_1-.Ltmp17, $3  }
0x25b: {  	_ =	sdelay $0x1  }
0x25c: {  	[sflag:s15] =	ssyncset.done $0x0  }
0x25d: {  	[sflag:s15] =	ssyncadd.s32 $0xFFFFFE00  }
0x25e: {  	_ =	sfence.sel $0x180000  }
0x25f: {  	[bflag:$0x0] =	sbarrier.arrive $0xFFFF  }
0x260: {  	_ =	strace $0x90000047  }
0x261: {  	s0 =	stileid.u32;
	[bflag:$0x2] =	sbarrier.arrive $0xFFFF  }
0x262: {  	p0 =	sne.s32 s0, $0x0;
	s0 =	rddreg [dreg:$0x2]  }
0x263: {  	s0 =	sadd.s32 @!p0 $0x100000, s0  }
0x264: {  	[sflag:s0] =	ssyncadd.tile.s32 @!p0 $0x1;
	_ =	shalt  }
.Lfunc_end2:
_tile_overlayer_lowered:
.L_overlay_start_2:
0x265: {  	(tag) =	ssettag $0x2  }
0x266: {  	s0 =	rddreg [dreg:$0x0];
	s2 =	stileid.u32  }
0x267: {  	s1 =	rddreg [dreg:$0x1];
	p0 =	sne.s32 s2, $0x0  }
0x268: {  	s3 =	rddreg [dreg:$0x2];
	[bflag:$0x3] =	sbarrier.arrive $0xFFFF;
	s2 =	simm.s32 @!p0 $0x1C03  }
0x269: {  	[timem:s3], [sflag:s2] =	dma.local @!p0 [hbm:s0], s1  }
0x26a: {  	s0 =	simm.s32 @!p0 $0x3  }
0x26b: {  	_ =	swait.ge @!p0 [sflag:s0], s1  }
0x26c: {  	s1 =	ssub.s32 @!p0 $0x0, s1;
	[sflag:s0] =	ssyncset.done @!p0 $0x0  }
0x26d: {  	[sflag:s0] =	ssyncadd.s32 @!p0 s1  }
0x26e: {  	[bflag:$0x3] =	sbarrier.arrive $0xFFFF  }
0x26f: {  	_ =	shalt  }

</sc_bundles>
